<compile_context>
chip_gen: v7x
topology: tpu7x:2x2x1
jax: 0.10.2.dev20260603
libtpu: 0.0.44.dev20260713+nightly
codegen_flags: <defaults>
</compile_context>

<pallas_src>
import functools

import jax
import jax.numpy as jnp
from jax import lax
from jax.experimental import pallas as pl
from jax.experimental.pallas import tpu as pltpu
from jax.experimental.pallas import tpu_sc as plsc

NC = 2
NS = 16
NW = NC * NS
CHUNK = 128
NBUF = 8
K = 4


def _emb_body(table_hbm, idx_hbm, out_hbm, idx_v, rows_v, gsem, wsem):
    wid = lax.axis_index("s") * NC + lax.axis_index("c")
    per_tile = idx_v.shape[0]
    n_chunks = per_tile // CHUNK
    n_outer = n_chunks // NBUF
    pltpu.sync_copy(idx_hbm.at[pl.ds(wid * per_tile, per_tile)], idx_v)

    def step(j, b, first_outer, last_outer):
        pltpu.make_async_copy(
            table_hbm.at[idx_v.at[pl.ds(j * CHUNK, CHUNK)]], rows_v.at[b],
            gsem.at[b]).wait()
        base = (wid * n_chunks + j) * CHUNK
        pltpu.async_copy(rows_v.at[b], out_hbm.at[pl.ds(base, CHUNK)],
                         wsem.at[b])
        if not (last_outer and b >= NBUF - K):
            b2 = (b + K) % NBUF
            if not (first_outer and b < NBUF - K):
                pltpu.make_async_copy(
                    rows_v.at[b2], out_hbm.at[pl.ds(0, CHUNK)],
                    wsem.at[b2]).wait()
            pltpu.async_copy(
                table_hbm.at[idx_v.at[pl.ds((j + K) * CHUNK, CHUNK)]],
                rows_v.at[b2], gsem.at[b2])

    for b in range(K):
        pltpu.async_copy(table_hbm.at[idx_v.at[pl.ds(b * CHUNK, CHUNK)]],
                         rows_v.at[b], gsem.at[b])

    for b in range(NBUF):
        step(b, b, True, False)

    def outer(g, carry):
        for b in range(NBUF):
            step(g * NBUF + b, b, False, False)
        return carry

    lax.fori_loop(1, n_outer - 1, outer, 0)

    for b in range(NBUF):
        step((n_outer - 1) * NBUF + b, b, False, True)

    for b in range(NBUF):
        pltpu.make_async_copy(
            rows_v.at[b], out_hbm.at[pl.ds(0, CHUNK)], wsem.at[b]).wait()


def kernel(input, weight):
    B, F = input.shape
    D = weight.shape[1]
    total = B * F
    idx = input.reshape(total)

    mesh = plsc.VectorSubcoreMesh(core_axis_name="c", subcore_axis_name="s")
    k = functools.partial(
        pl.kernel,
        mesh=mesh,
        compiler_params=pltpu.CompilerParams(use_tc_tiling_on_sc=False),
        out_type=jax.ShapeDtypeStruct((total, D), weight.dtype),
        scratch_types=[
            pltpu.VMEM((total // NW,), jnp.int32),
            pltpu.VMEM((NBUF, CHUNK, D), jnp.float32),
            pltpu.SemaphoreType.DMA((NBUF,)),
            pltpu.SemaphoreType.DMA((NBUF,)),
        ],
    )(_emb_body)
    out = k(weight, idx)
    return out.reshape(B, F, D)

# --- scband reference (transcript-rebuilt; emitter-appended) ---
"""Pipeline reference for scband-embedding-2035814498909 (READ-ONLY COPY).

The authoritative reference and input builder live on the scoring server;
editing this copy changes nothing except your own understanding.
"""

import jax, jax.numpy as jnp
import numpy as np

NUM_EMBEDDINGS = 1000000
EMBEDDING_DIM = 64
BATCH = 16384
FIELDS = 26


def setup_inputs(seed: int = 0) -> dict:
    key = jax.random.key(seed)
    k_idx, k_w = jax.random.split(key)
    input_idx = jax.random.randint(k_idx, (BATCH, FIELDS), 0, NUM_EMBEDDINGS, dtype=jnp.int64 if jax.config.jax_enable_x64 else jnp.int32).astype(jnp.int32)
    weight = jax.random.normal(k_w, (NUM_EMBEDDINGS, EMBEDDING_DIM), dtype=jnp.float32)
    return {"input": input_idx, "weight": weight}


def reference(input, weight):
    # Embedding lookup: gather rows of weight by input indices.
    return jnp.take(weight, input, axis=0)

if __name__ == "__main__":
    import jax
    _d = setup_inputs()
    print(jax.jit(kernel)(*tuple(_d.values())))

</pallas_src>

<mosaic_0001>
#map = affine_map<(d0, d1) -> (0, 0)>
#map1 = affine_map<(d0, d1) -> (0)>
module attributes {stable_mosaic.version = 14 : i64} {
  func.func @_emb_body(%arg0: i32, %arg1: i32, %arg2: memref<1000000x64xf32, #tpu.memory_space<hbm>>, %arg3: memref<425984xi32, #tpu.memory_space<hbm>>, %arg4: memref<425984x64xf32, #tpu.memory_space<hbm>>, %arg5: memref<13312xi32, #tpu.memory_space<vmem>>, %arg6: memref<8x128x64xf32, #tpu.memory_space<vmem>>, %arg7: memref<8x!tpu.dma_semaphore, #tpu.memory_space<semaphore_mem>>, %arg8: memref<8x!tpu.dma_semaphore, #tpu.memory_space<semaphore_mem>>) attributes {dimension_semantics = [#tpu.dimension_semantics<core_parallel>, #tpu.dimension_semantics<subcore_parallel>], iteration_bounds = array<i64: 2, 16>, scalar_prefetch = 0 : i64, scratch_operands = 4 : i64, tpu.core_type = #tpu.core_type<sc_vector_subcore>, window_params = [{transform_indices = #map}, {transform_indices = #map1}, {transform_indices = #map}]} {
    %mul3A = arith.constant 2 : i32
    %mul3A_0 = arith.muli %arg1, %mul3A : i32
    %add3A = arith.addi %mul3A_0, %arg0 : i32
    %mul3A_1 = arith.constant 13312 : i32
    %mul3A_2 = arith.muli %add3A, %mul3A_1 : i32
    "tpu.region"() ({
      %run_scoped3A = tpu.sem_alloc : memref<!tpu.dma_semaphore, #tpu.memory_space<semaphore_mem>>
      %dma_start3A_1062 = tpu.memref_slice %arg3[%mul3A_2] : memref<425984xi32, #tpu.memory_space<hbm>> -> memref<13312xi32, #tpu.memory_space<hbm>>
      %dma_start3A_1063 = tpu.memref_slice %arg3[%mul3A_2] : memref<425984xi32, #tpu.memory_space<hbm>> -> memref<13312xi32, #tpu.memory_space<hbm>>
      tpu.enqueue_dma source(%dma_start3A_1063 : memref<13312xi32, #tpu.memory_space<hbm>>) target(%arg5 : memref<13312xi32, #tpu.memory_space<vmem>>) target_semaphore(%run_scoped3A : memref<!tpu.dma_semaphore, #tpu.memory_space<semaphore_mem>>)
      %dma_wait3A_1064 = tpu.memref_slice %arg3[%mul3A_2] : memref<425984xi32, #tpu.memory_space<hbm>> -> memref<13312xi32, #tpu.memory_space<hbm>>
      %dma_wait3A_1065 = tpu.memref_slice %arg3[%mul3A_2] : memref<425984xi32, #tpu.memory_space<hbm>> -> memref<13312xi32, #tpu.memory_space<hbm>>
      tpu.wait_dma2 semaphore(%run_scoped3A : memref<!tpu.dma_semaphore, #tpu.memory_space<semaphore_mem>>) src(%dma_wait3A_1065 : memref<13312xi32, #tpu.memory_space<hbm>>) dst(%arg5 : memref<13312xi32, #tpu.memory_space<vmem>>)
      tpu.yield
    }) : () -> ()
    %dma_start3A = arith.constant 0 : i32
    %dma_start3A_3 = arith.constant 0 : i32
    %dma_start3A_4 = arith.constant 0 : i32
    %dma_start3A_5 = arith.constant 0 : i32
    %dma_start3A_6 = tpu.memref_slice %arg6[%dma_start3A, %dma_start3A_4, %dma_start3A_5] : memref<8x128x64xf32, #tpu.memory_space<vmem>> -> memref<1x128x64xf32, #tpu.memory_space<vmem>>
    %dma_start3A_7 = tpu.memref_squeeze %dma_start3A_6 : memref<1x128x64xf32, #tpu.memory_space<vmem>> -> memref<128x64xf32, #tpu.memory_space<vmem>>
    %dma_start3A_8 = arith.constant 0 : i32
    %dma_start3A_9 = tpu.memref_slice %arg5[%dma_start3A_8] : memref<13312xi32, #tpu.memory_space<vmem>> -> memref<128xi32, #tpu.memory_space<vmem>>
    %dma_start3A_10 = arith.constant 0 : i32
    %dma_start3A_11 = arith.constant 0 : i32
    %dma_start3A_12 = tpu.memref_slice %arg2[%dma_start3A_10, %dma_start3A_11] : memref<1000000x64xf32, #tpu.memory_space<hbm>> -> memref<1000000x64xf32, #tpu.memory_space<hbm>>
    %dma_start3A_13 = tpu.memref_slice %arg7[%dma_start3A_3] : memref<8x!tpu.dma_semaphore, #tpu.memory_space<semaphore_mem>> -> memref<1x!tpu.dma_semaphore, #tpu.memory_space<semaphore_mem>>
    %dma_start3A_14 = tpu.memref_squeeze %dma_start3A_13 : memref<1x!tpu.dma_semaphore, #tpu.memory_space<semaphore_mem>> -> memref<!tpu.dma_semaphore, #tpu.memory_space<semaphore_mem>>
    tpu.enqueue_indirect_dma source(%dma_start3A_12 : memref<1000000x64xf32, #tpu.memory_space<hbm>>) target(%dma_start3A_7 : memref<128x64xf32, #tpu.memory_space<vmem>>) offsets(%dma_start3A_9 : memref<128xi32, #tpu.memory_space<vmem>>) semaphore(%dma_start3A_14 : memref<!tpu.dma_semaphore, #tpu.memory_space<semaphore_mem>>)
    %dma_start3A_15 = arith.constant 1 : i32
    %dma_start3A_16 = arith.constant 1 : i32
    %dma_start3A_17 = arith.constant 0 : i32
    %dma_start3A_18 = arith.constant 0 : i32
    %dma_start3A_19 = tpu.memref_slice %arg6[%dma_start3A_15, %dma_start3A_17, %dma_start3A_18] : memref<8x128x64xf32, #tpu.memory_space<vmem>> -> memref<1x128x64xf32, #tpu.memory_space<vmem>>
    %dma_start3A_20 = tpu.memref_squeeze %dma_start3A_19 : memref<1x128x64xf32, #tpu.memory_space<vmem>> -> memref<128x64xf32, #tpu.memory_space<vmem>>
    %dma_start3A_21 = arith.constant 128 : i32
    %dma_start3A_22 = tpu.memref_slice %arg5[%dma_start3A_21] : memref<13312xi32, #tpu.memory_space<vmem>> -> memref<128xi32, #tpu.memory_space<vmem>>
    %dma_start3A_23 = arith.constant 0 : i32
    %dma_start3A_24 = arith.constant 0 : i32
    %dma_start3A_25 = tpu.memref_slice %arg2[%dma_start3A_23, %dma_start3A_24] : memref<1000000x64xf32, #tpu.memory_space<hbm>> -> memref<1000000x64xf32, #tpu.memory_space<hbm>>
    %dma_start3A_26 = tpu.memref_slice %arg7[%dma_start3A_16] : memref<8x!tpu.dma_semaphore, #tpu.memory_space<semaphore_mem>> -> memref<1x!tpu.dma_semaphore, #tpu.memory_space<semaphore_mem>>
    %dma_start3A_27 = tpu.memref_squeeze %dma_start3A_26 : memref<1x!tpu.dma_semaphore, #tpu.memory_space<semaphore_mem>> -> memref<!tpu.dma_semaphore, #tpu.memory_space<semaphore_mem>>
    tpu.enqueue_indirect_dma source(%dma_start3A_25 : memref<1000000x64xf32, #tpu.memory_space<hbm>>) target(%dma_start3A_20 : memref<128x64xf32, #tpu.memory_space<vmem>>) offsets(%dma_start3A_22 : memref<128xi32, #tpu.memory_space<vmem>>) semaphore(%dma_start3A_27 : memref<!tpu.dma_semaphore, #tpu.memory_space<semaphore_mem>>)
    %dma_start3A_28 = arith.constant 2 : i32
    %dma_start3A_29 = arith.constant 2 : i32
    %dma_start3A_30 = arith.constant 0 : i32
    %dma_start3A_31 = arith.constant 0 : i32
    %dma_start3A_32 = tpu.memref_slice %arg6[%dma_start3A_28, %dma_start3A_30, %dma_start3A_31] : memref<8x128x64xf32, #tpu.memory_space<vmem>> -> memref<1x128x64xf32, #tpu.memory_space<vmem>>
    %dma_start3A_33 = tpu.memref_squeeze %dma_start3A_32 : memref<1x128x64xf32, #tpu.memory_space<vmem>> -> memref<128x64xf32, #tpu.memory_space<vmem>>
    %dma_start3A_34 = arith.constant 256 : i32
    %dma_start3A_35 = tpu.memref_slice %arg5[%dma_start3A_34] : memref<13312xi32, #tpu.memory_space<vmem>> -> memref<128xi32, #tpu.memory_space<vmem>>
    %dma_start3A_36 = arith.constant 0 : i32
    %dma_start3A_37 = arith.constant 0 : i32
    %dma_start3A_38 = tpu.memref_slice %arg2[%dma_start3A_36, %dma_start3A_37] : memref<1000000x64xf32, #tpu.memory_space<hbm>> -> memref<1000000x64xf32, #tpu.memory_space<hbm>>
    %dma_start3A_39 = tpu.memref_slice %arg7[%dma_start3A_29] : memref<8x!tpu.dma_semaphore, #tpu.memory_space<semaphore_mem>> -> memref<1x!tpu.dma_semaphore, #tpu.memory_space<semaphore_mem>>
    %dma_start3A_40 = tpu.memref_squeeze %dma_start3A_39 : memref<1x!tpu.dma_semaphore, #tpu.memory_space<semaphore_mem>> -> memref<!tpu.dma_semaphore, #tpu.memory_space<semaphore_mem>>
    tpu.enqueue_indirect_dma source(%dma_start3A_38 : memref<1000000x64xf32, #tpu.memory_space<hbm>>) target(%dma_start3A_33 : memref<128x64xf32, #tpu.memory_space<vmem>>) offsets(%dma_start3A_35 : memref<128xi32, #tpu.memory_space<vmem>>) semaphore(%dma_start3A_40 : memref<!tpu.dma_semaphore, #tpu.memory_space<semaphore_mem>>)
    %dma_start3A_41 = arith.constant 3 : i32
    %dma_start3A_42 = arith.constant 3 : i32
    %dma_start3A_43 = arith.constant 0 : i32
    %dma_start3A_44 = arith.constant 0 : i32
    %dma_start3A_45 = tpu.memref_slice %arg6[%dma_start3A_41, %dma_start3A_43, %dma_start3A_44] : memref<8x128x64xf32, #tpu.memory_space<vmem>> -> memref<1x128x64xf32, #tpu.memory_space<vmem>>
    %dma_start3A_46 = tpu.memref_squeeze %dma_start3A_45 : memref<1x128x64xf32, #tpu.memory_space<vmem>> -> memref<128x64xf32, #tpu.memory_space<vmem>>
    %dma_start3A_47 = arith.constant 384 : i32
    %dma_start3A_48 = tpu.memref_slice %arg5[%dma_start3A_47] : memref<13312xi32, #tpu.memory_space<vmem>> -> memref<128xi32, #tpu.memory_space<vmem>>
    %dma_start3A_49 = arith.constant 0 : i32
    %dma_start3A_50 = arith.constant 0 : i32
    %dma_start3A_51 = tpu.memref_slice %arg2[%dma_start3A_49, %dma_start3A_50] : memref<1000000x64xf32, #tpu.memory_space<hbm>> -> memref<1000000x64xf32, #tpu.memory_space<hbm>>
    %dma_start3A_52 = tpu.memref_slice %arg7[%dma_start3A_42] : memref<8x!tpu.dma_semaphore, #tpu.memory_space<semaphore_mem>> -> memref<1x!tpu.dma_semaphore, #tpu.memory_space<semaphore_mem>>
    %dma_start3A_53 = tpu.memref_squeeze %dma_start3A_52 : memref<1x!tpu.dma_semaphore, #tpu.memory_space<semaphore_mem>> -> memref<!tpu.dma_semaphore, #tpu.memory_space<semaphore_mem>>
    tpu.enqueue_indirect_dma source(%dma_start3A_51 : memref<1000000x64xf32, #tpu.memory_space<hbm>>) target(%dma_start3A_46 : memref<128x64xf32, #tpu.memory_space<vmem>>) offsets(%dma_start3A_48 : memref<128xi32, #tpu.memory_space<vmem>>) semaphore(%dma_start3A_53 : memref<!tpu.dma_semaphore, #tpu.memory_space<semaphore_mem>>)
    %dma_wait3A = arith.constant 0 : i32
    %dma_wait3A_54 = arith.constant 0 : i32
    %dma_wait3A_55 = arith.constant 0 : i32
    %dma_wait3A_56 = arith.constant 0 : i32
    %dma_wait3A_57 = tpu.memref_slice %arg6[%dma_wait3A, %dma_wait3A_55, %dma_wait3A_56] : memref<8x128x64xf32, #tpu.memory_space<vmem>> -> memref<1x128x64xf32, #tpu.memory_space<vmem>>
    %dma_wait3A_58 = tpu.memref_squeeze %dma_wait3A_57 : memref<1x128x64xf32, #tpu.memory_space<vmem>> -> memref<128x64xf32, #tpu.memory_space<vmem>>
    %dma_wait3A_59 = arith.constant 0 : i32
    %dma_wait3A_60 = tpu.memref_slice %arg5[%dma_wait3A_59] : memref<13312xi32, #tpu.memory_space<vmem>> -> memref<128xi32, #tpu.memory_space<vmem>>
    %dma_wait3A_61 = arith.constant 0 : i32
    %dma_wait3A_62 = arith.constant 0 : i32
    %dma_wait3A_63 = tpu.memref_slice %arg2[%dma_wait3A_61, %dma_wait3A_62] : memref<1000000x64xf32, #tpu.memory_space<hbm>> -> memref<1000000x64xf32, #tpu.memory_space<hbm>>
    %dma_wait3A_64 = tpu.memref_slice %arg7[%dma_wait3A_54] : memref<8x!tpu.dma_semaphore, #tpu.memory_space<semaphore_mem>> -> memref<1x!tpu.dma_semaphore, #tpu.memory_space<semaphore_mem>>
    %dma_wait3A_65 = tpu.memref_squeeze %dma_wait3A_64 : memref<1x!tpu.dma_semaphore, #tpu.memory_space<semaphore_mem>> -> memref<!tpu.dma_semaphore, #tpu.memory_space<semaphore_mem>>
    tpu.wait_indirect_dma semaphore(%dma_wait3A_65 : memref<!tpu.dma_semaphore, #tpu.memory_space<semaphore_mem>>) src(%dma_wait3A_63 : memref<1000000x64xf32, #tpu.memory_space<hbm>>) dst(%dma_wait3A_58 : memref<128x64xf32, #tpu.memory_space<vmem>>)
    %mul3A_66 = arith.constant 104 : i32
    %mul3A_67 = arith.muli %add3A, %mul3A_66 : i32
    %add3A_68 = arith.constant 0 : i32
    %add3A_69 = arith.addi %mul3A_67, %add3A_68 : i32
    %mul3A_70 = arith.constant 128 : i32
    %mul3A_71 = arith.muli %add3A_69, %mul3A_70 : i32
    %dma_start3A_72 = arith.constant 0 : i32
    %dma_start3A_73 = arith.constant 0 : i32
    %dma_start3A_74 = arith.constant 0 : i32
    %dma_start3A_75 = arith.constant 0 : i32
    %dma_start3A_76 = tpu.memref_slice %arg6[%dma_start3A_72, %dma_start3A_74, %dma_start3A_75] : memref<8x128x64xf32, #tpu.memory_space<vmem>> -> memref<1x128x64xf32, #tpu.memory_space<vmem>>
    %dma_start3A_77 = tpu.memref_squeeze %dma_start3A_76 : memref<1x128x64xf32, #tpu.memory_space<vmem>> -> memref<128x64xf32, #tpu.memory_space<vmem>>
    %dma_start3A_78 = arith.constant 0 : i32
    %dma_start3A_79 = tpu.memref_slice %arg4[%mul3A_71, %dma_start3A_78] : memref<425984x64xf32, #tpu.memory_space<hbm>> -> memref<128x64xf32, #tpu.memory_space<hbm>>
    %dma_start3A_80 = tpu.memref_slice %arg8[%dma_start3A_73] : memref<8x!tpu.dma_semaphore, #tpu.memory_space<semaphore_mem>> -> memref<1x!tpu.dma_semaphore, #tpu.memory_space<semaphore_mem>>
    %dma_start3A_81 = tpu.memref_squeeze %dma_start3A_80 : memref<1x!tpu.dma_semaphore, #tpu.memory_space<semaphore_mem>> -> memref<!tpu.dma_semaphore, #tpu.memory_space<semaphore_mem>>
    %dma_start3A_82 = arith.constant 0 : i32
    %dma_start3A_83 = tpu.memref_slice %arg4[%mul3A_71, %dma_start3A_82] : memref<425984x64xf32, #tpu.memory_space<hbm>> -> memref<128x64xf32, #tpu.memory_space<hbm>>
    %dma_start3A_84 = arith.constant 0 : i32
    %dma_start3A_85 = arith.constant 0 : i32
    %dma_start3A_86 = tpu.memref_slice %arg6[%dma_start3A_72, %dma_start3A_84, %dma_start3A_85] : memref<8x128x64xf32, #tpu.memory_space<vmem>> -> memref<1x128x64xf32, #tpu.memory_space<vmem>>
    %dma_start3A_87 = tpu.memref_squeeze %dma_start3A_86 : memref<1x128x64xf32, #tpu.memory_space<vmem>> -> memref<128x64xf32, #tpu.memory_space<vmem>>
    tpu.enqueue_dma source(%dma_start3A_87 : memref<128x64xf32, #tpu.memory_space<vmem>>) target(%dma_start3A_83 : memref<128x64xf32, #tpu.memory_space<hbm>>) target_semaphore(%dma_start3A_81 : memref<!tpu.dma_semaphore, #tpu.memory_space<semaphore_mem>>)
    %dma_start3A_88 = arith.constant 4 : i32
    %dma_start3A_89 = arith.constant 4 : i32
    %dma_start3A_90 = arith.constant 0 : i32
    %dma_start3A_91 = arith.constant 0 : i32
    %dma_start3A_92 = tpu.memref_slice %arg6[%dma_start3A_88, %dma_start3A_90, %dma_start3A_91] : memref<8x128x64xf32, #tpu.memory_space<vmem>> -> memref<1x128x64xf32, #tpu.memory_space<vmem>>
    %dma_start3A_93 = tpu.memref_squeeze %dma_start3A_92 : memref<1x128x64xf32, #tpu.memory_space<vmem>> -> memref<128x64xf32, #tpu.memory_space<vmem>>
    %dma_start3A_94 = arith.constant 512 : i32
    %dma_start3A_95 = tpu.memref_slice %arg5[%dma_start3A_94] : memref<13312xi32, #tpu.memory_space<vmem>> -> memref<128xi32, #tpu.memory_space<vmem>>
    %dma_start3A_96 = arith.constant 0 : i32
    %dma_start3A_97 = arith.constant 0 : i32
    %dma_start3A_98 = tpu.memref_slice %arg2[%dma_start3A_96, %dma_start3A_97] : memref<1000000x64xf32, #tpu.memory_space<hbm>> -> memref<1000000x64xf32, #tpu.memory_space<hbm>>
    %dma_start3A_99 = tpu.memref_slice %arg7[%dma_start3A_89] : memref<8x!tpu.dma_semaphore, #tpu.memory_space<semaphore_mem>> -> memref<1x!tpu.dma_semaphore, #tpu.memory_space<semaphore_mem>>
    %dma_start3A_100 = tpu.memref_squeeze %dma_start3A_99 : memref<1x!tpu.dma_semaphore, #tpu.memory_space<semaphore_mem>> -> memref<!tpu.dma_semaphore, #tpu.memory_space<semaphore_mem>>
    tpu.enqueue_indirect_dma source(%dma_start3A_98 : memref<1000000x64xf32, #tpu.memory_space<hbm>>) target(%dma_start3A_93 : memref<128x64xf32, #tpu.memory_space<vmem>>) offsets(%dma_start3A_95 : memref<128xi32, #tpu.memory_space<vmem>>) semaphore(%dma_start3A_100 : memref<!tpu.dma_semaphore, #tpu.memory_space<semaphore_mem>>)
    %dma_wait3A_101 = arith.constant 1 : i32
    %dma_wait3A_102 = arith.constant 1 : i32
    %dma_wait3A_103 = arith.constant 0 : i32
    %dma_wait3A_104 = arith.constant 0 : i32
    %dma_wait3A_105 = tpu.memref_slice %arg6[%dma_wait3A_101, %dma_wait3A_103, %dma_wait3A_104] : memref<8x128x64xf32, #tpu.memory_space<vmem>> -> memref<1x128x64xf32, #tpu.memory_space<vmem>>
    %dma_wait3A_106 = tpu.memref_squeeze %dma_wait3A_105 : memref<1x128x64xf32, #tpu.memory_space<vmem>> -> memref<128x64xf32, #tpu.memory_space<vmem>>
    %dma_wait3A_107 = arith.constant 128 : i32
    %dma_wait3A_108 = tpu.memref_slice %arg5[%dma_wait3A_107] : memref<13312xi32, #tpu.memory_space<vmem>> -> memref<128xi32, #tpu.memory_space<vmem>>
    %dma_wait3A_109 = arith.constant 0 : i32
    %dma_wait3A_110 = arith.constant 0 : i32
    %dma_wait3A_111 = tpu.memref_slice %arg2[%dma_wait3A_109, %dma_wait3A_110] : memref<1000000x64xf32, #tpu.memory_space<hbm>> -> memref<1000000x64xf32, #tpu.memory_space<hbm>>
    %dma_wait3A_112 = tpu.memref_slice %arg7[%dma_wait3A_102] : memref<8x!tpu.dma_semaphore, #tpu.memory_space<semaphore_mem>> -> memref<1x!tpu.dma_semaphore, #tpu.memory_space<semaphore_mem>>
    %dma_wait3A_113 = tpu.memref_squeeze %dma_wait3A_112 : memref<1x!tpu.dma_semaphore, #tpu.memory_space<semaphore_mem>> -> memref<!tpu.dma_semaphore, #tpu.memory_space<semaphore_mem>>
    tpu.wait_indirect_dma semaphore(%dma_wait3A_113 : memref<!tpu.dma_semaphore, #tpu.memory_space<semaphore_mem>>) src(%dma_wait3A_111 : memref<1000000x64xf32, #tpu.memory_space<hbm>>) dst(%dma_wait3A_106 : memref<128x64xf32, #tpu.memory_space<vmem>>)
    %mul3A_114 = arith.constant 104 : i32
    %mul3A_115 = arith.muli %add3A, %mul3A_114 : i32
    %add3A_116 = arith.constant 1 : i32
    %add3A_117 = arith.addi %mul3A_115, %add3A_116 : i32
    %mul3A_118 = arith.constant 128 : i32
    %mul3A_119 = arith.muli %add3A_117, %mul3A_118 : i32
    %dma_start3A_120 = arith.constant 1 : i32
    %dma_start3A_121 = arith.constant 1 : i32
    %dma_start3A_122 = arith.constant 0 : i32
    %dma_start3A_123 = arith.constant 0 : i32
    %dma_start3A_124 = tpu.memref_slice %arg6[%dma_start3A_120, %dma_start3A_122, %dma_start3A_123] : memref<8x128x64xf32, #tpu.memory_space<vmem>> -> memref<1x128x64xf32, #tpu.memory_space<vmem>>
    %dma_start3A_125 = tpu.memref_squeeze %dma_start3A_124 : memref<1x128x64xf32, #tpu.memory_space<vmem>> -> memref<128x64xf32, #tpu.memory_space<vmem>>
    %dma_start3A_126 = arith.constant 0 : i32
    %dma_start3A_127 = tpu.memref_slice %arg4[%mul3A_119, %dma_start3A_126] : memref<425984x64xf32, #tpu.memory_space<hbm>> -> memref<128x64xf32, #tpu.memory_space<hbm>>
    %dma_start3A_128 = tpu.memref_slice %arg8[%dma_start3A_121] : memref<8x!tpu.dma_semaphore, #tpu.memory_space<semaphore_mem>> -> memref<1x!tpu.dma_semaphore, #tpu.memory_space<semaphore_mem>>
    %dma_start3A_129 = tpu.memref_squeeze %dma_start3A_128 : memref<1x!tpu.dma_semaphore, #tpu.memory_space<semaphore_mem>> -> memref<!tpu.dma_semaphore, #tpu.memory_space<semaphore_mem>>
    %dma_start3A_130 = arith.constant 0 : i32
    %dma_start3A_131 = tpu.memref_slice %arg4[%mul3A_119, %dma_start3A_130] : memref<425984x64xf32, #tpu.memory_space<hbm>> -> memref<128x64xf32, #tpu.memory_space<hbm>>
    %dma_start3A_132 = arith.constant 0 : i32
    %dma_start3A_133 = arith.constant 0 : i32
    %dma_start3A_134 = tpu.memref_slice %arg6[%dma_start3A_120, %dma_start3A_132, %dma_start3A_133] : memref<8x128x64xf32, #tpu.memory_space<vmem>> -> memref<1x128x64xf32, #tpu.memory_space<vmem>>
    %dma_start3A_135 = tpu.memref_squeeze %dma_start3A_134 : memref<1x128x64xf32, #tpu.memory_space<vmem>> -> memref<128x64xf32, #tpu.memory_space<vmem>>
    tpu.enqueue_dma source(%dma_start3A_135 : memref<128x64xf32, #tpu.memory_space<vmem>>) target(%dma_start3A_131 : memref<128x64xf32, #tpu.memory_space<hbm>>) target_semaphore(%dma_start3A_129 : memref<!tpu.dma_semaphore, #tpu.memory_space<semaphore_mem>>)
    %dma_start3A_136 = arith.constant 5 : i32
    %dma_start3A_137 = arith.constant 5 : i32
    %dma_start3A_138 = arith.constant 0 : i32
    %dma_start3A_139 = arith.constant 0 : i32
    %dma_start3A_140 = tpu.memref_slice %arg6[%dma_start3A_136, %dma_start3A_138, %dma_start3A_139] : memref<8x128x64xf32, #tpu.memory_space<vmem>> -> memref<1x128x64xf32, #tpu.memory_space<vmem>>
    %dma_start3A_141 = tpu.memref_squeeze %dma_start3A_140 : memref<1x128x64xf32, #tpu.memory_space<vmem>> -> memref<128x64xf32, #tpu.memory_space<vmem>>
    %dma_start3A_142 = arith.constant 640 : i32
    %dma_start3A_143 = tpu.memref_slice %arg5[%dma_start3A_142] : memref<13312xi32, #tpu.memory_space<vmem>> -> memref<128xi32, #tpu.memory_space<vmem>>
    %dma_start3A_144 = arith.constant 0 : i32
    %dma_start3A_145 = arith.constant 0 : i32
    %dma_start3A_146 = tpu.memref_slice %arg2[%dma_start3A_144, %dma_start3A_145] : memref<1000000x64xf32, #tpu.memory_space<hbm>> -> memref<1000000x64xf32, #tpu.memory_space<hbm>>
    %dma_start3A_147 = tpu.memref_slice %arg7[%dma_start3A_137] : memref<8x!tpu.dma_semaphore, #tpu.memory_space<semaphore_mem>> -> memref<1x!tpu.dma_semaphore, #tpu.memory_space<semaphore_mem>>
    %dma_start3A_148 = tpu.memref_squeeze %dma_start3A_147 : memref<1x!tpu.dma_semaphore, #tpu.memory_space<semaphore_mem>> -> memref<!tpu.dma_semaphore, #tpu.memory_space<semaphore_mem>>
    tpu.enqueue_indirect_dma source(%dma_start3A_146 : memref<1000000x64xf32, #tpu.memory_space<hbm>>) target(%dma_start3A_141 : memref<128x64xf32, #tpu.memory_space<vmem>>) offsets(%dma_start3A_143 : memref<128xi32, #tpu.memory_space<vmem>>) semaphore(%dma_start3A_148 : memref<!tpu.dma_semaphore, #tpu.memory_space<semaphore_mem>>)
    %dma_wait3A_149 = arith.constant 2 : i32
    %dma_wait3A_150 = arith.constant 2 : i32
    %dma_wait3A_151 = arith.constant 0 : i32
    %dma_wait3A_152 = arith.constant 0 : i32
    %dma_wait3A_153 = tpu.memref_slice %arg6[%dma_wait3A_149, %dma_wait3A_151, %dma_wait3A_152] : memref<8x128x64xf32, #tpu.memory_space<vmem>> -> memref<1x128x64xf32, #tpu.memory_space<vmem>>
    %dma_wait3A_154 = tpu.memref_squeeze %dma_wait3A_153 : memref<1x128x64xf32, #tpu.memory_space<vmem>> -> memref<128x64xf32, #tpu.memory_space<vmem>>
    %dma_wait3A_155 = arith.constant 256 : i32
    %dma_wait3A_156 = tpu.memref_slice %arg5[%dma_wait3A_155] : memref<13312xi32, #tpu.memory_space<vmem>> -> memref<128xi32, #tpu.memory_space<vmem>>
    %dma_wait3A_157 = arith.constant 0 : i32
    %dma_wait3A_158 = arith.constant 0 : i32
    %dma_wait3A_159 = tpu.memref_slice %arg2[%dma_wait3A_157, %dma_wait3A_158] : memref<1000000x64xf32, #tpu.memory_space<hbm>> -> memref<1000000x64xf32, #tpu.memory_space<hbm>>
    %dma_wait3A_160 = tpu.memref_slice %arg7[%dma_wait3A_150] : memref<8x!tpu.dma_semaphore, #tpu.memory_space<semaphore_mem>> -> memref<1x!tpu.dma_semaphore, #tpu.memory_space<semaphore_mem>>
    %dma_wait3A_161 = tpu.memref_squeeze %dma_wait3A_160 : memref<1x!tpu.dma_semaphore, #tpu.memory_space<semaphore_mem>> -> memref<!tpu.dma_semaphore, #tpu.memory_space<semaphore_mem>>
    tpu.wait_indirect_dma semaphore(%dma_wait3A_161 : memref<!tpu.dma_semaphore, #tpu.memory_space<semaphore_mem>>) src(%dma_wait3A_159 : memref<1000000x64xf32, #tpu.memory_space<hbm>>) dst(%dma_wait3A_154 : memref<128x64xf32, #tpu.memory_space<vmem>>)
    %mul3A_162 = arith.constant 104 : i32
    %mul3A_163 = arith.muli %add3A, %mul3A_162 : i32
    %add3A_164 = arith.constant 2 : i32
    %add3A_165 = arith.addi %mul3A_163, %add3A_164 : i32
    %mul3A_166 = arith.constant 128 : i32
    %mul3A_167 = arith.muli %add3A_165, %mul3A_166 : i32
    %dma_start3A_168 = arith.constant 2 : i32
    %dma_start3A_169 = arith.constant 2 : i32
    %dma_start3A_170 = arith.constant 0 : i32
    %dma_start3A_171 = arith.constant 0 : i32
    %dma_start3A_172 = tpu.memref_slice %arg6[%dma_start3A_168, %dma_start3A_170, %dma_start3A_171] : memref<8x128x64xf32, #tpu.memory_space<vmem>> -> memref<1x128x64xf32, #tpu.memory_space<vmem>>
    %dma_start3A_173 = tpu.memref_squeeze %dma_start3A_172 : memref<1x128x64xf32, #tpu.memory_space<vmem>> -> memref<128x64xf32, #tpu.memory_space<vmem>>
    %dma_start3A_174 = arith.constant 0 : i32
    %dma_start3A_175 = tpu.memref_slice %arg4[%mul3A_167, %dma_start3A_174] : memref<425984x64xf32, #tpu.memory_space<hbm>> -> memref<128x64xf32, #tpu.memory_space<hbm>>
    %dma_start3A_176 = tpu.memref_slice %arg8[%dma_start3A_169] : memref<8x!tpu.dma_semaphore, #tpu.memory_space<semaphore_mem>> -> memref<1x!tpu.dma_semaphore, #tpu.memory_space<semaphore_mem>>
    %dma_start3A_177 = tpu.memref_squeeze %dma_start3A_176 : memref<1x!tpu.dma_semaphore, #tpu.memory_space<semaphore_mem>> -> memref<!tpu.dma_semaphore, #tpu.memory_space<semaphore_mem>>
    %dma_start3A_178 = arith.constant 0 : i32
    %dma_start3A_179 = tpu.memref_slice %arg4[%mul3A_167, %dma_start3A_178] : memref<425984x64xf32, #tpu.memory_space<hbm>> -> memref<128x64xf32, #tpu.memory_space<hbm>>
    %dma_start3A_180 = arith.constant 0 : i32
    %dma_start3A_181 = arith.constant 0 : i32
    %dma_start3A_182 = tpu.memref_slice %arg6[%dma_start3A_168, %dma_start3A_180, %dma_start3A_181] : memref<8x128x64xf32, #tpu.memory_space<vmem>> -> memref<1x128x64xf32, #tpu.memory_space<vmem>>
    %dma_start3A_183 = tpu.memref_squeeze %dma_start3A_182 : memref<1x128x64xf32, #tpu.memory_space<vmem>> -> memref<128x64xf32, #tpu.memory_space<vmem>>
    tpu.enqueue_dma source(%dma_start3A_183 : memref<128x64xf32, #tpu.memory_space<vmem>>) target(%dma_start3A_179 : memref<128x64xf32, #tpu.memory_space<hbm>>) target_semaphore(%dma_start3A_177 : memref<!tpu.dma_semaphore, #tpu.memory_space<semaphore_mem>>)
    %dma_start3A_184 = arith.constant 6 : i32
    %dma_start3A_185 = arith.constant 6 : i32
    %dma_start3A_186 = arith.constant 0 : i32
    %dma_start3A_187 = arith.constant 0 : i32
    %dma_start3A_188 = tpu.memref_slice %arg6[%dma_start3A_184, %dma_start3A_186, %dma_start3A_187] : memref<8x128x64xf32, #tpu.memory_space<vmem>> -> memref<1x128x64xf32, #tpu.memory_space<vmem>>
    %dma_start3A_189 = tpu.memref_squeeze %dma_start3A_188 : memref<1x128x64xf32, #tpu.memory_space<vmem>> -> memref<128x64xf32, #tpu.memory_space<vmem>>
    %dma_start3A_190 = arith.constant 768 : i32
    %dma_start3A_191 = tpu.memref_slice %arg5[%dma_start3A_190] : memref<13312xi32, #tpu.memory_space<vmem>> -> memref<128xi32, #tpu.memory_space<vmem>>
    %dma_start3A_192 = arith.constant 0 : i32
    %dma_start3A_193 = arith.constant 0 : i32
    %dma_start3A_194 = tpu.memref_slice %arg2[%dma_start3A_192, %dma_start3A_193] : memref<1000000x64xf32, #tpu.memory_space<hbm>> -> memref<1000000x64xf32, #tpu.memory_space<hbm>>
    %dma_start3A_195 = tpu.memref_slice %arg7[%dma_start3A_185] : memref<8x!tpu.dma_semaphore, #tpu.memory_space<semaphore_mem>> -> memref<1x!tpu.dma_semaphore, #tpu.memory_space<semaphore_mem>>
    %dma_start3A_196 = tpu.memref_squeeze %dma_start3A_195 : memref<1x!tpu.dma_semaphore, #tpu.memory_space<semaphore_mem>> -> memref<!tpu.dma_semaphore, #tpu.memory_space<semaphore_mem>>
    tpu.enqueue_indirect_dma source(%dma_start3A_194 : memref<1000000x64xf32, #tpu.memory_space<hbm>>) target(%dma_start3A_189 : memref<128x64xf32, #tpu.memory_space<vmem>>) offsets(%dma_start3A_191 : memref<128xi32, #tpu.memory_space<vmem>>) semaphore(%dma_start3A_196 : memref<!tpu.dma_semaphore, #tpu.memory_space<semaphore_mem>>)
    %dma_wait3A_197 = arith.constant 3 : i32
    %dma_wait3A_198 = arith.constant 3 : i32
    %dma_wait3A_199 = arith.constant 0 : i32
    %dma_wait3A_200 = arith.constant 0 : i32
    %dma_wait3A_201 = tpu.memref_slice %arg6[%dma_wait3A_197, %dma_wait3A_199, %dma_wait3A_200] : memref<8x128x64xf32, #tpu.memory_space<vmem>> -> memref<1x128x64xf32, #tpu.memory_space<vmem>>
    %dma_wait3A_202 = tpu.memref_squeeze %dma_wait3A_201 : memref<1x128x64xf32, #tpu.memory_space<vmem>> -> memref<128x64xf32, #tpu.memory_space<vmem>>
    %dma_wait3A_203 = arith.constant 384 : i32
    %dma_wait3A_204 = tpu.memref_slice %arg5[%dma_wait3A_203] : memref<13312xi32, #tpu.memory_space<vmem>> -> memref<128xi32, #tpu.memory_space<vmem>>
    %dma_wait3A_205 = arith.constant 0 : i32
    %dma_wait3A_206 = arith.constant 0 : i32
    %dma_wait3A_207 = tpu.memref_slice %arg2[%dma_wait3A_205, %dma_wait3A_206] : memref<1000000x64xf32, #tpu.memory_space<hbm>> -> memref<1000000x64xf32, #tpu.memory_space<hbm>>
    %dma_wait3A_208 = tpu.memref_slice %arg7[%dma_wait3A_198] : memref<8x!tpu.dma_semaphore, #tpu.memory_space<semaphore_mem>> -> memref<1x!tpu.dma_semaphore, #tpu.memory_space<semaphore_mem>>
    %dma_wait3A_209 = tpu.memref_squeeze %dma_wait3A_208 : memref<1x!tpu.dma_semaphore, #tpu.memory_space<semaphore_mem>> -> memref<!tpu.dma_semaphore, #tpu.memory_space<semaphore_mem>>
    tpu.wait_indirect_dma semaphore(%dma_wait3A_209 : memref<!tpu.dma_semaphore, #tpu.memory_space<semaphore_mem>>) src(%dma_wait3A_207 : memref<1000000x64xf32, #tpu.memory_space<hbm>>) dst(%dma_wait3A_202 : memref<128x64xf32, #tpu.memory_space<vmem>>)
    %mul3A_210 = arith.constant 104 : i32
    %mul3A_211 = arith.muli %add3A, %mul3A_210 : i32
    %add3A_212 = arith.constant 3 : i32
    %add3A_213 = arith.addi %mul3A_211, %add3A_212 : i32
    %mul3A_214 = arith.constant 128 : i32
    %mul3A_215 = arith.muli %add3A_213, %mul3A_214 : i32
    %dma_start3A_216 = arith.constant 3 : i32
    %dma_start3A_217 = arith.constant 3 : i32
    %dma_start3A_218 = arith.constant 0 : i32
    %dma_start3A_219 = arith.constant 0 : i32
    %dma_start3A_220 = tpu.memref_slice %arg6[%dma_start3A_216, %dma_start3A_218, %dma_start3A_219] : memref<8x128x64xf32, #tpu.memory_space<vmem>> -> memref<1x128x64xf32, #tpu.memory_space<vmem>>
    %dma_start3A_221 = tpu.memref_squeeze %dma_start3A_220 : memref<1x128x64xf32, #tpu.memory_space<vmem>> -> memref<128x64xf32, #tpu.memory_space<vmem>>
    %dma_start3A_222 = arith.constant 0 : i32
    %dma_start3A_223 = tpu.memref_slice %arg4[%mul3A_215, %dma_start3A_222] : memref<425984x64xf32, #tpu.memory_space<hbm>> -> memref<128x64xf32, #tpu.memory_space<hbm>>
    %dma_start3A_224 = tpu.memref_slice %arg8[%dma_start3A_217] : memref<8x!tpu.dma_semaphore, #tpu.memory_space<semaphore_mem>> -> memref<1x!tpu.dma_semaphore, #tpu.memory_space<semaphore_mem>>
    %dma_start3A_225 = tpu.memref_squeeze %dma_start3A_224 : memref<1x!tpu.dma_semaphore, #tpu.memory_space<semaphore_mem>> -> memref<!tpu.dma_semaphore, #tpu.memory_space<semaphore_mem>>
    %dma_start3A_226 = arith.constant 0 : i32
    %dma_start3A_227 = tpu.memref_slice %arg4[%mul3A_215, %dma_start3A_226] : memref<425984x64xf32, #tpu.memory_space<hbm>> -> memref<128x64xf32, #tpu.memory_space<hbm>>
    %dma_start3A_228 = arith.constant 0 : i32
    %dma_start3A_229 = arith.constant 0 : i32
    %dma_start3A_230 = tpu.memref_slice %arg6[%dma_start3A_216, %dma_start3A_228, %dma_start3A_229] : memref<8x128x64xf32, #tpu.memory_space<vmem>> -> memref<1x128x64xf32, #tpu.memory_space<vmem>>
    %dma_start3A_231 = tpu.memref_squeeze %dma_start3A_230 : memref<1x128x64xf32, #tpu.memory_space<vmem>> -> memref<128x64xf32, #tpu.memory_space<vmem>>
    tpu.enqueue_dma source(%dma_start3A_231 : memref<128x64xf32, #tpu.memory_space<vmem>>) target(%dma_start3A_227 : memref<128x64xf32, #tpu.memory_space<hbm>>) target_semaphore(%dma_start3A_225 : memref<!tpu.dma_semaphore, #tpu.memory_space<semaphore_mem>>)
    %dma_start3A_232 = arith.constant 7 : i32
    %dma_start3A_233 = arith.constant 7 : i32
    %dma_start3A_234 = arith.constant 0 : i32
    %dma_start3A_235 = arith.constant 0 : i32
    %dma_start3A_236 = tpu.memref_slice %arg6[%dma_start3A_232, %dma_start3A_234, %dma_start3A_235] : memref<8x128x64xf32, #tpu.memory_space<vmem>> -> memref<1x128x64xf32, #tpu.memory_space<vmem>>
    %dma_start3A_237 = tpu.memref_squeeze %dma_start3A_236 : memref<1x128x64xf32, #tpu.memory_space<vmem>> -> memref<128x64xf32, #tpu.memory_space<vmem>>
    %dma_start3A_238 = arith.constant 896 : i32
    %dma_start3A_239 = tpu.memref_slice %arg5[%dma_start3A_238] : memref<13312xi32, #tpu.memory_space<vmem>> -> memref<128xi32, #tpu.memory_space<vmem>>
    %dma_start3A_240 = arith.constant 0 : i32
    %dma_start3A_241 = arith.constant 0 : i32
    %dma_start3A_242 = tpu.memref_slice %arg2[%dma_start3A_240, %dma_start3A_241] : memref<1000000x64xf32, #tpu.memory_space<hbm>> -> memref<1000000x64xf32, #tpu.memory_space<hbm>>
    %dma_start3A_243 = tpu.memref_slice %arg7[%dma_start3A_233] : memref<8x!tpu.dma_semaphore, #tpu.memory_space<semaphore_mem>> -> memref<1x!tpu.dma_semaphore, #tpu.memory_space<semaphore_mem>>
    %dma_start3A_244 = tpu.memref_squeeze %dma_start3A_243 : memref<1x!tpu.dma_semaphore, #tpu.memory_space<semaphore_mem>> -> memref<!tpu.dma_semaphore, #tpu.memory_space<semaphore_mem>>
    tpu.enqueue_indirect_dma source(%dma_start3A_242 : memref<1000000x64xf32, #tpu.memory_space<hbm>>) target(%dma_start3A_237 : memref<128x64xf32, #tpu.memory_space<vmem>>) offsets(%dma_start3A_239 : memref<128xi32, #tpu.memory_space<vmem>>) semaphore(%dma_start3A_244 : memref<!tpu.dma_semaphore, #tpu.memory_space<semaphore_mem>>)
    %dma_wait3A_245 = arith.constant 4 : i32
    %dma_wait3A_246 = arith.constant 4 : i32
    %dma_wait3A_247 = arith.constant 0 : i32
    %dma_wait3A_248 = arith.constant 0 : i32
    %dma_wait3A_249 = tpu.memref_slice %arg6[%dma_wait3A_245, %dma_wait3A_247, %dma_wait3A_248] : memref<8x128x64xf32, #tpu.memory_space<vmem>> -> memref<1x128x64xf32, #tpu.memory_space<vmem>>
    %dma_wait3A_250 = tpu.memref_squeeze %dma_wait3A_249 : memref<1x128x64xf32, #tpu.memory_space<vmem>> -> memref<128x64xf32, #tpu.memory_space<vmem>>
    %dma_wait3A_251 = arith.constant 512 : i32
    %dma_wait3A_252 = tpu.memref_slice %arg5[%dma_wait3A_251] : memref<13312xi32, #tpu.memory_space<vmem>> -> memref<128xi32, #tpu.memory_space<vmem>>
    %dma_wait3A_253 = arith.constant 0 : i32
    %dma_wait3A_254 = arith.constant 0 : i32
    %dma_wait3A_255 = tpu.memref_slice %arg2[%dma_wait3A_253, %dma_wait3A_254] : memref<1000000x64xf32, #tpu.memory_space<hbm>> -> memref<1000000x64xf32, #tpu.memory_space<hbm>>
    %dma_wait3A_256 = tpu.memref_slice %arg7[%dma_wait3A_246] : memref<8x!tpu.dma_semaphore, #tpu.memory_space<semaphore_mem>> -> memref<1x!tpu.dma_semaphore, #tpu.memory_space<semaphore_mem>>
    %dma_wait3A_257 = tpu.memref_squeeze %dma_wait3A_256 : memref<1x!tpu.dma_semaphore, #tpu.memory_space<semaphore_mem>> -> memref<!tpu.dma_semaphore, #tpu.memory_space<semaphore_mem>>
    tpu.wait_indirect_dma semaphore(%dma_wait3A_257 : memref<!tpu.dma_semaphore, #tpu.memory_space<semaphore_mem>>) src(%dma_wait3A_255 : memref<1000000x64xf32, #tpu.memory_space<hbm>>) dst(%dma_wait3A_250 : memref<128x64xf32, #tpu.memory_space<vmem>>)
    %mul3A_258 = arith.constant 104 : i32
    %mul3A_259 = arith.muli %add3A, %mul3A_258 : i32
    %add3A_260 = arith.constant 4 : i32
    %add3A_261 = arith.addi %mul3A_259, %add3A_260 : i32
    %mul3A_262 = arith.constant 128 : i32
    %mul3A_263 = arith.muli %add3A_261, %mul3A_262 : i32
    %dma_start3A_264 = arith.constant 4 : i32
    %dma_start3A_265 = arith.constant 4 : i32
    %dma_start3A_266 = arith.constant 0 : i32
    %dma_start3A_267 = arith.constant 0 : i32
    %dma_start3A_268 = tpu.memref_slice %arg6[%dma_start3A_264, %dma_start3A_266, %dma_start3A_267] : memref<8x128x64xf32, #tpu.memory_space<vmem>> -> memref<1x128x64xf32, #tpu.memory_space<vmem>>
    %dma_start3A_269 = tpu.memref_squeeze %dma_start3A_268 : memref<1x128x64xf32, #tpu.memory_space<vmem>> -> memref<128x64xf32, #tpu.memory_space<vmem>>
    %dma_start3A_270 = arith.constant 0 : i32
    %dma_start3A_271 = tpu.memref_slice %arg4[%mul3A_263, %dma_start3A_270] : memref<425984x64xf32, #tpu.memory_space<hbm>> -> memref<128x64xf32, #tpu.memory_space<hbm>>
    %dma_start3A_272 = tpu.memref_slice %arg8[%dma_start3A_265] : memref<8x!tpu.dma_semaphore, #tpu.memory_space<semaphore_mem>> -> memref<1x!tpu.dma_semaphore, #tpu.memory_space<semaphore_mem>>
    %dma_start3A_273 = tpu.memref_squeeze %dma_start3A_272 : memref<1x!tpu.dma_semaphore, #tpu.memory_space<semaphore_mem>> -> memref<!tpu.dma_semaphore, #tpu.memory_space<semaphore_mem>>
    %dma_start3A_274 = arith.constant 0 : i32
    %dma_start3A_275 = tpu.memref_slice %arg4[%mul3A_263, %dma_start3A_274] : memref<425984x64xf32, #tpu.memory_space<hbm>> -> memref<128x64xf32, #tpu.memory_space<hbm>>
    %dma_start3A_276 = arith.constant 0 : i32
    %dma_start3A_277 = arith.constant 0 : i32
    %dma_start3A_278 = tpu.memref_slice %arg6[%dma_start3A_264, %dma_start3A_276, %dma_start3A_277] : memref<8x128x64xf32, #tpu.memory_space<vmem>> -> memref<1x128x64xf32, #tpu.memory_space<vmem>>
    %dma_start3A_279 = tpu.memref_squeeze %dma_start3A_278 : memref<1x128x64xf32, #tpu.memory_space<vmem>> -> memref<128x64xf32, #tpu.memory_space<vmem>>
    tpu.enqueue_dma source(%dma_start3A_279 : memref<128x64xf32, #tpu.memory_space<vmem>>) target(%dma_start3A_275 : memref<128x64xf32, #tpu.memory_space<hbm>>) target_semaphore(%dma_start3A_273 : memref<!tpu.dma_semaphore, #tpu.memory_space<semaphore_mem>>)
    %dma_wait3A_280 = arith.constant 0 : i32
    %dma_wait3A_281 = arith.constant 0 : i32
    %dma_wait3A_282 = arith.constant 0 : i32
    %dma_wait3A_283 = arith.constant 0 : i32
    %dma_wait3A_284 = tpu.memref_slice %arg6[%dma_wait3A_280, %dma_wait3A_282, %dma_wait3A_283] : memref<8x128x64xf32, #tpu.memory_space<vmem>> -> memref<1x128x64xf32, #tpu.memory_space<vmem>>
    %dma_wait3A_285 = tpu.memref_squeeze %dma_wait3A_284 : memref<1x128x64xf32, #tpu.memory_space<vmem>> -> memref<128x64xf32, #tpu.memory_space<vmem>>
    %dma_wait3A_286 = arith.constant 0 : i32
    %dma_wait3A_287 = arith.constant 0 : i32
    %dma_wait3A_288 = tpu.memref_slice %arg4[%dma_wait3A_286, %dma_wait3A_287] : memref<425984x64xf32, #tpu.memory_space<hbm>> -> memref<128x64xf32, #tpu.memory_space<hbm>>
    %dma_wait3A_289 = tpu.memref_slice %arg8[%dma_wait3A_281] : memref<8x!tpu.dma_semaphore, #tpu.memory_space<semaphore_mem>> -> memref<1x!tpu.dma_semaphore, #tpu.memory_space<semaphore_mem>>
    %dma_wait3A_290 = tpu.memref_squeeze %dma_wait3A_289 : memref<1x!tpu.dma_semaphore, #tpu.memory_space<semaphore_mem>> -> memref<!tpu.dma_semaphore, #tpu.memory_space<semaphore_mem>>
    %dma_wait3A_291 = arith.constant 0 : i32
    %dma_wait3A_292 = arith.constant 0 : i32
    %dma_wait3A_293 = tpu.memref_slice %arg4[%dma_wait3A_291, %dma_wait3A_292] : memref<425984x64xf32, #tpu.memory_space<hbm>> -> memref<128x64xf32, #tpu.memory_space<hbm>>
    %dma_wait3A_294 = arith.constant 0 : i32
    %dma_wait3A_295 = arith.constant 0 : i32
    %dma_wait3A_296 = tpu.memref_slice %arg6[%dma_wait3A_280, %dma_wait3A_294, %dma_wait3A_295] : memref<8x128x64xf32, #tpu.memory_space<vmem>> -> memref<1x128x64xf32, #tpu.memory_space<vmem>>
    %dma_wait3A_297 = tpu.memref_squeeze %dma_wait3A_296 : memref<1x128x64xf32, #tpu.memory_space<vmem>> -> memref<128x64xf32, #tpu.memory_space<vmem>>
    tpu.wait_dma2 semaphore(%dma_wait3A_290 : memref<!tpu.dma_semaphore, #tpu.memory_space<semaphore_mem>>) src(%dma_wait3A_297 : memref<128x64xf32, #tpu.memory_space<vmem>>) dst(%dma_wait3A_293 : memref<128x64xf32, #tpu.memory_space<hbm>>)
    %dma_start3A_298 = arith.constant 0 : i32
    %dma_start3A_299 = arith.constant 0 : i32
    %dma_start3A_300 = arith.constant 0 : i32
    %dma_start3A_301 = arith.constant 0 : i32
    %dma_start3A_302 = tpu.memref_slice %arg6[%dma_start3A_298, %dma_start3A_300, %dma_start3A_301] : memref<8x128x64xf32, #tpu.memory_space<vmem>> -> memref<1x128x64xf32, #tpu.memory_space<vmem>>
    %dma_start3A_303 = tpu.memref_squeeze %dma_start3A_302 : memref<1x128x64xf32, #tpu.memory_space<vmem>> -> memref<128x64xf32, #tpu.memory_space<vmem>>
    %dma_start3A_304 = arith.constant 1024 : i32
    %dma_start3A_305 = tpu.memref_slice %arg5[%dma_start3A_304] : memref<13312xi32, #tpu.memory_space<vmem>> -> memref<128xi32, #tpu.memory_space<vmem>>
    %dma_start3A_306 = arith.constant 0 : i32
    %dma_start3A_307 = arith.constant 0 : i32
    %dma_start3A_308 = tpu.memref_slice %arg2[%dma_start3A_306, %dma_start3A_307] : memref<1000000x64xf32, #tpu.memory_space<hbm>> -> memref<1000000x64xf32, #tpu.memory_space<hbm>>
    %dma_start3A_309 = tpu.memref_slice %arg7[%dma_start3A_299] : memref<8x!tpu.dma_semaphore, #tpu.memory_space<semaphore_mem>> -> memref<1x!tpu.dma_semaphore, #tpu.memory_space<semaphore_mem>>
    %dma_start3A_310 = tpu.memref_squeeze %dma_start3A_309 : memref<1x!tpu.dma_semaphore, #tpu.memory_space<semaphore_mem>> -> memref<!tpu.dma_semaphore, #tpu.memory_space<semaphore_mem>>
    tpu.enqueue_indirect_dma source(%dma_start3A_308 : memref<1000000x64xf32, #tpu.memory_space<hbm>>) target(%dma_start3A_303 : memref<128x64xf32, #tpu.memory_space<vmem>>) offsets(%dma_start3A_305 : memref<128xi32, #tpu.memory_space<vmem>>) semaphore(%dma_start3A_310 : memref<!tpu.dma_semaphore, #tpu.memory_space<semaphore_mem>>)
    %dma_wait3A_311 = arith.constant 5 : i32
    %dma_wait3A_312 = arith.constant 5 : i32
    %dma_wait3A_313 = arith.constant 0 : i32
    %dma_wait3A_314 = arith.constant 0 : i32
    %dma_wait3A_315 = tpu.memref_slice %arg6[%dma_wait3A_311, %dma_wait3A_313, %dma_wait3A_314] : memref<8x128x64xf32, #tpu.memory_space<vmem>> -> memref<1x128x64xf32, #tpu.memory_space<vmem>>
    %dma_wait3A_316 = tpu.memref_squeeze %dma_wait3A_315 : memref<1x128x64xf32, #tpu.memory_space<vmem>> -> memref<128x64xf32, #tpu.memory_space<vmem>>
    %dma_wait3A_317 = arith.constant 640 : i32
    %dma_wait3A_318 = tpu.memref_slice %arg5[%dma_wait3A_317] : memref<13312xi32, #tpu.memory_space<vmem>> -> memref<128xi32, #tpu.memory_space<vmem>>
    %dma_wait3A_319 = arith.constant 0 : i32
    %dma_wait3A_320 = arith.constant 0 : i32
    %dma_wait3A_321 = tpu.memref_slice %arg2[%dma_wait3A_319, %dma_wait3A_320] : memref<1000000x64xf32, #tpu.memory_space<hbm>> -> memref<1000000x64xf32, #tpu.memory_space<hbm>>
    %dma_wait3A_322 = tpu.memref_slice %arg7[%dma_wait3A_312] : memref<8x!tpu.dma_semaphore, #tpu.memory_space<semaphore_mem>> -> memref<1x!tpu.dma_semaphore, #tpu.memory_space<semaphore_mem>>
    %dma_wait3A_323 = tpu.memref_squeeze %dma_wait3A_322 : memref<1x!tpu.dma_semaphore, #tpu.memory_space<semaphore_mem>> -> memref<!tpu.dma_semaphore, #tpu.memory_space<semaphore_mem>>
    tpu.wait_indirect_dma semaphore(%dma_wait3A_323 : memref<!tpu.dma_semaphore, #tpu.memory_space<semaphore_mem>>) src(%dma_wait3A_321 : memref<1000000x64xf32, #tpu.memory_space<hbm>>) dst(%dma_wait3A_316 : memref<128x64xf32, #tpu.memory_space<vmem>>)
    %mul3A_324 = arith.constant 104 : i32
    %mul3A_325 = arith.muli %add3A, %mul3A_324 : i32
    %add3A_326 = arith.constant 5 : i32
    %add3A_327 = arith.addi %mul3A_325, %add3A_326 : i32
    %mul3A_328 = arith.constant 128 : i32
    %mul3A_329 = arith.muli %add3A_327, %mul3A_328 : i32
    %dma_start3A_330 = arith.constant 5 : i32
    %dma_start3A_331 = arith.constant 5 : i32
    %dma_start3A_332 = arith.constant 0 : i32
    %dma_start3A_333 = arith.constant 0 : i32
    %dma_start3A_334 = tpu.memref_slice %arg6[%dma_start3A_330, %dma_start3A_332, %dma_start3A_333] : memref<8x128x64xf32, #tpu.memory_space<vmem>> -> memref<1x128x64xf32, #tpu.memory_space<vmem>>
    %dma_start3A_335 = tpu.memref_squeeze %dma_start3A_334 : memref<1x128x64xf32, #tpu.memory_space<vmem>> -> memref<128x64xf32, #tpu.memory_space<vmem>>
    %dma_start3A_336 = arith.constant 0 : i32
    %dma_start3A_337 = tpu.memref_slice %arg4[%mul3A_329, %dma_start3A_336] : memref<425984x64xf32, #tpu.memory_space<hbm>> -> memref<128x64xf32, #tpu.memory_space<hbm>>
    %dma_start3A_338 = tpu.memref_slice %arg8[%dma_start3A_331] : memref<8x!tpu.dma_semaphore, #tpu.memory_space<semaphore_mem>> -> memref<1x!tpu.dma_semaphore, #tpu.memory_space<semaphore_mem>>
    %dma_start3A_339 = tpu.memref_squeeze %dma_start3A_338 : memref<1x!tpu.dma_semaphore, #tpu.memory_space<semaphore_mem>> -> memref<!tpu.dma_semaphore, #tpu.memory_space<semaphore_mem>>
    %dma_start3A_340 = arith.constant 0 : i32
    %dma_start3A_341 = tpu.memref_slice %arg4[%mul3A_329, %dma_start3A_340] : memref<425984x64xf32, #tpu.memory_space<hbm>> -> memref<128x64xf32, #tpu.memory_space<hbm>>
    %dma_start3A_342 = arith.constant 0 : i32
    %dma_start3A_343 = arith.constant 0 : i32
    %dma_start3A_344 = tpu.memref_slice %arg6[%dma_start3A_330, %dma_start3A_342, %dma_start3A_343] : memref<8x128x64xf32, #tpu.memory_space<vmem>> -> memref<1x128x64xf32, #tpu.memory_space<vmem>>
    %dma_start3A_345 = tpu.memref_squeeze %dma_start3A_344 : memref<1x128x64xf32, #tpu.memory_space<vmem>> -> memref<128x64xf32, #tpu.memory_space<vmem>>
    tpu.enqueue_dma source(%dma_start3A_345 : memref<128x64xf32, #tpu.memory_space<vmem>>) target(%dma_start3A_341 : memref<128x64xf32, #tpu.memory_space<hbm>>) target_semaphore(%dma_start3A_339 : memref<!tpu.dma_semaphore, #tpu.memory_space<semaphore_mem>>)
    %dma_wait3A_346 = arith.constant 1 : i32
    %dma_wait3A_347 = arith.constant 1 : i32
    %dma_wait3A_348 = arith.constant 0 : i32
    %dma_wait3A_349 = arith.constant 0 : i32
    %dma_wait3A_350 = tpu.memref_slice %arg6[%dma_wait3A_346, %dma_wait3A_348, %dma_wait3A_349] : memref<8x128x64xf32, #tpu.memory_space<vmem>> -> memref<1x128x64xf32, #tpu.memory_space<vmem>>
    %dma_wait3A_351 = tpu.memref_squeeze %dma_wait3A_350 : memref<1x128x64xf32, #tpu.memory_space<vmem>> -> memref<128x64xf32, #tpu.memory_space<vmem>>
    %dma_wait3A_352 = arith.constant 0 : i32
    %dma_wait3A_353 = arith.constant 0 : i32
    %dma_wait3A_354 = tpu.memref_slice %arg4[%dma_wait3A_352, %dma_wait3A_353] : memref<425984x64xf32, #tpu.memory_space<hbm>> -> memref<128x64xf32, #tpu.memory_space<hbm>>
    %dma_wait3A_355 = tpu.memref_slice %arg8[%dma_wait3A_347] : memref<8x!tpu.dma_semaphore, #tpu.memory_space<semaphore_mem>> -> memref<1x!tpu.dma_semaphore, #tpu.memory_space<semaphore_mem>>
    %dma_wait3A_356 = tpu.memref_squeeze %dma_wait3A_355 : memref<1x!tpu.dma_semaphore, #tpu.memory_space<semaphore_mem>> -> memref<!tpu.dma_semaphore, #tpu.memory_space<semaphore_mem>>
    %dma_wait3A_357 = arith.constant 0 : i32
    %dma_wait3A_358 = arith.constant 0 : i32
    %dma_wait3A_359 = tpu.memref_slice %arg4[%dma_wait3A_357, %dma_wait3A_358] : memref<425984x64xf32, #tpu.memory_space<hbm>> -> memref<128x64xf32, #tpu.memory_space<hbm>>
    %dma_wait3A_360 = arith.constant 0 : i32
    %dma_wait3A_361 = arith.constant 0 : i32
    %dma_wait3A_362 = tpu.memref_slice %arg6[%dma_wait3A_346, %dma_wait3A_360, %dma_wait3A_361] : memref<8x128x64xf32, #tpu.memory_space<vmem>> -> memref<1x128x64xf32, #tpu.memory_space<vmem>>
    %dma_wait3A_363 = tpu.memref_squeeze %dma_wait3A_362 : memref<1x128x64xf32, #tpu.memory_space<vmem>> -> memref<128x64xf32, #tpu.memory_space<vmem>>
    tpu.wait_dma2 semaphore(%dma_wait3A_356 : memref<!tpu.dma_semaphore, #tpu.memory_space<semaphore_mem>>) src(%dma_wait3A_363 : memref<128x64xf32, #tpu.memory_space<vmem>>) dst(%dma_wait3A_359 : memref<128x64xf32, #tpu.memory_space<hbm>>)
    %dma_start3A_364 = arith.constant 1 : i32
    %dma_start3A_365 = arith.constant 1 : i32
    %dma_start3A_366 = arith.constant 0 : i32
    %dma_start3A_367 = arith.constant 0 : i32
    %dma_start3A_368 = tpu.memref_slice %arg6[%dma_start3A_364, %dma_start3A_366, %dma_start3A_367] : memref<8x128x64xf32, #tpu.memory_space<vmem>> -> memref<1x128x64xf32, #tpu.memory_space<vmem>>
    %dma_start3A_369 = tpu.memref_squeeze %dma_start3A_368 : memref<1x128x64xf32, #tpu.memory_space<vmem>> -> memref<128x64xf32, #tpu.memory_space<vmem>>
    %dma_start3A_370 = arith.constant 1152 : i32
    %dma_start3A_371 = tpu.memref_slice %arg5[%dma_start3A_370] : memref<13312xi32, #tpu.memory_space<vmem>> -> memref<128xi32, #tpu.memory_space<vmem>>
    %dma_start3A_372 = arith.constant 0 : i32
    %dma_start3A_373 = arith.constant 0 : i32
    %dma_start3A_374 = tpu.memref_slice %arg2[%dma_start3A_372, %dma_start3A_373] : memref<1000000x64xf32, #tpu.memory_space<hbm>> -> memref<1000000x64xf32, #tpu.memory_space<hbm>>
    %dma_start3A_375 = tpu.memref_slice %arg7[%dma_start3A_365] : memref<8x!tpu.dma_semaphore, #tpu.memory_space<semaphore_mem>> -> memref<1x!tpu.dma_semaphore, #tpu.memory_space<semaphore_mem>>
    %dma_start3A_376 = tpu.memref_squeeze %dma_start3A_375 : memref<1x!tpu.dma_semaphore, #tpu.memory_space<semaphore_mem>> -> memref<!tpu.dma_semaphore, #tpu.memory_space<semaphore_mem>>
    tpu.enqueue_indirect_dma source(%dma_start3A_374 : memref<1000000x64xf32, #tpu.memory_space<hbm>>) target(%dma_start3A_369 : memref<128x64xf32, #tpu.memory_space<vmem>>) offsets(%dma_start3A_371 : memref<128xi32, #tpu.memory_space<vmem>>) semaphore(%dma_start3A_376 : memref<!tpu.dma_semaphore, #tpu.memory_space<semaphore_mem>>)
    %dma_wait3A_377 = arith.constant 6 : i32
    %dma_wait3A_378 = arith.constant 6 : i32
    %dma_wait3A_379 = arith.constant 0 : i32
    %dma_wait3A_380 = arith.constant 0 : i32
    %dma_wait3A_381 = tpu.memref_slice %arg6[%dma_wait3A_377, %dma_wait3A_379, %dma_wait3A_380] : memref<8x128x64xf32, #tpu.memory_space<vmem>> -> memref<1x128x64xf32, #tpu.memory_space<vmem>>
    %dma_wait3A_382 = tpu.memref_squeeze %dma_wait3A_381 : memref<1x128x64xf32, #tpu.memory_space<vmem>> -> memref<128x64xf32, #tpu.memory_space<vmem>>
    %dma_wait3A_383 = arith.constant 768 : i32
    %dma_wait3A_384 = tpu.memref_slice %arg5[%dma_wait3A_383] : memref<13312xi32, #tpu.memory_space<vmem>> -> memref<128xi32, #tpu.memory_space<vmem>>
    %dma_wait3A_385 = arith.constant 0 : i32
    %dma_wait3A_386 = arith.constant 0 : i32
    %dma_wait3A_387 = tpu.memref_slice %arg2[%dma_wait3A_385, %dma_wait3A_386] : memref<1000000x64xf32, #tpu.memory_space<hbm>> -> memref<1000000x64xf32, #tpu.memory_space<hbm>>
    %dma_wait3A_388 = tpu.memref_slice %arg7[%dma_wait3A_378] : memref<8x!tpu.dma_semaphore, #tpu.memory_space<semaphore_mem>> -> memref<1x!tpu.dma_semaphore, #tpu.memory_space<semaphore_mem>>
    %dma_wait3A_389 = tpu.memref_squeeze %dma_wait3A_388 : memref<1x!tpu.dma_semaphore, #tpu.memory_space<semaphore_mem>> -> memref<!tpu.dma_semaphore, #tpu.memory_space<semaphore_mem>>
    tpu.wait_indirect_dma semaphore(%dma_wait3A_389 : memref<!tpu.dma_semaphore, #tpu.memory_space<semaphore_mem>>) src(%dma_wait3A_387 : memref<1000000x64xf32, #tpu.memory_space<hbm>>) dst(%dma_wait3A_382 : memref<128x64xf32, #tpu.memory_space<vmem>>)
    %mul3A_390 = arith.constant 104 : i32
    %mul3A_391 = arith.muli %add3A, %mul3A_390 : i32
    %add3A_392 = arith.constant 6 : i32
    %add3A_393 = arith.addi %mul3A_391, %add3A_392 : i32
    %mul3A_394 = arith.constant 128 : i32
    %mul3A_395 = arith.muli %add3A_393, %mul3A_394 : i32
    %dma_start3A_396 = arith.constant 6 : i32
    %dma_start3A_397 = arith.constant 6 : i32
    %dma_start3A_398 = arith.constant 0 : i32
    %dma_start3A_399 = arith.constant 0 : i32
    %dma_start3A_400 = tpu.memref_slice %arg6[%dma_start3A_396, %dma_start3A_398, %dma_start3A_399] : memref<8x128x64xf32, #tpu.memory_space<vmem>> -> memref<1x128x64xf32, #tpu.memory_space<vmem>>
    %dma_start3A_401 = tpu.memref_squeeze %dma_start3A_400 : memref<1x128x64xf32, #tpu.memory_space<vmem>> -> memref<128x64xf32, #tpu.memory_space<vmem>>
    %dma_start3A_402 = arith.constant 0 : i32
    %dma_start3A_403 = tpu.memref_slice %arg4[%mul3A_395, %dma_start3A_402] : memref<425984x64xf32, #tpu.memory_space<hbm>> -> memref<128x64xf32, #tpu.memory_space<hbm>>
    %dma_start3A_404 = tpu.memref_slice %arg8[%dma_start3A_397] : memref<8x!tpu.dma_semaphore, #tpu.memory_space<semaphore_mem>> -> memref<1x!tpu.dma_semaphore, #tpu.memory_space<semaphore_mem>>
    %dma_start3A_405 = tpu.memref_squeeze %dma_start3A_404 : memref<1x!tpu.dma_semaphore, #tpu.memory_space<semaphore_mem>> -> memref<!tpu.dma_semaphore, #tpu.memory_space<semaphore_mem>>
    %dma_start3A_406 = arith.constant 0 : i32
    %dma_start3A_407 = tpu.memref_slice %arg4[%mul3A_395, %dma_start3A_406] : memref<425984x64xf32, #tpu.memory_space<hbm>> -> memref<128x64xf32, #tpu.memory_space<hbm>>
    %dma_start3A_408 = arith.constant 0 : i32
    %dma_start3A_409 = arith.constant 0 : i32
    %dma_start3A_410 = tpu.memref_slice %arg6[%dma_start3A_396, %dma_start3A_408, %dma_start3A_409] : memref<8x128x64xf32, #tpu.memory_space<vmem>> -> memref<1x128x64xf32, #tpu.memory_space<vmem>>
    %dma_start3A_411 = tpu.memref_squeeze %dma_start3A_410 : memref<1x128x64xf32, #tpu.memory_space<vmem>> -> memref<128x64xf32, #tpu.memory_space<vmem>>
    tpu.enqueue_dma source(%dma_start3A_411 : memref<128x64xf32, #tpu.memory_space<vmem>>) target(%dma_start3A_407 : memref<128x64xf32, #tpu.memory_space<hbm>>) target_semaphore(%dma_start3A_405 : memref<!tpu.dma_semaphore, #tpu.memory_space<semaphore_mem>>)
    %dma_wait3A_412 = arith.constant 2 : i32
    %dma_wait3A_413 = arith.constant 2 : i32
    %dma_wait3A_414 = arith.constant 0 : i32
    %dma_wait3A_415 = arith.constant 0 : i32
    %dma_wait3A_416 = tpu.memref_slice %arg6[%dma_wait3A_412, %dma_wait3A_414, %dma_wait3A_415] : memref<8x128x64xf32, #tpu.memory_space<vmem>> -> memref<1x128x64xf32, #tpu.memory_space<vmem>>
    %dma_wait3A_417 = tpu.memref_squeeze %dma_wait3A_416 : memref<1x128x64xf32, #tpu.memory_space<vmem>> -> memref<128x64xf32, #tpu.memory_space<vmem>>
    %dma_wait3A_418 = arith.constant 0 : i32
    %dma_wait3A_419 = arith.constant 0 : i32
    %dma_wait3A_420 = tpu.memref_slice %arg4[%dma_wait3A_418, %dma_wait3A_419] : memref<425984x64xf32, #tpu.memory_space<hbm>> -> memref<128x64xf32, #tpu.memory_space<hbm>>
    %dma_wait3A_421 = tpu.memref_slice %arg8[%dma_wait3A_413] : memref<8x!tpu.dma_semaphore, #tpu.memory_space<semaphore_mem>> -> memref<1x!tpu.dma_semaphore, #tpu.memory_space<semaphore_mem>>
    %dma_wait3A_422 = tpu.memref_squeeze %dma_wait3A_421 : memref<1x!tpu.dma_semaphore, #tpu.memory_space<semaphore_mem>> -> memref<!tpu.dma_semaphore, #tpu.memory_space<semaphore_mem>>
    %dma_wait3A_423 = arith.constant 0 : i32
    %dma_wait3A_424 = arith.constant 0 : i32
    %dma_wait3A_425 = tpu.memref_slice %arg4[%dma_wait3A_423, %dma_wait3A_424] : memref<425984x64xf32, #tpu.memory_space<hbm>> -> memref<128x64xf32, #tpu.memory_space<hbm>>
    %dma_wait3A_426 = arith.constant 0 : i32
    %dma_wait3A_427 = arith.constant 0 : i32
    %dma_wait3A_428 = tpu.memref_slice %arg6[%dma_wait3A_412, %dma_wait3A_426, %dma_wait3A_427] : memref<8x128x64xf32, #tpu.memory_space<vmem>> -> memref<1x128x64xf32, #tpu.memory_space<vmem>>
    %dma_wait3A_429 = tpu.memref_squeeze %dma_wait3A_428 : memref<1x128x64xf32, #tpu.memory_space<vmem>> -> memref<128x64xf32, #tpu.memory_space<vmem>>
    tpu.wait_dma2 semaphore(%dma_wait3A_422 : memref<!tpu.dma_semaphore, #tpu.memory_space<semaphore_mem>>) src(%dma_wait3A_429 : memref<128x64xf32, #tpu.memory_space<vmem>>) dst(%dma_wait3A_425 : memref<128x64xf32, #tpu.memory_space<hbm>>)
    %dma_start3A_430 = arith.constant 2 : i32
    %dma_start3A_431 = arith.constant 2 : i32
    %dma_start3A_432 = arith.constant 0 : i32
    %dma_start3A_433 = arith.constant 0 : i32
    %dma_start3A_434 = tpu.memref_slice %arg6[%dma_start3A_430, %dma_start3A_432, %dma_start3A_433] : memref<8x128x64xf32, #tpu.memory_space<vmem>> -> memref<1x128x64xf32, #tpu.memory_space<vmem>>
    %dma_start3A_435 = tpu.memref_squeeze %dma_start3A_434 : memref<1x128x64xf32, #tpu.memory_space<vmem>> -> memref<128x64xf32, #tpu.memory_space<vmem>>
    %dma_start3A_436 = arith.constant 1280 : i32
    %dma_start3A_437 = tpu.memref_slice %arg5[%dma_start3A_436] : memref<13312xi32, #tpu.memory_space<vmem>> -> memref<128xi32, #tpu.memory_space<vmem>>
    %dma_start3A_438 = arith.constant 0 : i32
    %dma_start3A_439 = arith.constant 0 : i32
    %dma_start3A_440 = tpu.memref_slice %arg2[%dma_start3A_438, %dma_start3A_439] : memref<1000000x64xf32, #tpu.memory_space<hbm>> -> memref<1000000x64xf32, #tpu.memory_space<hbm>>
    %dma_start3A_441 = tpu.memref_slice %arg7[%dma_start3A_431] : memref<8x!tpu.dma_semaphore, #tpu.memory_space<semaphore_mem>> -> memref<1x!tpu.dma_semaphore, #tpu.memory_space<semaphore_mem>>
    %dma_start3A_442 = tpu.memref_squeeze %dma_start3A_441 : memref<1x!tpu.dma_semaphore, #tpu.memory_space<semaphore_mem>> -> memref<!tpu.dma_semaphore, #tpu.memory_space<semaphore_mem>>
    tpu.enqueue_indirect_dma source(%dma_start3A_440 : memref<1000000x64xf32, #tpu.memory_space<hbm>>) target(%dma_start3A_435 : memref<128x64xf32, #tpu.memory_space<vmem>>) offsets(%dma_start3A_437 : memref<128xi32, #tpu.memory_space<vmem>>) semaphore(%dma_start3A_442 : memref<!tpu.dma_semaphore, #tpu.memory_space<semaphore_mem>>)
    %dma_wait3A_443 = arith.constant 7 : i32
    %dma_wait3A_444 = arith.constant 7 : i32
    %dma_wait3A_445 = arith.constant 0 : i32
    %dma_wait3A_446 = arith.constant 0 : i32
    %dma_wait3A_447 = tpu.memref_slice %arg6[%dma_wait3A_443, %dma_wait3A_445, %dma_wait3A_446] : memref<8x128x64xf32, #tpu.memory_space<vmem>> -> memref<1x128x64xf32, #tpu.memory_space<vmem>>
    %dma_wait3A_448 = tpu.memref_squeeze %dma_wait3A_447 : memref<1x128x64xf32, #tpu.memory_space<vmem>> -> memref<128x64xf32, #tpu.memory_space<vmem>>
    %dma_wait3A_449 = arith.constant 896 : i32
    %dma_wait3A_450 = tpu.memref_slice %arg5[%dma_wait3A_449] : memref<13312xi32, #tpu.memory_space<vmem>> -> memref<128xi32, #tpu.memory_space<vmem>>
    %dma_wait3A_451 = arith.constant 0 : i32
    %dma_wait3A_452 = arith.constant 0 : i32
    %dma_wait3A_453 = tpu.memref_slice %arg2[%dma_wait3A_451, %dma_wait3A_452] : memref<1000000x64xf32, #tpu.memory_space<hbm>> -> memref<1000000x64xf32, #tpu.memory_space<hbm>>
    %dma_wait3A_454 = tpu.memref_slice %arg7[%dma_wait3A_444] : memref<8x!tpu.dma_semaphore, #tpu.memory_space<semaphore_mem>> -> memref<1x!tpu.dma_semaphore, #tpu.memory_space<semaphore_mem>>
    %dma_wait3A_455 = tpu.memref_squeeze %dma_wait3A_454 : memref<1x!tpu.dma_semaphore, #tpu.memory_space<semaphore_mem>> -> memref<!tpu.dma_semaphore, #tpu.memory_space<semaphore_mem>>
    tpu.wait_indirect_dma semaphore(%dma_wait3A_455 : memref<!tpu.dma_semaphore, #tpu.memory_space<semaphore_mem>>) src(%dma_wait3A_453 : memref<1000000x64xf32, #tpu.memory_space<hbm>>) dst(%dma_wait3A_448 : memref<128x64xf32, #tpu.memory_space<vmem>>)
    %mul3A_456 = arith.constant 104 : i32
    %mul3A_457 = arith.muli %add3A, %mul3A_456 : i32
    %add3A_458 = arith.constant 7 : i32
    %add3A_459 = arith.addi %mul3A_457, %add3A_458 : i32
    %mul3A_460 = arith.constant 128 : i32
    %mul3A_461 = arith.muli %add3A_459, %mul3A_460 : i32
    %dma_start3A_462 = arith.constant 7 : i32
    %dma_start3A_463 = arith.constant 7 : i32
    %dma_start3A_464 = arith.constant 0 : i32
    %dma_start3A_465 = arith.constant 0 : i32
    %dma_start3A_466 = tpu.memref_slice %arg6[%dma_start3A_462, %dma_start3A_464, %dma_start3A_465] : memref<8x128x64xf32, #tpu.memory_space<vmem>> -> memref<1x128x64xf32, #tpu.memory_space<vmem>>
    %dma_start3A_467 = tpu.memref_squeeze %dma_start3A_466 : memref<1x128x64xf32, #tpu.memory_space<vmem>> -> memref<128x64xf32, #tpu.memory_space<vmem>>
    %dma_start3A_468 = arith.constant 0 : i32
    %dma_start3A_469 = tpu.memref_slice %arg4[%mul3A_461, %dma_start3A_468] : memref<425984x64xf32, #tpu.memory_space<hbm>> -> memref<128x64xf32, #tpu.memory_space<hbm>>
    %dma_start3A_470 = tpu.memref_slice %arg8[%dma_start3A_463] : memref<8x!tpu.dma_semaphore, #tpu.memory_space<semaphore_mem>> -> memref<1x!tpu.dma_semaphore, #tpu.memory_space<semaphore_mem>>
    %dma_start3A_471 = tpu.memref_squeeze %dma_start3A_470 : memref<1x!tpu.dma_semaphore, #tpu.memory_space<semaphore_mem>> -> memref<!tpu.dma_semaphore, #tpu.memory_space<semaphore_mem>>
    %dma_start3A_472 = arith.constant 0 : i32
    %dma_start3A_473 = tpu.memref_slice %arg4[%mul3A_461, %dma_start3A_472] : memref<425984x64xf32, #tpu.memory_space<hbm>> -> memref<128x64xf32, #tpu.memory_space<hbm>>
    %dma_start3A_474 = arith.constant 0 : i32
    %dma_start3A_475 = arith.constant 0 : i32
    %dma_start3A_476 = tpu.memref_slice %arg6[%dma_start3A_462, %dma_start3A_474, %dma_start3A_475] : memref<8x128x64xf32, #tpu.memory_space<vmem>> -> memref<1x128x64xf32, #tpu.memory_space<vmem>>
    %dma_start3A_477 = tpu.memref_squeeze %dma_start3A_476 : memref<1x128x64xf32, #tpu.memory_space<vmem>> -> memref<128x64xf32, #tpu.memory_space<vmem>>
    tpu.enqueue_dma source(%dma_start3A_477 : memref<128x64xf32, #tpu.memory_space<vmem>>) target(%dma_start3A_473 : memref<128x64xf32, #tpu.memory_space<hbm>>) target_semaphore(%dma_start3A_471 : memref<!tpu.dma_semaphore, #tpu.memory_space<semaphore_mem>>)
    %dma_wait3A_478 = arith.constant 3 : i32
    %dma_wait3A_479 = arith.constant 3 : i32
    %dma_wait3A_480 = arith.constant 0 : i32
    %dma_wait3A_481 = arith.constant 0 : i32
    %dma_wait3A_482 = tpu.memref_slice %arg6[%dma_wait3A_478, %dma_wait3A_480, %dma_wait3A_481] : memref<8x128x64xf32, #tpu.memory_space<vmem>> -> memref<1x128x64xf32, #tpu.memory_space<vmem>>
    %dma_wait3A_483 = tpu.memref_squeeze %dma_wait3A_482 : memref<1x128x64xf32, #tpu.memory_space<vmem>> -> memref<128x64xf32, #tpu.memory_space<vmem>>
    %dma_wait3A_484 = arith.constant 0 : i32
    %dma_wait3A_485 = arith.constant 0 : i32
    %dma_wait3A_486 = tpu.memref_slice %arg4[%dma_wait3A_484, %dma_wait3A_485] : memref<425984x64xf32, #tpu.memory_space<hbm>> -> memref<128x64xf32, #tpu.memory_space<hbm>>
    %dma_wait3A_487 = tpu.memref_slice %arg8[%dma_wait3A_479] : memref<8x!tpu.dma_semaphore, #tpu.memory_space<semaphore_mem>> -> memref<1x!tpu.dma_semaphore, #tpu.memory_space<semaphore_mem>>
    %dma_wait3A_488 = tpu.memref_squeeze %dma_wait3A_487 : memref<1x!tpu.dma_semaphore, #tpu.memory_space<semaphore_mem>> -> memref<!tpu.dma_semaphore, #tpu.memory_space<semaphore_mem>>
    %dma_wait3A_489 = arith.constant 0 : i32
    %dma_wait3A_490 = arith.constant 0 : i32
    %dma_wait3A_491 = tpu.memref_slice %arg4[%dma_wait3A_489, %dma_wait3A_490] : memref<425984x64xf32, #tpu.memory_space<hbm>> -> memref<128x64xf32, #tpu.memory_space<hbm>>
    %dma_wait3A_492 = arith.constant 0 : i32
    %dma_wait3A_493 = arith.constant 0 : i32
    %dma_wait3A_494 = tpu.memref_slice %arg6[%dma_wait3A_478, %dma_wait3A_492, %dma_wait3A_493] : memref<8x128x64xf32, #tpu.memory_space<vmem>> -> memref<1x128x64xf32, #tpu.memory_space<vmem>>
    %dma_wait3A_495 = tpu.memref_squeeze %dma_wait3A_494 : memref<1x128x64xf32, #tpu.memory_space<vmem>> -> memref<128x64xf32, #tpu.memory_space<vmem>>
    tpu.wait_dma2 semaphore(%dma_wait3A_488 : memref<!tpu.dma_semaphore, #tpu.memory_space<semaphore_mem>>) src(%dma_wait3A_495 : memref<128x64xf32, #tpu.memory_space<vmem>>) dst(%dma_wait3A_491 : memref<128x64xf32, #tpu.memory_space<hbm>>)
    %dma_start3A_496 = arith.constant 3 : i32
    %dma_start3A_497 = arith.constant 3 : i32
    %dma_start3A_498 = arith.constant 0 : i32
    %dma_start3A_499 = arith.constant 0 : i32
    %dma_start3A_500 = tpu.memref_slice %arg6[%dma_start3A_496, %dma_start3A_498, %dma_start3A_499] : memref<8x128x64xf32, #tpu.memory_space<vmem>> -> memref<1x128x64xf32, #tpu.memory_space<vmem>>
    %dma_start3A_501 = tpu.memref_squeeze %dma_start3A_500 : memref<1x128x64xf32, #tpu.memory_space<vmem>> -> memref<128x64xf32, #tpu.memory_space<vmem>>
    %dma_start3A_502 = arith.constant 1408 : i32
    %dma_start3A_503 = tpu.memref_slice %arg5[%dma_start3A_502] : memref<13312xi32, #tpu.memory_space<vmem>> -> memref<128xi32, #tpu.memory_space<vmem>>
    %dma_start3A_504 = arith.constant 0 : i32
    %dma_start3A_505 = arith.constant 0 : i32
    %dma_start3A_506 = tpu.memref_slice %arg2[%dma_start3A_504, %dma_start3A_505] : memref<1000000x64xf32, #tpu.memory_space<hbm>> -> memref<1000000x64xf32, #tpu.memory_space<hbm>>
    %dma_start3A_507 = tpu.memref_slice %arg7[%dma_start3A_497] : memref<8x!tpu.dma_semaphore, #tpu.memory_space<semaphore_mem>> -> memref<1x!tpu.dma_semaphore, #tpu.memory_space<semaphore_mem>>
    %dma_start3A_508 = tpu.memref_squeeze %dma_start3A_507 : memref<1x!tpu.dma_semaphore, #tpu.memory_space<semaphore_mem>> -> memref<!tpu.dma_semaphore, #tpu.memory_space<semaphore_mem>>
    tpu.enqueue_indirect_dma source(%dma_start3A_506 : memref<1000000x64xf32, #tpu.memory_space<hbm>>) target(%dma_start3A_501 : memref<128x64xf32, #tpu.memory_space<vmem>>) offsets(%dma_start3A_503 : memref<128xi32, #tpu.memory_space<vmem>>) semaphore(%dma_start3A_508 : memref<!tpu.dma_semaphore, #tpu.memory_space<semaphore_mem>>)
    %scan3A = arith.constant 0 : i32
    %scan3A_509 = arith.constant 1 : i32
    %scan3A_510 = arith.constant 11 : i32
    %scan3A_511 = arith.addi %scan3A_509, %scan3A_510 : i32
    %scan3A_512 = arith.constant 1 : i32
    scf.for %scan3A_1062 = %scan3A_509 to %scan3A_511 step %scan3A_512  : i32 {
      %mul3A_1063 = arith.constant 8 : i32
      %mul3A_1064 = arith.muli %scan3A_1062, %mul3A_1063 : i32
      %add3A_1065 = arith.constant 0 : i32
      %add3A_1066 = arith.addi %mul3A_1064, %add3A_1065 : i32
      %mul3A_1067 = arith.constant 128 : i32
      %mul3A_1068 = arith.muli %add3A_1066, %mul3A_1067 : i32
      %dma_wait3A_1069 = arith.constant 0 : i32
      %dma_wait3A_1070 = arith.constant 0 : i32
      %dma_wait3A_1071 = arith.constant 0 : i32
      %dma_wait3A_1072 = arith.constant 0 : i32
      %dma_wait3A_1073 = tpu.memref_slice %arg6[%dma_wait3A_1069, %dma_wait3A_1071, %dma_wait3A_1072] : memref<8x128x64xf32, #tpu.memory_space<vmem>> -> memref<1x128x64xf32, #tpu.memory_space<vmem>>
      %dma_wait3A_1074 = tpu.memref_squeeze %dma_wait3A_1073 : memref<1x128x64xf32, #tpu.memory_space<vmem>> -> memref<128x64xf32, #tpu.memory_space<vmem>>
      %dma_wait3A_1075 = tpu.memref_slice %arg5[%mul3A_1068] : memref<13312xi32, #tpu.memory_space<vmem>> -> memref<128xi32, #tpu.memory_space<vmem>>
      %dma_wait3A_1076 = arith.constant 0 : i32
      %dma_wait3A_1077 = arith.constant 0 : i32
      %dma_wait3A_1078 = tpu.memref_slice %arg2[%dma_wait3A_1076, %dma_wait3A_1077] : memref<1000000x64xf32, #tpu.memory_space<hbm>> -> memref<1000000x64xf32, #tpu.memory_space<hbm>>
      %dma_wait3A_1079 = tpu.memref_slice %arg7[%dma_wait3A_1070] : memref<8x!tpu.dma_semaphore, #tpu.memory_space<semaphore_mem>> -> memref<1x!tpu.dma_semaphore, #tpu.memory_space<semaphore_mem>>
      %dma_wait3A_1080 = tpu.memref_squeeze %dma_wait3A_1079 : memref<1x!tpu.dma_semaphore, #tpu.memory_space<semaphore_mem>> -> memref<!tpu.dma_semaphore, #tpu.memory_space<semaphore_mem>>
      tpu.wait_indirect_dma semaphore(%dma_wait3A_1080 : memref<!tpu.dma_semaphore, #tpu.memory_space<semaphore_mem>>) src(%dma_wait3A_1078 : memref<1000000x64xf32, #tpu.memory_space<hbm>>) dst(%dma_wait3A_1074 : memref<128x64xf32, #tpu.memory_space<vmem>>)
      %mul3A_1081 = arith.constant 104 : i32
      %mul3A_1082 = arith.muli %add3A, %mul3A_1081 : i32
      %add3A_1083 = arith.addi %mul3A_1082, %add3A_1066 : i32
      %mul3A_1084 = arith.constant 128 : i32
      %mul3A_1085 = arith.muli %add3A_1083, %mul3A_1084 : i32
      %dma_start3A_1086 = arith.constant 0 : i32
      %dma_start3A_1087 = arith.constant 0 : i32
      %dma_start3A_1088 = arith.constant 0 : i32
      %dma_start3A_1089 = arith.constant 0 : i32
      %dma_start3A_1090 = tpu.memref_slice %arg6[%dma_start3A_1086, %dma_start3A_1088, %dma_start3A_1089] : memref<8x128x64xf32, #tpu.memory_space<vmem>> -> memref<1x128x64xf32, #tpu.memory_space<vmem>>
      %dma_start3A_1091 = tpu.memref_squeeze %dma_start3A_1090 : memref<1x128x64xf32, #tpu.memory_space<vmem>> -> memref<128x64xf32, #tpu.memory_space<vmem>>
      %dma_start3A_1092 = arith.constant 0 : i32
      %dma_start3A_1093 = tpu.memref_slice %arg4[%mul3A_1085, %dma_start3A_1092] : memref<425984x64xf32, #tpu.memory_space<hbm>> -> memref<128x64xf32, #tpu.memory_space<hbm>>
      %dma_start3A_1094 = tpu.memref_slice %arg8[%dma_start3A_1087] : memref<8x!tpu.dma_semaphore, #tpu.memory_space<semaphore_mem>> -> memref<1x!tpu.dma_semaphore, #tpu.memory_space<semaphore_mem>>
      %dma_start3A_1095 = tpu.memref_squeeze %dma_start3A_1094 : memref<1x!tpu.dma_semaphore, #tpu.memory_space<semaphore_mem>> -> memref<!tpu.dma_semaphore, #tpu.memory_space<semaphore_mem>>
      %dma_start3A_1096 = arith.constant 0 : i32
      %dma_start3A_1097 = tpu.memref_slice %arg4[%mul3A_1085, %dma_start3A_1096] : memref<425984x64xf32, #tpu.memory_space<hbm>> -> memref<128x64xf32, #tpu.memory_space<hbm>>
      %dma_start3A_1098 = arith.constant 0 : i32
      %dma_start3A_1099 = arith.constant 0 : i32
      %dma_start3A_1100 = tpu.memref_slice %arg6[%dma_start3A_1086, %dma_start3A_1098, %dma_start3A_1099] : memref<8x128x64xf32, #tpu.memory_space<vmem>> -> memref<1x128x64xf32, #tpu.memory_space<vmem>>
      %dma_start3A_1101 = tpu.memref_squeeze %dma_start3A_1100 : memref<1x128x64xf32, #tpu.memory_space<vmem>> -> memref<128x64xf32, #tpu.memory_space<vmem>>
      tpu.enqueue_dma source(%dma_start3A_1101 : memref<128x64xf32, #tpu.memory_space<vmem>>) target(%dma_start3A_1097 : memref<128x64xf32, #tpu.memory_space<hbm>>) target_semaphore(%dma_start3A_1095 : memref<!tpu.dma_semaphore, #tpu.memory_space<semaphore_mem>>)
      %dma_wait3A_1102 = arith.constant 4 : i32
      %dma_wait3A_1103 = arith.constant 4 : i32
      %dma_wait3A_1104 = arith.constant 0 : i32
      %dma_wait3A_1105 = arith.constant 0 : i32
      %dma_wait3A_1106 = tpu.memref_slice %arg6[%dma_wait3A_1102, %dma_wait3A_1104, %dma_wait3A_1105] : memref<8x128x64xf32, #tpu.memory_space<vmem>> -> memref<1x128x64xf32, #tpu.memory_space<vmem>>
      %dma_wait3A_1107 = tpu.memref_squeeze %dma_wait3A_1106 : memref<1x128x64xf32, #tpu.memory_space<vmem>> -> memref<128x64xf32, #tpu.memory_space<vmem>>
      %dma_wait3A_1108 = arith.constant 0 : i32
      %dma_wait3A_1109 = arith.constant 0 : i32
      %dma_wait3A_1110 = tpu.memref_slice %arg4[%dma_wait3A_1108, %dma_wait3A_1109] : memref<425984x64xf32, #tpu.memory_space<hbm>> -> memref<128x64xf32, #tpu.memory_space<hbm>>
      %dma_wait3A_1111 = tpu.memref_slice %arg8[%dma_wait3A_1103] : memref<8x!tpu.dma_semaphore, #tpu.memory_space<semaphore_mem>> -> memref<1x!tpu.dma_semaphore, #tpu.memory_space<semaphore_mem>>
      %dma_wait3A_1112 = tpu.memref_squeeze %dma_wait3A_1111 : memref<1x!tpu.dma_semaphore, #tpu.memory_space<semaphore_mem>> -> memref<!tpu.dma_semaphore, #tpu.memory_space<semaphore_mem>>
      %dma_wait3A_1113 = arith.constant 0 : i32
      %dma_wait3A_1114 = arith.constant 0 : i32
      %dma_wait3A_1115 = tpu.memref_slice %arg4[%dma_wait3A_1113, %dma_wait3A_1114] : memref<425984x64xf32, #tpu.memory_space<hbm>> -> memref<128x64xf32, #tpu.memory_space<hbm>>
      %dma_wait3A_1116 = arith.constant 0 : i32
      %dma_wait3A_1117 = arith.constant 0 : i32
      %dma_wait3A_1118 = tpu.memref_slice %arg6[%dma_wait3A_1102, %dma_wait3A_1116, %dma_wait3A_1117] : memref<8x128x64xf32, #tpu.memory_space<vmem>> -> memref<1x128x64xf32, #tpu.memory_space<vmem>>
      %dma_wait3A_1119 = tpu.memref_squeeze %dma_wait3A_1118 : memref<1x128x64xf32, #tpu.memory_space<vmem>> -> memref<128x64xf32, #tpu.memory_space<vmem>>
      tpu.wait_dma2 semaphore(%dma_wait3A_1112 : memref<!tpu.dma_semaphore, #tpu.memory_space<semaphore_mem>>) src(%dma_wait3A_1119 : memref<128x64xf32, #tpu.memory_space<vmem>>) dst(%dma_wait3A_1115 : memref<128x64xf32, #tpu.memory_space<hbm>>)
      %add3A_1120 = arith.constant 4 : i32
      %add3A_1121 = arith.addi %add3A_1066, %add3A_1120 : i32
      %mul3A_1122 = arith.constant 128 : i32
      %mul3A_1123 = arith.muli %add3A_1121, %mul3A_1122 : i32
      %dma_start3A_1124 = arith.constant 4 : i32
      %dma_start3A_1125 = arith.constant 4 : i32
      %dma_start3A_1126 = arith.constant 0 : i32
      %dma_start3A_1127 = arith.constant 0 : i32
      %dma_start3A_1128 = tpu.memref_slice %arg6[%dma_start3A_1124, %dma_start3A_1126, %dma_start3A_1127] : memref<8x128x64xf32, #tpu.memory_space<vmem>> -> memref<1x128x64xf32, #tpu.memory_space<vmem>>
      %dma_start3A_1129 = tpu.memref_squeeze %dma_start3A_1128 : memref<1x128x64xf32, #tpu.memory_space<vmem>> -> memref<128x64xf32, #tpu.memory_space<vmem>>
      %dma_start3A_1130 = tpu.memref_slice %arg5[%mul3A_1123] : memref<13312xi32, #tpu.memory_space<vmem>> -> memref<128xi32, #tpu.memory_space<vmem>>
      %dma_start3A_1131 = arith.constant 0 : i32
      %dma_start3A_1132 = arith.constant 0 : i32
      %dma_start3A_1133 = tpu.memref_slice %arg2[%dma_start3A_1131, %dma_start3A_1132] : memref<1000000x64xf32, #tpu.memory_space<hbm>> -> memref<1000000x64xf32, #tpu.memory_space<hbm>>
      %dma_start3A_1134 = tpu.memref_slice %arg7[%dma_start3A_1125] : memref<8x!tpu.dma_semaphore, #tpu.memory_space<semaphore_mem>> -> memref<1x!tpu.dma_semaphore, #tpu.memory_space<semaphore_mem>>
      %dma_start3A_1135 = tpu.memref_squeeze %dma_start3A_1134 : memref<1x!tpu.dma_semaphore, #tpu.memory_space<semaphore_mem>> -> memref<!tpu.dma_semaphore, #tpu.memory_space<semaphore_mem>>
      tpu.enqueue_indirect_dma source(%dma_start3A_1133 : memref<1000000x64xf32, #tpu.memory_space<hbm>>) target(%dma_start3A_1129 : memref<128x64xf32, #tpu.memory_space<vmem>>) offsets(%dma_start3A_1130 : memref<128xi32, #tpu.memory_space<vmem>>) semaphore(%dma_start3A_1135 : memref<!tpu.dma_semaphore, #tpu.memory_space<semaphore_mem>>)
      %mul3A_1136 = arith.constant 8 : i32
      %mul3A_1137 = arith.muli %scan3A_1062, %mul3A_1136 : i32
      %add3A_1138 = arith.constant 1 : i32
      %add3A_1139 = arith.addi %mul3A_1137, %add3A_1138 : i32
      %mul3A_1140 = arith.constant 128 : i32
      %mul3A_1141 = arith.muli %add3A_1139, %mul3A_1140 : i32
      %dma_wait3A_1142 = arith.constant 1 : i32
      %dma_wait3A_1143 = arith.constant 1 : i32
      %dma_wait3A_1144 = arith.constant 0 : i32
      %dma_wait3A_1145 = arith.constant 0 : i32
      %dma_wait3A_1146 = tpu.memref_slice %arg6[%dma_wait3A_1142, %dma_wait3A_1144, %dma_wait3A_1145] : memref<8x128x64xf32, #tpu.memory_space<vmem>> -> memref<1x128x64xf32, #tpu.memory_space<vmem>>
      %dma_wait3A_1147 = tpu.memref_squeeze %dma_wait3A_1146 : memref<1x128x64xf32, #tpu.memory_space<vmem>> -> memref<128x64xf32, #tpu.memory_space<vmem>>
      %dma_wait3A_1148 = tpu.memref_slice %arg5[%mul3A_1141] : memref<13312xi32, #tpu.memory_space<vmem>> -> memref<128xi32, #tpu.memory_space<vmem>>
      %dma_wait3A_1149 = arith.constant 0 : i32
      %dma_wait3A_1150 = arith.constant 0 : i32
      %dma_wait3A_1151 = tpu.memref_slice %arg2[%dma_wait3A_1149, %dma_wait3A_1150] : memref<1000000x64xf32, #tpu.memory_space<hbm>> -> memref<1000000x64xf32, #tpu.memory_space<hbm>>
      %dma_wait3A_1152 = tpu.memref_slice %arg7[%dma_wait3A_1143] : memref<8x!tpu.dma_semaphore, #tpu.memory_space<semaphore_mem>> -> memref<1x!tpu.dma_semaphore, #tpu.memory_space<semaphore_mem>>
      %dma_wait3A_1153 = tpu.memref_squeeze %dma_wait3A_1152 : memref<1x!tpu.dma_semaphore, #tpu.memory_space<semaphore_mem>> -> memref<!tpu.dma_semaphore, #tpu.memory_space<semaphore_mem>>
      tpu.wait_indirect_dma semaphore(%dma_wait3A_1153 : memref<!tpu.dma_semaphore, #tpu.memory_space<semaphore_mem>>) src(%dma_wait3A_1151 : memref<1000000x64xf32, #tpu.memory_space<hbm>>) dst(%dma_wait3A_1147 : memref<128x64xf32, #tpu.memory_space<vmem>>)
      %mul3A_1154 = arith.constant 104 : i32
      %mul3A_1155 = arith.muli %add3A, %mul3A_1154 : i32
      %add3A_1156 = arith.addi %mul3A_1155, %add3A_1139 : i32
      %mul3A_1157 = arith.constant 128 : i32
      %mul3A_1158 = arith.muli %add3A_1156, %mul3A_1157 : i32
      %dma_start3A_1159 = arith.constant 1 : i32
      %dma_start3A_1160 = arith.constant 1 : i32
      %dma_start3A_1161 = arith.constant 0 : i32
      %dma_start3A_1162 = arith.constant 0 : i32
      %dma_start3A_1163 = tpu.memref_slice %arg6[%dma_start3A_1159, %dma_start3A_1161, %dma_start3A_1162] : memref<8x128x64xf32, #tpu.memory_space<vmem>> -> memref<1x128x64xf32, #tpu.memory_space<vmem>>
      %dma_start3A_1164 = tpu.memref_squeeze %dma_start3A_1163 : memref<1x128x64xf32, #tpu.memory_space<vmem>> -> memref<128x64xf32, #tpu.memory_space<vmem>>
      %dma_start3A_1165 = arith.constant 0 : i32
      %dma_start3A_1166 = tpu.memref_slice %arg4[%mul3A_1158, %dma_start3A_1165] : memref<425984x64xf32, #tpu.memory_space<hbm>> -> memref<128x64xf32, #tpu.memory_space<hbm>>
      %dma_start3A_1167 = tpu.memref_slice %arg8[%dma_start3A_1160] : memref<8x!tpu.dma_semaphore, #tpu.memory_space<semaphore_mem>> -> memref<1x!tpu.dma_semaphore, #tpu.memory_space<semaphore_mem>>
      %dma_start3A_1168 = tpu.memref_squeeze %dma_start3A_1167 : memref<1x!tpu.dma_semaphore, #tpu.memory_space<semaphore_mem>> -> memref<!tpu.dma_semaphore, #tpu.memory_space<semaphore_mem>>
      %dma_start3A_1169 = arith.constant 0 : i32
      %dma_start3A_1170 = tpu.memref_slice %arg4[%mul3A_1158, %dma_start3A_1169] : memref<425984x64xf32, #tpu.memory_space<hbm>> -> memref<128x64xf32, #tpu.memory_space<hbm>>
      %dma_start3A_1171 = arith.constant 0 : i32
      %dma_start3A_1172 = arith.constant 0 : i32
      %dma_start3A_1173 = tpu.memref_slice %arg6[%dma_start3A_1159, %dma_start3A_1171, %dma_start3A_1172] : memref<8x128x64xf32, #tpu.memory_space<vmem>> -> memref<1x128x64xf32, #tpu.memory_space<vmem>>
      %dma_start3A_1174 = tpu.memref_squeeze %dma_start3A_1173 : memref<1x128x64xf32, #tpu.memory_space<vmem>> -> memref<128x64xf32, #tpu.memory_space<vmem>>
      tpu.enqueue_dma source(%dma_start3A_1174 : memref<128x64xf32, #tpu.memory_space<vmem>>) target(%dma_start3A_1170 : memref<128x64xf32, #tpu.memory_space<hbm>>) target_semaphore(%dma_start3A_1168 : memref<!tpu.dma_semaphore, #tpu.memory_space<semaphore_mem>>)
      %dma_wait3A_1175 = arith.constant 5 : i32
      %dma_wait3A_1176 = arith.constant 5 : i32
      %dma_wait3A_1177 = arith.constant 0 : i32
      %dma_wait3A_1178 = arith.constant 0 : i32
      %dma_wait3A_1179 = tpu.memref_slice %arg6[%dma_wait3A_1175, %dma_wait3A_1177, %dma_wait3A_1178] : memref<8x128x64xf32, #tpu.memory_space<vmem>> -> memref<1x128x64xf32, #tpu.memory_space<vmem>>
      %dma_wait3A_1180 = tpu.memref_squeeze %dma_wait3A_1179 : memref<1x128x64xf32, #tpu.memory_space<vmem>> -> memref<128x64xf32, #tpu.memory_space<vmem>>
      %dma_wait3A_1181 = arith.constant 0 : i32
      %dma_wait3A_1182 = arith.constant 0 : i32
      %dma_wait3A_1183 = tpu.memref_slice %arg4[%dma_wait3A_1181, %dma_wait3A_1182] : memref<425984x64xf32, #tpu.memory_space<hbm>> -> memref<128x64xf32, #tpu.memory_space<hbm>>
      %dma_wait3A_1184 = tpu.memref_slice %arg8[%dma_wait3A_1176] : memref<8x!tpu.dma_semaphore, #tpu.memory_space<semaphore_mem>> -> memref<1x!tpu.dma_semaphore, #tpu.memory_space<semaphore_mem>>
      %dma_wait3A_1185 = tpu.memref_squeeze %dma_wait3A_1184 : memref<1x!tpu.dma_semaphore, #tpu.memory_space<semaphore_mem>> -> memref<!tpu.dma_semaphore, #tpu.memory_space<semaphore_mem>>
      %dma_wait3A_1186 = arith.constant 0 : i32
      %dma_wait3A_1187 = arith.constant 0 : i32
      %dma_wait3A_1188 = tpu.memref_slice %arg4[%dma_wait3A_1186, %dma_wait3A_1187] : memref<425984x64xf32, #tpu.memory_space<hbm>> -> memref<128x64xf32, #tpu.memory_space<hbm>>
      %dma_wait3A_1189 = arith.constant 0 : i32
      %dma_wait3A_1190 = arith.constant 0 : i32
      %dma_wait3A_1191 = tpu.memref_slice %arg6[%dma_wait3A_1175, %dma_wait3A_1189, %dma_wait3A_1190] : memref<8x128x64xf32, #tpu.memory_space<vmem>> -> memref<1x128x64xf32, #tpu.memory_space<vmem>>
      %dma_wait3A_1192 = tpu.memref_squeeze %dma_wait3A_1191 : memref<1x128x64xf32, #tpu.memory_space<vmem>> -> memref<128x64xf32, #tpu.memory_space<vmem>>
      tpu.wait_dma2 semaphore(%dma_wait3A_1185 : memref<!tpu.dma_semaphore, #tpu.memory_space<semaphore_mem>>) src(%dma_wait3A_1192 : memref<128x64xf32, #tpu.memory_space<vmem>>) dst(%dma_wait3A_1188 : memref<128x64xf32, #tpu.memory_space<hbm>>)
      %add3A_1193 = arith.constant 4 : i32
      %add3A_1194 = arith.addi %add3A_1139, %add3A_1193 : i32
      %mul3A_1195 = arith.constant 128 : i32
      %mul3A_1196 = arith.muli %add3A_1194, %mul3A_1195 : i32
      %dma_start3A_1197 = arith.constant 5 : i32
      %dma_start3A_1198 = arith.constant 5 : i32
      %dma_start3A_1199 = arith.constant 0 : i32
      %dma_start3A_1200 = arith.constant 0 : i32
      %dma_start3A_1201 = tpu.memref_slice %arg6[%dma_start3A_1197, %dma_start3A_1199, %dma_start3A_1200] : memref<8x128x64xf32, #tpu.memory_space<vmem>> -> memref<1x128x64xf32, #tpu.memory_space<vmem>>
      %dma_start3A_1202 = tpu.memref_squeeze %dma_start3A_1201 : memref<1x128x64xf32, #tpu.memory_space<vmem>> -> memref<128x64xf32, #tpu.memory_space<vmem>>
      %dma_start3A_1203 = tpu.memref_slice %arg5[%mul3A_1196] : memref<13312xi32, #tpu.memory_space<vmem>> -> memref<128xi32, #tpu.memory_space<vmem>>
      %dma_start3A_1204 = arith.constant 0 : i32
      %dma_start3A_1205 = arith.constant 0 : i32
      %dma_start3A_1206 = tpu.memref_slice %arg2[%dma_start3A_1204, %dma_start3A_1205] : memref<1000000x64xf32, #tpu.memory_space<hbm>> -> memref<1000000x64xf32, #tpu.memory_space<hbm>>
      %dma_start3A_1207 = tpu.memref_slice %arg7[%dma_start3A_1198] : memref<8x!tpu.dma_semaphore, #tpu.memory_space<semaphore_mem>> -> memref<1x!tpu.dma_semaphore, #tpu.memory_space<semaphore_mem>>
      %dma_start3A_1208 = tpu.memref_squeeze %dma_start3A_1207 : memref<1x!tpu.dma_semaphore, #tpu.memory_space<semaphore_mem>> -> memref<!tpu.dma_semaphore, #tpu.memory_space<semaphore_mem>>
      tpu.enqueue_indirect_dma source(%dma_start3A_1206 : memref<1000000x64xf32, #tpu.memory_space<hbm>>) target(%dma_start3A_1202 : memref<128x64xf32, #tpu.memory_space<vmem>>) offsets(%dma_start3A_1203 : memref<128xi32, #tpu.memory_space<vmem>>) semaphore(%dma_start3A_1208 : memref<!tpu.dma_semaphore, #tpu.memory_space<semaphore_mem>>)
      %mul3A_1209 = arith.constant 8 : i32
      %mul3A_1210 = arith.muli %scan3A_1062, %mul3A_1209 : i32
      %add3A_1211 = arith.constant 2 : i32
      %add3A_1212 = arith.addi %mul3A_1210, %add3A_1211 : i32
      %mul3A_1213 = arith.constant 128 : i32
      %mul3A_1214 = arith.muli %add3A_1212, %mul3A_1213 : i32
      %dma_wait3A_1215 = arith.constant 2 : i32
      %dma_wait3A_1216 = arith.constant 2 : i32
      %dma_wait3A_1217 = arith.constant 0 : i32
      %dma_wait3A_1218 = arith.constant 0 : i32
      %dma_wait3A_1219 = tpu.memref_slice %arg6[%dma_wait3A_1215, %dma_wait3A_1217, %dma_wait3A_1218] : memref<8x128x64xf32, #tpu.memory_space<vmem>> -> memref<1x128x64xf32, #tpu.memory_space<vmem>>
      %dma_wait3A_1220 = tpu.memref_squeeze %dma_wait3A_1219 : memref<1x128x64xf32, #tpu.memory_space<vmem>> -> memref<128x64xf32, #tpu.memory_space<vmem>>
      %dma_wait3A_1221 = tpu.memref_slice %arg5[%mul3A_1214] : memref<13312xi32, #tpu.memory_space<vmem>> -> memref<128xi32, #tpu.memory_space<vmem>>
      %dma_wait3A_1222 = arith.constant 0 : i32
      %dma_wait3A_1223 = arith.constant 0 : i32
      %dma_wait3A_1224 = tpu.memref_slice %arg2[%dma_wait3A_1222, %dma_wait3A_1223] : memref<1000000x64xf32, #tpu.memory_space<hbm>> -> memref<1000000x64xf32, #tpu.memory_space<hbm>>
      %dma_wait3A_1225 = tpu.memref_slice %arg7[%dma_wait3A_1216] : memref<8x!tpu.dma_semaphore, #tpu.memory_space<semaphore_mem>> -> memref<1x!tpu.dma_semaphore, #tpu.memory_space<semaphore_mem>>
      %dma_wait3A_1226 = tpu.memref_squeeze %dma_wait3A_1225 : memref<1x!tpu.dma_semaphore, #tpu.memory_space<semaphore_mem>> -> memref<!tpu.dma_semaphore, #tpu.memory_space<semaphore_mem>>
      tpu.wait_indirect_dma semaphore(%dma_wait3A_1226 : memref<!tpu.dma_semaphore, #tpu.memory_space<semaphore_mem>>) src(%dma_wait3A_1224 : memref<1000000x64xf32, #tpu.memory_space<hbm>>) dst(%dma_wait3A_1220 : memref<128x64xf32, #tpu.memory_space<vmem>>)
      %mul3A_1227 = arith.constant 104 : i32
      %mul3A_1228 = arith.muli %add3A, %mul3A_1227 : i32
      %add3A_1229 = arith.addi %mul3A_1228, %add3A_1212 : i32
      %mul3A_1230 = arith.constant 128 : i32
      %mul3A_1231 = arith.muli %add3A_1229, %mul3A_1230 : i32
      %dma_start3A_1232 = arith.constant 2 : i32
      %dma_start3A_1233 = arith.constant 2 : i32
      %dma_start3A_1234 = arith.constant 0 : i32
      %dma_start3A_1235 = arith.constant 0 : i32
      %dma_start3A_1236 = tpu.memref_slice %arg6[%dma_start3A_1232, %dma_start3A_1234, %dma_start3A_1235] : memref<8x128x64xf32, #tpu.memory_space<vmem>> -> memref<1x128x64xf32, #tpu.memory_space<vmem>>
      %dma_start3A_1237 = tpu.memref_squeeze %dma_start3A_1236 : memref<1x128x64xf32, #tpu.memory_space<vmem>> -> memref<128x64xf32, #tpu.memory_space<vmem>>
      %dma_start3A_1238 = arith.constant 0 : i32
      %dma_start3A_1239 = tpu.memref_slice %arg4[%mul3A_1231, %dma_start3A_1238] : memref<425984x64xf32, #tpu.memory_space<hbm>> -> memref<128x64xf32, #tpu.memory_space<hbm>>
      %dma_start3A_1240 = tpu.memref_slice %arg8[%dma_start3A_1233] : memref<8x!tpu.dma_semaphore, #tpu.memory_space<semaphore_mem>> -> memref<1x!tpu.dma_semaphore, #tpu.memory_space<semaphore_mem>>
      %dma_start3A_1241 = tpu.memref_squeeze %dma_start3A_1240 : memref<1x!tpu.dma_semaphore, #tpu.memory_space<semaphore_mem>> -> memref<!tpu.dma_semaphore, #tpu.memory_space<semaphore_mem>>
      %dma_start3A_1242 = arith.constant 0 : i32
      %dma_start3A_1243 = tpu.memref_slice %arg4[%mul3A_1231, %dma_start3A_1242] : memref<425984x64xf32, #tpu.memory_space<hbm>> -> memref<128x64xf32, #tpu.memory_space<hbm>>
      %dma_start3A_1244 = arith.constant 0 : i32
      %dma_start3A_1245 = arith.constant 0 : i32
      %dma_start3A_1246 = tpu.memref_slice %arg6[%dma_start3A_1232, %dma_start3A_1244, %dma_start3A_1245] : memref<8x128x64xf32, #tpu.memory_space<vmem>> -> memref<1x128x64xf32, #tpu.memory_space<vmem>>
      %dma_start3A_1247 = tpu.memref_squeeze %dma_start3A_1246 : memref<1x128x64xf32, #tpu.memory_space<vmem>> -> memref<128x64xf32, #tpu.memory_space<vmem>>
      tpu.enqueue_dma source(%dma_start3A_1247 : memref<128x64xf32, #tpu.memory_space<vmem>>) target(%dma_start3A_1243 : memref<128x64xf32, #tpu.memory_space<hbm>>) target_semaphore(%dma_start3A_1241 : memref<!tpu.dma_semaphore, #tpu.memory_space<semaphore_mem>>)
      %dma_wait3A_1248 = arith.constant 6 : i32
      %dma_wait3A_1249 = arith.constant 6 : i32
      %dma_wait3A_1250 = arith.constant 0 : i32
      %dma_wait3A_1251 = arith.constant 0 : i32
      %dma_wait3A_1252 = tpu.memref_slice %arg6[%dma_wait3A_1248, %dma_wait3A_1250, %dma_wait3A_1251] : memref<8x128x64xf32, #tpu.memory_space<vmem>> -> memref<1x128x64xf32, #tpu.memory_space<vmem>>
      %dma_wait3A_1253 = tpu.memref_squeeze %dma_wait3A_1252 : memref<1x128x64xf32, #tpu.memory_space<vmem>> -> memref<128x64xf32, #tpu.memory_space<vmem>>
      %dma_wait3A_1254 = arith.constant 0 : i32
      %dma_wait3A_1255 = arith.constant 0 : i32
      %dma_wait3A_1256 = tpu.memref_slice %arg4[%dma_wait3A_1254, %dma_wait3A_1255] : memref<425984x64xf32, #tpu.memory_space<hbm>> -> memref<128x64xf32, #tpu.memory_space<hbm>>
      %dma_wait3A_1257 = tpu.memref_slice %arg8[%dma_wait3A_1249] : memref<8x!tpu.dma_semaphore, #tpu.memory_space<semaphore_mem>> -> memref<1x!tpu.dma_semaphore, #tpu.memory_space<semaphore_mem>>
      %dma_wait3A_1258 = tpu.memref_squeeze %dma_wait3A_1257 : memref<1x!tpu.dma_semaphore, #tpu.memory_space<semaphore_mem>> -> memref<!tpu.dma_semaphore, #tpu.memory_space<semaphore_mem>>
      %dma_wait3A_1259 = arith.constant 0 : i32
      %dma_wait3A_1260 = arith.constant 0 : i32
      %dma_wait3A_1261 = tpu.memref_slice %arg4[%dma_wait3A_1259, %dma_wait3A_1260] : memref<425984x64xf32, #tpu.memory_space<hbm>> -> memref<128x64xf32, #tpu.memory_space<hbm>>
      %dma_wait3A_1262 = arith.constant 0 : i32
      %dma_wait3A_1263 = arith.constant 0 : i32
      %dma_wait3A_1264 = tpu.memref_slice %arg6[%dma_wait3A_1248, %dma_wait3A_1262, %dma_wait3A_1263] : memref<8x128x64xf32, #tpu.memory_space<vmem>> -> memref<1x128x64xf32, #tpu.memory_space<vmem>>
      %dma_wait3A_1265 = tpu.memref_squeeze %dma_wait3A_1264 : memref<1x128x64xf32, #tpu.memory_space<vmem>> -> memref<128x64xf32, #tpu.memory_space<vmem>>
      tpu.wait_dma2 semaphore(%dma_wait3A_1258 : memref<!tpu.dma_semaphore, #tpu.memory_space<semaphore_mem>>) src(%dma_wait3A_1265 : memref<128x64xf32, #tpu.memory_space<vmem>>) dst(%dma_wait3A_1261 : memref<128x64xf32, #tpu.memory_space<hbm>>)
      %add3A_1266 = arith.constant 4 : i32
      %add3A_1267 = arith.addi %add3A_1212, %add3A_1266 : i32
      %mul3A_1268 = arith.constant 128 : i32
      %mul3A_1269 = arith.muli %add3A_1267, %mul3A_1268 : i32
      %dma_start3A_1270 = arith.constant 6 : i32
      %dma_start3A_1271 = arith.constant 6 : i32
      %dma_start3A_1272 = arith.constant 0 : i32
      %dma_start3A_1273 = arith.constant 0 : i32
      %dma_start3A_1274 = tpu.memref_slice %arg6[%dma_start3A_1270, %dma_start3A_1272, %dma_start3A_1273] : memref<8x128x64xf32, #tpu.memory_space<vmem>> -> memref<1x128x64xf32, #tpu.memory_space<vmem>>
      %dma_start3A_1275 = tpu.memref_squeeze %dma_start3A_1274 : memref<1x128x64xf32, #tpu.memory_space<vmem>> -> memref<128x64xf32, #tpu.memory_space<vmem>>
      %dma_start3A_1276 = tpu.memref_slice %arg5[%mul3A_1269] : memref<13312xi32, #tpu.memory_space<vmem>> -> memref<128xi32, #tpu.memory_space<vmem>>
      %dma_start3A_1277 = arith.constant 0 : i32
      %dma_start3A_1278 = arith.constant 0 : i32
      %dma_start3A_1279 = tpu.memref_slice %arg2[%dma_start3A_1277, %dma_start3A_1278] : memref<1000000x64xf32, #tpu.memory_space<hbm>> -> memref<1000000x64xf32, #tpu.memory_space<hbm>>
      %dma_start3A_1280 = tpu.memref_slice %arg7[%dma_start3A_1271] : memref<8x!tpu.dma_semaphore, #tpu.memory_space<semaphore_mem>> -> memref<1x!tpu.dma_semaphore, #tpu.memory_space<semaphore_mem>>
      %dma_start3A_1281 = tpu.memref_squeeze %dma_start3A_1280 : memref<1x!tpu.dma_semaphore, #tpu.memory_space<semaphore_mem>> -> memref<!tpu.dma_semaphore, #tpu.memory_space<semaphore_mem>>
      tpu.enqueue_indirect_dma source(%dma_start3A_1279 : memref<1000000x64xf32, #tpu.memory_space<hbm>>) target(%dma_start3A_1275 : memref<128x64xf32, #tpu.memory_space<vmem>>) offsets(%dma_start3A_1276 : memref<128xi32, #tpu.memory_space<vmem>>) semaphore(%dma_start3A_1281 : memref<!tpu.dma_semaphore, #tpu.memory_space<semaphore_mem>>)
      %mul3A_1282 = arith.constant 8 : i32
      %mul3A_1283 = arith.muli %scan3A_1062, %mul3A_1282 : i32
      %add3A_1284 = arith.constant 3 : i32
      %add3A_1285 = arith.addi %mul3A_1283, %add3A_1284 : i32
      %mul3A_1286 = arith.constant 128 : i32
      %mul3A_1287 = arith.muli %add3A_1285, %mul3A_1286 : i32
      %dma_wait3A_1288 = arith.constant 3 : i32
      %dma_wait3A_1289 = arith.constant 3 : i32
      %dma_wait3A_1290 = arith.constant 0 : i32
      %dma_wait3A_1291 = arith.constant 0 : i32
      %dma_wait3A_1292 = tpu.memref_slice %arg6[%dma_wait3A_1288, %dma_wait3A_1290, %dma_wait3A_1291] : memref<8x128x64xf32, #tpu.memory_space<vmem>> -> memref<1x128x64xf32, #tpu.memory_space<vmem>>
      %dma_wait3A_1293 = tpu.memref_squeeze %dma_wait3A_1292 : memref<1x128x64xf32, #tpu.memory_space<vmem>> -> memref<128x64xf32, #tpu.memory_space<vmem>>
      %dma_wait3A_1294 = tpu.memref_slice %arg5[%mul3A_1287] : memref<13312xi32, #tpu.memory_space<vmem>> -> memref<128xi32, #tpu.memory_space<vmem>>
      %dma_wait3A_1295 = arith.constant 0 : i32
      %dma_wait3A_1296 = arith.constant 0 : i32
      %dma_wait3A_1297 = tpu.memref_slice %arg2[%dma_wait3A_1295, %dma_wait3A_1296] : memref<1000000x64xf32, #tpu.memory_space<hbm>> -> memref<1000000x64xf32, #tpu.memory_space<hbm>>
      %dma_wait3A_1298 = tpu.memref_slice %arg7[%dma_wait3A_1289] : memref<8x!tpu.dma_semaphore, #tpu.memory_space<semaphore_mem>> -> memref<1x!tpu.dma_semaphore, #tpu.memory_space<semaphore_mem>>
      %dma_wait3A_1299 = tpu.memref_squeeze %dma_wait3A_1298 : memref<1x!tpu.dma_semaphore, #tpu.memory_space<semaphore_mem>> -> memref<!tpu.dma_semaphore, #tpu.memory_space<semaphore_mem>>
      tpu.wait_indirect_dma semaphore(%dma_wait3A_1299 : memref<!tpu.dma_semaphore, #tpu.memory_space<semaphore_mem>>) src(%dma_wait3A_1297 : memref<1000000x64xf32, #tpu.memory_space<hbm>>) dst(%dma_wait3A_1293 : memref<128x64xf32, #tpu.memory_space<vmem>>)
      %mul3A_1300 = arith.constant 104 : i32
      %mul3A_1301 = arith.muli %add3A, %mul3A_1300 : i32
      %add3A_1302 = arith.addi %mul3A_1301, %add3A_1285 : i32
      %mul3A_1303 = arith.constant 128 : i32
      %mul3A_1304 = arith.muli %add3A_1302, %mul3A_1303 : i32
      %dma_start3A_1305 = arith.constant 3 : i32
      %dma_start3A_1306 = arith.constant 3 : i32
      %dma_start3A_1307 = arith.constant 0 : i32
      %dma_start3A_1308 = arith.constant 0 : i32
      %dma_start3A_1309 = tpu.memref_slice %arg6[%dma_start3A_1305, %dma_start3A_1307, %dma_start3A_1308] : memref<8x128x64xf32, #tpu.memory_space<vmem>> -> memref<1x128x64xf32, #tpu.memory_space<vmem>>
      %dma_start3A_1310 = tpu.memref_squeeze %dma_start3A_1309 : memref<1x128x64xf32, #tpu.memory_space<vmem>> -> memref<128x64xf32, #tpu.memory_space<vmem>>
      %dma_start3A_1311 = arith.constant 0 : i32
      %dma_start3A_1312 = tpu.memref_slice %arg4[%mul3A_1304, %dma_start3A_1311] : memref<425984x64xf32, #tpu.memory_space<hbm>> -> memref<128x64xf32, #tpu.memory_space<hbm>>
      %dma_start3A_1313 = tpu.memref_slice %arg8[%dma_start3A_1306] : memref<8x!tpu.dma_semaphore, #tpu.memory_space<semaphore_mem>> -> memref<1x!tpu.dma_semaphore, #tpu.memory_space<semaphore_mem>>
      %dma_start3A_1314 = tpu.memref_squeeze %dma_start3A_1313 : memref<1x!tpu.dma_semaphore, #tpu.memory_space<semaphore_mem>> -> memref<!tpu.dma_semaphore, #tpu.memory_space<semaphore_mem>>
      %dma_start3A_1315 = arith.constant 0 : i32
      %dma_start3A_1316 = tpu.memref_slice %arg4[%mul3A_1304, %dma_start3A_1315] : memref<425984x64xf32, #tpu.memory_space<hbm>> -> memref<128x64xf32, #tpu.memory_space<hbm>>
      %dma_start3A_1317 = arith.constant 0 : i32
      %dma_start3A_1318 = arith.constant 0 : i32
      %dma_start3A_1319 = tpu.memref_slice %arg6[%dma_start3A_1305, %dma_start3A_1317, %dma_start3A_1318] : memref<8x128x64xf32, #tpu.memory_space<vmem>> -> memref<1x128x64xf32, #tpu.memory_space<vmem>>
      %dma_start3A_1320 = tpu.memref_squeeze %dma_start3A_1319 : memref<1x128x64xf32, #tpu.memory_space<vmem>> -> memref<128x64xf32, #tpu.memory_space<vmem>>
      tpu.enqueue_dma source(%dma_start3A_1320 : memref<128x64xf32, #tpu.memory_space<vmem>>) target(%dma_start3A_1316 : memref<128x64xf32, #tpu.memory_space<hbm>>) target_semaphore(%dma_start3A_1314 : memref<!tpu.dma_semaphore, #tpu.memory_space<semaphore_mem>>)
      %dma_wait3A_1321 = arith.constant 7 : i32
      %dma_wait3A_1322 = arith.constant 7 : i32
      %dma_wait3A_1323 = arith.constant 0 : i32
      %dma_wait3A_1324 = arith.constant 0 : i32
      %dma_wait3A_1325 = tpu.memref_slice %arg6[%dma_wait3A_1321, %dma_wait3A_1323, %dma_wait3A_1324] : memref<8x128x64xf32, #tpu.memory_space<vmem>> -> memref<1x128x64xf32, #tpu.memory_space<vmem>>
      %dma_wait3A_1326 = tpu.memref_squeeze %dma_wait3A_1325 : memref<1x128x64xf32, #tpu.memory_space<vmem>> -> memref<128x64xf32, #tpu.memory_space<vmem>>
      %dma_wait3A_1327 = arith.constant 0 : i32
      %dma_wait3A_1328 = arith.constant 0 : i32
      %dma_wait3A_1329 = tpu.memref_slice %arg4[%dma_wait3A_1327, %dma_wait3A_1328] : memref<425984x64xf32, #tpu.memory_space<hbm>> -> memref<128x64xf32, #tpu.memory_space<hbm>>
      %dma_wait3A_1330 = tpu.memref_slice %arg8[%dma_wait3A_1322] : memref<8x!tpu.dma_semaphore, #tpu.memory_space<semaphore_mem>> -> memref<1x!tpu.dma_semaphore, #tpu.memory_space<semaphore_mem>>
      %dma_wait3A_1331 = tpu.memref_squeeze %dma_wait3A_1330 : memref<1x!tpu.dma_semaphore, #tpu.memory_space<semaphore_mem>> -> memref<!tpu.dma_semaphore, #tpu.memory_space<semaphore_mem>>
      %dma_wait3A_1332 = arith.constant 0 : i32
      %dma_wait3A_1333 = arith.constant 0 : i32
      %dma_wait3A_1334 = tpu.memref_slice %arg4[%dma_wait3A_1332, %dma_wait3A_1333] : memref<425984x64xf32, #tpu.memory_space<hbm>> -> memref<128x64xf32, #tpu.memory_space<hbm>>
      %dma_wait3A_1335 = arith.constant 0 : i32
      %dma_wait3A_1336 = arith.constant 0 : i32
      %dma_wait3A_1337 = tpu.memref_slice %arg6[%dma_wait3A_1321, %dma_wait3A_1335, %dma_wait3A_1336] : memref<8x128x64xf32, #tpu.memory_space<vmem>> -> memref<1x128x64xf32, #tpu.memory_space<vmem>>
      %dma_wait3A_1338 = tpu.memref_squeeze %dma_wait3A_1337 : memref<1x128x64xf32, #tpu.memory_space<vmem>> -> memref<128x64xf32, #tpu.memory_space<vmem>>
      tpu.wait_dma2 semaphore(%dma_wait3A_1331 : memref<!tpu.dma_semaphore, #tpu.memory_space<semaphore_mem>>) src(%dma_wait3A_1338 : memref<128x64xf32, #tpu.memory_space<vmem>>) dst(%dma_wait3A_1334 : memref<128x64xf32, #tpu.memory_space<hbm>>)
      %add3A_1339 = arith.constant 4 : i32
      %add3A_1340 = arith.addi %add3A_1285, %add3A_1339 : i32
      %mul3A_1341 = arith.constant 128 : i32
      %mul3A_1342 = arith.muli %add3A_1340, %mul3A_1341 : i32
      %dma_start3A_1343 = arith.constant 7 : i32
      %dma_start3A_1344 = arith.constant 7 : i32
      %dma_start3A_1345 = arith.constant 0 : i32
      %dma_start3A_1346 = arith.constant 0 : i32
      %dma_start3A_1347 = tpu.memref_slice %arg6[%dma_start3A_1343, %dma_start3A_1345, %dma_start3A_1346] : memref<8x128x64xf32, #tpu.memory_space<vmem>> -> memref<1x128x64xf32, #tpu.memory_space<vmem>>
      %dma_start3A_1348 = tpu.memref_squeeze %dma_start3A_1347 : memref<1x128x64xf32, #tpu.memory_space<vmem>> -> memref<128x64xf32, #tpu.memory_space<vmem>>
      %dma_start3A_1349 = tpu.memref_slice %arg5[%mul3A_1342] : memref<13312xi32, #tpu.memory_space<vmem>> -> memref<128xi32, #tpu.memory_space<vmem>>
      %dma_start3A_1350 = arith.constant 0 : i32
      %dma_start3A_1351 = arith.constant 0 : i32
      %dma_start3A_1352 = tpu.memref_slice %arg2[%dma_start3A_1350, %dma_start3A_1351] : memref<1000000x64xf32, #tpu.memory_space<hbm>> -> memref<1000000x64xf32, #tpu.memory_space<hbm>>
      %dma_start3A_1353 = tpu.memref_slice %arg7[%dma_start3A_1344] : memref<8x!tpu.dma_semaphore, #tpu.memory_space<semaphore_mem>> -> memref<1x!tpu.dma_semaphore, #tpu.memory_space<semaphore_mem>>
      %dma_start3A_1354 = tpu.memref_squeeze %dma_start3A_1353 : memref<1x!tpu.dma_semaphore, #tpu.memory_space<semaphore_mem>> -> memref<!tpu.dma_semaphore, #tpu.memory_space<semaphore_mem>>
      tpu.enqueue_indirect_dma source(%dma_start3A_1352 : memref<1000000x64xf32, #tpu.memory_space<hbm>>) target(%dma_start3A_1348 : memref<128x64xf32, #tpu.memory_space<vmem>>) offsets(%dma_start3A_1349 : memref<128xi32, #tpu.memory_space<vmem>>) semaphore(%dma_start3A_1354 : memref<!tpu.dma_semaphore, #tpu.memory_space<semaphore_mem>>)
      %mul3A_1355 = arith.constant 8 : i32
      %mul3A_1356 = arith.muli %scan3A_1062, %mul3A_1355 : i32
      %add3A_1357 = arith.constant 4 : i32
      %add3A_1358 = arith.addi %mul3A_1356, %add3A_1357 : i32
      %mul3A_1359 = arith.constant 128 : i32
      %mul3A_1360 = arith.muli %add3A_1358, %mul3A_1359 : i32
      %dma_wait3A_1361 = arith.constant 4 : i32
      %dma_wait3A_1362 = arith.constant 4 : i32
      %dma_wait3A_1363 = arith.constant 0 : i32
      %dma_wait3A_1364 = arith.constant 0 : i32
      %dma_wait3A_1365 = tpu.memref_slice %arg6[%dma_wait3A_1361, %dma_wait3A_1363, %dma_wait3A_1364] : memref<8x128x64xf32, #tpu.memory_space<vmem>> -> memref<1x128x64xf32, #tpu.memory_space<vmem>>
      %dma_wait3A_1366 = tpu.memref_squeeze %dma_wait3A_1365 : memref<1x128x64xf32, #tpu.memory_space<vmem>> -> memref<128x64xf32, #tpu.memory_space<vmem>>
      %dma_wait3A_1367 = tpu.memref_slice %arg5[%mul3A_1360] : memref<13312xi32, #tpu.memory_space<vmem>> -> memref<128xi32, #tpu.memory_space<vmem>>
      %dma_wait3A_1368 = arith.constant 0 : i32
      %dma_wait3A_1369 = arith.constant 0 : i32
      %dma_wait3A_1370 = tpu.memref_slice %arg2[%dma_wait3A_1368, %dma_wait3A_1369] : memref<1000000x64xf32, #tpu.memory_space<hbm>> -> memref<1000000x64xf32, #tpu.memory_space<hbm>>
      %dma_wait3A_1371 = tpu.memref_slice %arg7[%dma_wait3A_1362] : memref<8x!tpu.dma_semaphore, #tpu.memory_space<semaphore_mem>> -> memref<1x!tpu.dma_semaphore, #tpu.memory_space<semaphore_mem>>
      %dma_wait3A_1372 = tpu.memref_squeeze %dma_wait3A_1371 : memref<1x!tpu.dma_semaphore, #tpu.memory_space<semaphore_mem>> -> memref<!tpu.dma_semaphore, #tpu.memory_space<semaphore_mem>>
      tpu.wait_indirect_dma semaphore(%dma_wait3A_1372 : memref<!tpu.dma_semaphore, #tpu.memory_space<semaphore_mem>>) src(%dma_wait3A_1370 : memref<1000000x64xf32, #tpu.memory_space<hbm>>) dst(%dma_wait3A_1366 : memref<128x64xf32, #tpu.memory_space<vmem>>)
      %mul3A_1373 = arith.constant 104 : i32
      %mul3A_1374 = arith.muli %add3A, %mul3A_1373 : i32
      %add3A_1375 = arith.addi %mul3A_1374, %add3A_1358 : i32
      %mul3A_1376 = arith.constant 128 : i32
      %mul3A_1377 = arith.muli %add3A_1375, %mul3A_1376 : i32
      %dma_start3A_1378 = arith.constant 4 : i32
      %dma_start3A_1379 = arith.constant 4 : i32
      %dma_start3A_1380 = arith.constant 0 : i32
      %dma_start3A_1381 = arith.constant 0 : i32
      %dma_start3A_1382 = tpu.memref_slice %arg6[%dma_start3A_1378, %dma_start3A_1380, %dma_start3A_1381] : memref<8x128x64xf32, #tpu.memory_space<vmem>> -> memref<1x128x64xf32, #tpu.memory_space<vmem>>
      %dma_start3A_1383 = tpu.memref_squeeze %dma_start3A_1382 : memref<1x128x64xf32, #tpu.memory_space<vmem>> -> memref<128x64xf32, #tpu.memory_space<vmem>>
      %dma_start3A_1384 = arith.constant 0 : i32
      %dma_start3A_1385 = tpu.memref_slice %arg4[%mul3A_1377, %dma_start3A_1384] : memref<425984x64xf32, #tpu.memory_space<hbm>> -> memref<128x64xf32, #tpu.memory_space<hbm>>
      %dma_start3A_1386 = tpu.memref_slice %arg8[%dma_start3A_1379] : memref<8x!tpu.dma_semaphore, #tpu.memory_space<semaphore_mem>> -> memref<1x!tpu.dma_semaphore, #tpu.memory_space<semaphore_mem>>
      %dma_start3A_1387 = tpu.memref_squeeze %dma_start3A_1386 : memref<1x!tpu.dma_semaphore, #tpu.memory_space<semaphore_mem>> -> memref<!tpu.dma_semaphore, #tpu.memory_space<semaphore_mem>>
      %dma_start3A_1388 = arith.constant 0 : i32
      %dma_start3A_1389 = tpu.memref_slice %arg4[%mul3A_1377, %dma_start3A_1388] : memref<425984x64xf32, #tpu.memory_space<hbm>> -> memref<128x64xf32, #tpu.memory_space<hbm>>
      %dma_start3A_1390 = arith.constant 0 : i32
      %dma_start3A_1391 = arith.constant 0 : i32
      %dma_start3A_1392 = tpu.memref_slice %arg6[%dma_start3A_1378, %dma_start3A_1390, %dma_start3A_1391] : memref<8x128x64xf32, #tpu.memory_space<vmem>> -> memref<1x128x64xf32, #tpu.memory_space<vmem>>
      %dma_start3A_1393 = tpu.memref_squeeze %dma_start3A_1392 : memref<1x128x64xf32, #tpu.memory_space<vmem>> -> memref<128x64xf32, #tpu.memory_space<vmem>>
      tpu.enqueue_dma source(%dma_start3A_1393 : memref<128x64xf32, #tpu.memory_space<vmem>>) target(%dma_start3A_1389 : memref<128x64xf32, #tpu.memory_space<hbm>>) target_semaphore(%dma_start3A_1387 : memref<!tpu.dma_semaphore, #tpu.memory_space<semaphore_mem>>)
      %dma_wait3A_1394 = arith.constant 0 : i32
      %dma_wait3A_1395 = arith.constant 0 : i32
      %dma_wait3A_1396 = arith.constant 0 : i32
      %dma_wait3A_1397 = arith.constant 0 : i32
      %dma_wait3A_1398 = tpu.memref_slice %arg6[%dma_wait3A_1394, %dma_wait3A_1396, %dma_wait3A_1397] : memref<8x128x64xf32, #tpu.memory_space<vmem>> -> memref<1x128x64xf32, #tpu.memory_space<vmem>>
      %dma_wait3A_1399 = tpu.memref_squeeze %dma_wait3A_1398 : memref<1x128x64xf32, #tpu.memory_space<vmem>> -> memref<128x64xf32, #tpu.memory_space<vmem>>
      %dma_wait3A_1400 = arith.constant 0 : i32
      %dma_wait3A_1401 = arith.constant 0 : i32
      %dma_wait3A_1402 = tpu.memref_slice %arg4[%dma_wait3A_1400, %dma_wait3A_1401] : memref<425984x64xf32, #tpu.memory_space<hbm>> -> memref<128x64xf32, #tpu.memory_space<hbm>>
      %dma_wait3A_1403 = tpu.memref_slice %arg8[%dma_wait3A_1395] : memref<8x!tpu.dma_semaphore, #tpu.memory_space<semaphore_mem>> -> memref<1x!tpu.dma_semaphore, #tpu.memory_space<semaphore_mem>>
      %dma_wait3A_1404 = tpu.memref_squeeze %dma_wait3A_1403 : memref<1x!tpu.dma_semaphore, #tpu.memory_space<semaphore_mem>> -> memref<!tpu.dma_semaphore, #tpu.memory_space<semaphore_mem>>
      %dma_wait3A_1405 = arith.constant 0 : i32
      %dma_wait3A_1406 = arith.constant 0 : i32
      %dma_wait3A_1407 = tpu.memref_slice %arg4[%dma_wait3A_1405, %dma_wait3A_1406] : memref<425984x64xf32, #tpu.memory_space<hbm>> -> memref<128x64xf32, #tpu.memory_space<hbm>>
      %dma_wait3A_1408 = arith.constant 0 : i32
      %dma_wait3A_1409 = arith.constant 0 : i32
      %dma_wait3A_1410 = tpu.memref_slice %arg6[%dma_wait3A_1394, %dma_wait3A_1408, %dma_wait3A_1409] : memref<8x128x64xf32, #tpu.memory_space<vmem>> -> memref<1x128x64xf32, #tpu.memory_space<vmem>>
      %dma_wait3A_1411 = tpu.memref_squeeze %dma_wait3A_1410 : memref<1x128x64xf32, #tpu.memory_space<vmem>> -> memref<128x64xf32, #tpu.memory_space<vmem>>
      tpu.wait_dma2 semaphore(%dma_wait3A_1404 : memref<!tpu.dma_semaphore, #tpu.memory_space<semaphore_mem>>) src(%dma_wait3A_1411 : memref<128x64xf32, #tpu.memory_space<vmem>>) dst(%dma_wait3A_1407 : memref<128x64xf32, #tpu.memory_space<hbm>>)
      %add3A_1412 = arith.constant 4 : i32
      %add3A_1413 = arith.addi %add3A_1358, %add3A_1412 : i32
      %mul3A_1414 = arith.constant 128 : i32
      %mul3A_1415 = arith.muli %add3A_1413, %mul3A_1414 : i32
      %dma_start3A_1416 = arith.constant 0 : i32
      %dma_start3A_1417 = arith.constant 0 : i32
      %dma_start3A_1418 = arith.constant 0 : i32
      %dma_start3A_1419 = arith.constant 0 : i32
      %dma_start3A_1420 = tpu.memref_slice %arg6[%dma_start3A_1416, %dma_start3A_1418, %dma_start3A_1419] : memref<8x128x64xf32, #tpu.memory_space<vmem>> -> memref<1x128x64xf32, #tpu.memory_space<vmem>>
      %dma_start3A_1421 = tpu.memref_squeeze %dma_start3A_1420 : memref<1x128x64xf32, #tpu.memory_space<vmem>> -> memref<128x64xf32, #tpu.memory_space<vmem>>
      %dma_start3A_1422 = tpu.memref_slice %arg5[%mul3A_1415] : memref<13312xi32, #tpu.memory_space<vmem>> -> memref<128xi32, #tpu.memory_space<vmem>>
      %dma_start3A_1423 = arith.constant 0 : i32
      %dma_start3A_1424 = arith.constant 0 : i32
      %dma_start3A_1425 = tpu.memref_slice %arg2[%dma_start3A_1423, %dma_start3A_1424] : memref<1000000x64xf32, #tpu.memory_space<hbm>> -> memref<1000000x64xf32, #tpu.memory_space<hbm>>
      %dma_start3A_1426 = tpu.memref_slice %arg7[%dma_start3A_1417] : memref<8x!tpu.dma_semaphore, #tpu.memory_space<semaphore_mem>> -> memref<1x!tpu.dma_semaphore, #tpu.memory_space<semaphore_mem>>
      %dma_start3A_1427 = tpu.memref_squeeze %dma_start3A_1426 : memref<1x!tpu.dma_semaphore, #tpu.memory_space<semaphore_mem>> -> memref<!tpu.dma_semaphore, #tpu.memory_space<semaphore_mem>>
      tpu.enqueue_indirect_dma source(%dma_start3A_1425 : memref<1000000x64xf32, #tpu.memory_space<hbm>>) target(%dma_start3A_1421 : memref<128x64xf32, #tpu.memory_space<vmem>>) offsets(%dma_start3A_1422 : memref<128xi32, #tpu.memory_space<vmem>>) semaphore(%dma_start3A_1427 : memref<!tpu.dma_semaphore, #tpu.memory_space<semaphore_mem>>)
      %mul3A_1428 = arith.constant 8 : i32
      %mul3A_1429 = arith.muli %scan3A_1062, %mul3A_1428 : i32
      %add3A_1430 = arith.constant 5 : i32
      %add3A_1431 = arith.addi %mul3A_1429, %add3A_1430 : i32
      %mul3A_1432 = arith.constant 128 : i32
      %mul3A_1433 = arith.muli %add3A_1431, %mul3A_1432 : i32
      %dma_wait3A_1434 = arith.constant 5 : i32
      %dma_wait3A_1435 = arith.constant 5 : i32
      %dma_wait3A_1436 = arith.constant 0 : i32
      %dma_wait3A_1437 = arith.constant 0 : i32
      %dma_wait3A_1438 = tpu.memref_slice %arg6[%dma_wait3A_1434, %dma_wait3A_1436, %dma_wait3A_1437] : memref<8x128x64xf32, #tpu.memory_space<vmem>> -> memref<1x128x64xf32, #tpu.memory_space<vmem>>
      %dma_wait3A_1439 = tpu.memref_squeeze %dma_wait3A_1438 : memref<1x128x64xf32, #tpu.memory_space<vmem>> -> memref<128x64xf32, #tpu.memory_space<vmem>>
      %dma_wait3A_1440 = tpu.memref_slice %arg5[%mul3A_1433] : memref<13312xi32, #tpu.memory_space<vmem>> -> memref<128xi32, #tpu.memory_space<vmem>>
      %dma_wait3A_1441 = arith.constant 0 : i32
      %dma_wait3A_1442 = arith.constant 0 : i32
      %dma_wait3A_1443 = tpu.memref_slice %arg2[%dma_wait3A_1441, %dma_wait3A_1442] : memref<1000000x64xf32, #tpu.memory_space<hbm>> -> memref<1000000x64xf32, #tpu.memory_space<hbm>>
      %dma_wait3A_1444 = tpu.memref_slice %arg7[%dma_wait3A_1435] : memref<8x!tpu.dma_semaphore, #tpu.memory_space<semaphore_mem>> -> memref<1x!tpu.dma_semaphore, #tpu.memory_space<semaphore_mem>>
      %dma_wait3A_1445 = tpu.memref_squeeze %dma_wait3A_1444 : memref<1x!tpu.dma_semaphore, #tpu.memory_space<semaphore_mem>> -> memref<!tpu.dma_semaphore, #tpu.memory_space<semaphore_mem>>
      tpu.wait_indirect_dma semaphore(%dma_wait3A_1445 : memref<!tpu.dma_semaphore, #tpu.memory_space<semaphore_mem>>) src(%dma_wait3A_1443 : memref<1000000x64xf32, #tpu.memory_space<hbm>>) dst(%dma_wait3A_1439 : memref<128x64xf32, #tpu.memory_space<vmem>>)
      %mul3A_1446 = arith.constant 104 : i32
      %mul3A_1447 = arith.muli %add3A, %mul3A_1446 : i32
      %add3A_1448 = arith.addi %mul3A_1447, %add3A_1431 : i32
      %mul3A_1449 = arith.constant 128 : i32
      %mul3A_1450 = arith.muli %add3A_1448, %mul3A_1449 : i32
      %dma_start3A_1451 = arith.constant 5 : i32
      %dma_start3A_1452 = arith.constant 5 : i32
      %dma_start3A_1453 = arith.constant 0 : i32
      %dma_start3A_1454 = arith.constant 0 : i32
      %dma_start3A_1455 = tpu.memref_slice %arg6[%dma_start3A_1451, %dma_start3A_1453, %dma_start3A_1454] : memref<8x128x64xf32, #tpu.memory_space<vmem>> -> memref<1x128x64xf32, #tpu.memory_space<vmem>>
      %dma_start3A_1456 = tpu.memref_squeeze %dma_start3A_1455 : memref<1x128x64xf32, #tpu.memory_space<vmem>> -> memref<128x64xf32, #tpu.memory_space<vmem>>
      %dma_start3A_1457 = arith.constant 0 : i32
      %dma_start3A_1458 = tpu.memref_slice %arg4[%mul3A_1450, %dma_start3A_1457] : memref<425984x64xf32, #tpu.memory_space<hbm>> -> memref<128x64xf32, #tpu.memory_space<hbm>>
      %dma_start3A_1459 = tpu.memref_slice %arg8[%dma_start3A_1452] : memref<8x!tpu.dma_semaphore, #tpu.memory_space<semaphore_mem>> -> memref<1x!tpu.dma_semaphore, #tpu.memory_space<semaphore_mem>>
      %dma_start3A_1460 = tpu.memref_squeeze %dma_start3A_1459 : memref<1x!tpu.dma_semaphore, #tpu.memory_space<semaphore_mem>> -> memref<!tpu.dma_semaphore, #tpu.memory_space<semaphore_mem>>
      %dma_start3A_1461 = arith.constant 0 : i32
      %dma_start3A_1462 = tpu.memref_slice %arg4[%mul3A_1450, %dma_start3A_1461] : memref<425984x64xf32, #tpu.memory_space<hbm>> -> memref<128x64xf32, #tpu.memory_space<hbm>>
      %dma_start3A_1463 = arith.constant 0 : i32
      %dma_start3A_1464 = arith.constant 0 : i32
      %dma_start3A_1465 = tpu.memref_slice %arg6[%dma_start3A_1451, %dma_start3A_1463, %dma_start3A_1464] : memref<8x128x64xf32, #tpu.memory_space<vmem>> -> memref<1x128x64xf32, #tpu.memory_space<vmem>>
      %dma_start3A_1466 = tpu.memref_squeeze %dma_start3A_1465 : memref<1x128x64xf32, #tpu.memory_space<vmem>> -> memref<128x64xf32, #tpu.memory_space<vmem>>
      tpu.enqueue_dma source(%dma_start3A_1466 : memref<128x64xf32, #tpu.memory_space<vmem>>) target(%dma_start3A_1462 : memref<128x64xf32, #tpu.memory_space<hbm>>) target_semaphore(%dma_start3A_1460 : memref<!tpu.dma_semaphore, #tpu.memory_space<semaphore_mem>>)
      %dma_wait3A_1467 = arith.constant 1 : i32
      %dma_wait3A_1468 = arith.constant 1 : i32
      %dma_wait3A_1469 = arith.constant 0 : i32
      %dma_wait3A_1470 = arith.constant 0 : i32
      %dma_wait3A_1471 = tpu.memref_slice %arg6[%dma_wait3A_1467, %dma_wait3A_1469, %dma_wait3A_1470] : memref<8x128x64xf32, #tpu.memory_space<vmem>> -> memref<1x128x64xf32, #tpu.memory_space<vmem>>
      %dma_wait3A_1472 = tpu.memref_squeeze %dma_wait3A_1471 : memref<1x128x64xf32, #tpu.memory_space<vmem>> -> memref<128x64xf32, #tpu.memory_space<vmem>>
      %dma_wait3A_1473 = arith.constant 0 : i32
      %dma_wait3A_1474 = arith.constant 0 : i32
      %dma_wait3A_1475 = tpu.memref_slice %arg4[%dma_wait3A_1473, %dma_wait3A_1474] : memref<425984x64xf32, #tpu.memory_space<hbm>> -> memref<128x64xf32, #tpu.memory_space<hbm>>
      %dma_wait3A_1476 = tpu.memref_slice %arg8[%dma_wait3A_1468] : memref<8x!tpu.dma_semaphore, #tpu.memory_space<semaphore_mem>> -> memref<1x!tpu.dma_semaphore, #tpu.memory_space<semaphore_mem>>
      %dma_wait3A_1477 = tpu.memref_squeeze %dma_wait3A_1476 : memref<1x!tpu.dma_semaphore, #tpu.memory_space<semaphore_mem>> -> memref<!tpu.dma_semaphore, #tpu.memory_space<semaphore_mem>>
      %dma_wait3A_1478 = arith.constant 0 : i32
      %dma_wait3A_1479 = arith.constant 0 : i32
      %dma_wait3A_1480 = tpu.memref_slice %arg4[%dma_wait3A_1478, %dma_wait3A_1479] : memref<425984x64xf32, #tpu.memory_space<hbm>> -> memref<128x64xf32, #tpu.memory_space<hbm>>
      %dma_wait3A_1481 = arith.constant 0 : i32
      %dma_wait3A_1482 = arith.constant 0 : i32
      %dma_wait3A_1483 = tpu.memref_slice %arg6[%dma_wait3A_1467, %dma_wait3A_1481, %dma_wait3A_1482] : memref<8x128x64xf32, #tpu.memory_space<vmem>> -> memref<1x128x64xf32, #tpu.memory_space<vmem>>
      %dma_wait3A_1484 = tpu.memref_squeeze %dma_wait3A_1483 : memref<1x128x64xf32, #tpu.memory_space<vmem>> -> memref<128x64xf32, #tpu.memory_space<vmem>>
      tpu.wait_dma2 semaphore(%dma_wait3A_1477 : memref<!tpu.dma_semaphore, #tpu.memory_space<semaphore_mem>>) src(%dma_wait3A_1484 : memref<128x64xf32, #tpu.memory_space<vmem>>) dst(%dma_wait3A_1480 : memref<128x64xf32, #tpu.memory_space<hbm>>)
      %add3A_1485 = arith.constant 4 : i32
      %add3A_1486 = arith.addi %add3A_1431, %add3A_1485 : i32
      %mul3A_1487 = arith.constant 128 : i32
      %mul3A_1488 = arith.muli %add3A_1486, %mul3A_1487 : i32
      %dma_start3A_1489 = arith.constant 1 : i32
      %dma_start3A_1490 = arith.constant 1 : i32
      %dma_start3A_1491 = arith.constant 0 : i32
      %dma_start3A_1492 = arith.constant 0 : i32
      %dma_start3A_1493 = tpu.memref_slice %arg6[%dma_start3A_1489, %dma_start3A_1491, %dma_start3A_1492] : memref<8x128x64xf32, #tpu.memory_space<vmem>> -> memref<1x128x64xf32, #tpu.memory_space<vmem>>
      %dma_start3A_1494 = tpu.memref_squeeze %dma_start3A_1493 : memref<1x128x64xf32, #tpu.memory_space<vmem>> -> memref<128x64xf32, #tpu.memory_space<vmem>>
      %dma_start3A_1495 = tpu.memref_slice %arg5[%mul3A_1488] : memref<13312xi32, #tpu.memory_space<vmem>> -> memref<128xi32, #tpu.memory_space<vmem>>
      %dma_start3A_1496 = arith.constant 0 : i32
      %dma_start3A_1497 = arith.constant 0 : i32
      %dma_start3A_1498 = tpu.memref_slice %arg2[%dma_start3A_1496, %dma_start3A_1497] : memref<1000000x64xf32, #tpu.memory_space<hbm>> -> memref<1000000x64xf32, #tpu.memory_space<hbm>>
      %dma_start3A_1499 = tpu.memref_slice %arg7[%dma_start3A_1490] : memref<8x!tpu.dma_semaphore, #tpu.memory_space<semaphore_mem>> -> memref<1x!tpu.dma_semaphore, #tpu.memory_space<semaphore_mem>>
      %dma_start3A_1500 = tpu.memref_squeeze %dma_start3A_1499 : memref<1x!tpu.dma_semaphore, #tpu.memory_space<semaphore_mem>> -> memref<!tpu.dma_semaphore, #tpu.memory_space<semaphore_mem>>
      tpu.enqueue_indirect_dma source(%dma_start3A_1498 : memref<1000000x64xf32, #tpu.memory_space<hbm>>) target(%dma_start3A_1494 : memref<128x64xf32, #tpu.memory_space<vmem>>) offsets(%dma_start3A_1495 : memref<128xi32, #tpu.memory_space<vmem>>) semaphore(%dma_start3A_1500 : memref<!tpu.dma_semaphore, #tpu.memory_space<semaphore_mem>>)
      %mul3A_1501 = arith.constant 8 : i32
      %mul3A_1502 = arith.muli %scan3A_1062, %mul3A_1501 : i32
      %add3A_1503 = arith.constant 6 : i32
      %add3A_1504 = arith.addi %mul3A_1502, %add3A_1503 : i32
      %mul3A_1505 = arith.constant 128 : i32
      %mul3A_1506 = arith.muli %add3A_1504, %mul3A_1505 : i32
      %dma_wait3A_1507 = arith.constant 6 : i32
      %dma_wait3A_1508 = arith.constant 6 : i32
      %dma_wait3A_1509 = arith.constant 0 : i32
      %dma_wait3A_1510 = arith.constant 0 : i32
      %dma_wait3A_1511 = tpu.memref_slice %arg6[%dma_wait3A_1507, %dma_wait3A_1509, %dma_wait3A_1510] : memref<8x128x64xf32, #tpu.memory_space<vmem>> -> memref<1x128x64xf32, #tpu.memory_space<vmem>>
      %dma_wait3A_1512 = tpu.memref_squeeze %dma_wait3A_1511 : memref<1x128x64xf32, #tpu.memory_space<vmem>> -> memref<128x64xf32, #tpu.memory_space<vmem>>
      %dma_wait3A_1513 = tpu.memref_slice %arg5[%mul3A_1506] : memref<13312xi32, #tpu.memory_space<vmem>> -> memref<128xi32, #tpu.memory_space<vmem>>
      %dma_wait3A_1514 = arith.constant 0 : i32
      %dma_wait3A_1515 = arith.constant 0 : i32
      %dma_wait3A_1516 = tpu.memref_slice %arg2[%dma_wait3A_1514, %dma_wait3A_1515] : memref<1000000x64xf32, #tpu.memory_space<hbm>> -> memref<1000000x64xf32, #tpu.memory_space<hbm>>
      %dma_wait3A_1517 = tpu.memref_slice %arg7[%dma_wait3A_1508] : memref<8x!tpu.dma_semaphore, #tpu.memory_space<semaphore_mem>> -> memref<1x!tpu.dma_semaphore, #tpu.memory_space<semaphore_mem>>
      %dma_wait3A_1518 = tpu.memref_squeeze %dma_wait3A_1517 : memref<1x!tpu.dma_semaphore, #tpu.memory_space<semaphore_mem>> -> memref<!tpu.dma_semaphore, #tpu.memory_space<semaphore_mem>>
      tpu.wait_indirect_dma semaphore(%dma_wait3A_1518 : memref<!tpu.dma_semaphore, #tpu.memory_space<semaphore_mem>>) src(%dma_wait3A_1516 : memref<1000000x64xf32, #tpu.memory_space<hbm>>) dst(%dma_wait3A_1512 : memref<128x64xf32, #tpu.memory_space<vmem>>)
      %mul3A_1519 = arith.constant 104 : i32
      %mul3A_1520 = arith.muli %add3A, %mul3A_1519 : i32
      %add3A_1521 = arith.addi %mul3A_1520, %add3A_1504 : i32
      %mul3A_1522 = arith.constant 128 : i32
      %mul3A_1523 = arith.muli %add3A_1521, %mul3A_1522 : i32
      %dma_start3A_1524 = arith.constant 6 : i32
      %dma_start3A_1525 = arith.constant 6 : i32
      %dma_start3A_1526 = arith.constant 0 : i32
      %dma_start3A_1527 = arith.constant 0 : i32
      %dma_start3A_1528 = tpu.memref_slice %arg6[%dma_start3A_1524, %dma_start3A_1526, %dma_start3A_1527] : memref<8x128x64xf32, #tpu.memory_space<vmem>> -> memref<1x128x64xf32, #tpu.memory_space<vmem>>
      %dma_start3A_1529 = tpu.memref_squeeze %dma_start3A_1528 : memref<1x128x64xf32, #tpu.memory_space<vmem>> -> memref<128x64xf32, #tpu.memory_space<vmem>>
      %dma_start3A_1530 = arith.constant 0 : i32
      %dma_start3A_1531 = tpu.memref_slice %arg4[%mul3A_1523, %dma_start3A_1530] : memref<425984x64xf32, #tpu.memory_space<hbm>> -> memref<128x64xf32, #tpu.memory_space<hbm>>
      %dma_start3A_1532 = tpu.memref_slice %arg8[%dma_start3A_1525] : memref<8x!tpu.dma_semaphore, #tpu.memory_space<semaphore_mem>> -> memref<1x!tpu.dma_semaphore, #tpu.memory_space<semaphore_mem>>
      %dma_start3A_1533 = tpu.memref_squeeze %dma_start3A_1532 : memref<1x!tpu.dma_semaphore, #tpu.memory_space<semaphore_mem>> -> memref<!tpu.dma_semaphore, #tpu.memory_space<semaphore_mem>>
      %dma_start3A_1534 = arith.constant 0 : i32
      %dma_start3A_1535 = tpu.memref_slice %arg4[%mul3A_1523, %dma_start3A_1534] : memref<425984x64xf32, #tpu.memory_space<hbm>> -> memref<128x64xf32, #tpu.memory_space<hbm>>
      %dma_start3A_1536 = arith.constant 0 : i32
      %dma_start3A_1537 = arith.constant 0 : i32
      %dma_start3A_1538 = tpu.memref_slice %arg6[%dma_start3A_1524, %dma_start3A_1536, %dma_start3A_1537] : memref<8x128x64xf32, #tpu.memory_space<vmem>> -> memref<1x128x64xf32, #tpu.memory_space<vmem>>
      %dma_start3A_1539 = tpu.memref_squeeze %dma_start3A_1538 : memref<1x128x64xf32, #tpu.memory_space<vmem>> -> memref<128x64xf32, #tpu.memory_space<vmem>>
      tpu.enqueue_dma source(%dma_start3A_1539 : memref<128x64xf32, #tpu.memory_space<vmem>>) target(%dma_start3A_1535 : memref<128x64xf32, #tpu.memory_space<hbm>>) target_semaphore(%dma_start3A_1533 : memref<!tpu.dma_semaphore, #tpu.memory_space<semaphore_mem>>)
      %dma_wait3A_1540 = arith.constant 2 : i32
      %dma_wait3A_1541 = arith.constant 2 : i32
      %dma_wait3A_1542 = arith.constant 0 : i32
      %dma_wait3A_1543 = arith.constant 0 : i32
      %dma_wait3A_1544 = tpu.memref_slice %arg6[%dma_wait3A_1540, %dma_wait3A_1542, %dma_wait3A_1543] : memref<8x128x64xf32, #tpu.memory_space<vmem>> -> memref<1x128x64xf32, #tpu.memory_space<vmem>>
      %dma_wait3A_1545 = tpu.memref_squeeze %dma_wait3A_1544 : memref<1x128x64xf32, #tpu.memory_space<vmem>> -> memref<128x64xf32, #tpu.memory_space<vmem>>
      %dma_wait3A_1546 = arith.constant 0 : i32
      %dma_wait3A_1547 = arith.constant 0 : i32
      %dma_wait3A_1548 = tpu.memref_slice %arg4[%dma_wait3A_1546, %dma_wait3A_1547] : memref<425984x64xf32, #tpu.memory_space<hbm>> -> memref<128x64xf32, #tpu.memory_space<hbm>>
      %dma_wait3A_1549 = tpu.memref_slice %arg8[%dma_wait3A_1541] : memref<8x!tpu.dma_semaphore, #tpu.memory_space<semaphore_mem>> -> memref<1x!tpu.dma_semaphore, #tpu.memory_space<semaphore_mem>>
      %dma_wait3A_1550 = tpu.memref_squeeze %dma_wait3A_1549 : memref<1x!tpu.dma_semaphore, #tpu.memory_space<semaphore_mem>> -> memref<!tpu.dma_semaphore, #tpu.memory_space<semaphore_mem>>
      %dma_wait3A_1551 = arith.constant 0 : i32
      %dma_wait3A_1552 = arith.constant 0 : i32
      %dma_wait3A_1553 = tpu.memref_slice %arg4[%dma_wait3A_1551, %dma_wait3A_1552] : memref<425984x64xf32, #tpu.memory_space<hbm>> -> memref<128x64xf32, #tpu.memory_space<hbm>>
      %dma_wait3A_1554 = arith.constant 0 : i32
      %dma_wait3A_1555 = arith.constant 0 : i32
      %dma_wait3A_1556 = tpu.memref_slice %arg6[%dma_wait3A_1540, %dma_wait3A_1554, %dma_wait3A_1555] : memref<8x128x64xf32, #tpu.memory_space<vmem>> -> memref<1x128x64xf32, #tpu.memory_space<vmem>>
      %dma_wait3A_1557 = tpu.memref_squeeze %dma_wait3A_1556 : memref<1x128x64xf32, #tpu.memory_space<vmem>> -> memref<128x64xf32, #tpu.memory_space<vmem>>
      tpu.wait_dma2 semaphore(%dma_wait3A_1550 : memref<!tpu.dma_semaphore, #tpu.memory_space<semaphore_mem>>) src(%dma_wait3A_1557 : memref<128x64xf32, #tpu.memory_space<vmem>>) dst(%dma_wait3A_1553 : memref<128x64xf32, #tpu.memory_space<hbm>>)
      %add3A_1558 = arith.constant 4 : i32
      %add3A_1559 = arith.addi %add3A_1504, %add3A_1558 : i32
      %mul3A_1560 = arith.constant 128 : i32
      %mul3A_1561 = arith.muli %add3A_1559, %mul3A_1560 : i32
      %dma_start3A_1562 = arith.constant 2 : i32
      %dma_start3A_1563 = arith.constant 2 : i32
      %dma_start3A_1564 = arith.constant 0 : i32
      %dma_start3A_1565 = arith.constant 0 : i32
      %dma_start3A_1566 = tpu.memref_slice %arg6[%dma_start3A_1562, %dma_start3A_1564, %dma_start3A_1565] : memref<8x128x64xf32, #tpu.memory_space<vmem>> -> memref<1x128x64xf32, #tpu.memory_space<vmem>>
      %dma_start3A_1567 = tpu.memref_squeeze %dma_start3A_1566 : memref<1x128x64xf32, #tpu.memory_space<vmem>> -> memref<128x64xf32, #tpu.memory_space<vmem>>
      %dma_start3A_1568 = tpu.memref_slice %arg5[%mul3A_1561] : memref<13312xi32, #tpu.memory_space<vmem>> -> memref<128xi32, #tpu.memory_space<vmem>>
      %dma_start3A_1569 = arith.constant 0 : i32
      %dma_start3A_1570 = arith.constant 0 : i32
      %dma_start3A_1571 = tpu.memref_slice %arg2[%dma_start3A_1569, %dma_start3A_1570] : memref<1000000x64xf32, #tpu.memory_space<hbm>> -> memref<1000000x64xf32, #tpu.memory_space<hbm>>
      %dma_start3A_1572 = tpu.memref_slice %arg7[%dma_start3A_1563] : memref<8x!tpu.dma_semaphore, #tpu.memory_space<semaphore_mem>> -> memref<1x!tpu.dma_semaphore, #tpu.memory_space<semaphore_mem>>
      %dma_start3A_1573 = tpu.memref_squeeze %dma_start3A_1572 : memref<1x!tpu.dma_semaphore, #tpu.memory_space<semaphore_mem>> -> memref<!tpu.dma_semaphore, #tpu.memory_space<semaphore_mem>>
      tpu.enqueue_indirect_dma source(%dma_start3A_1571 : memref<1000000x64xf32, #tpu.memory_space<hbm>>) target(%dma_start3A_1567 : memref<128x64xf32, #tpu.memory_space<vmem>>) offsets(%dma_start3A_1568 : memref<128xi32, #tpu.memory_space<vmem>>) semaphore(%dma_start3A_1573 : memref<!tpu.dma_semaphore, #tpu.memory_space<semaphore_mem>>)
      %mul3A_1574 = arith.constant 8 : i32
      %mul3A_1575 = arith.muli %scan3A_1062, %mul3A_1574 : i32
      %add3A_1576 = arith.constant 7 : i32
      %add3A_1577 = arith.addi %mul3A_1575, %add3A_1576 : i32
      %mul3A_1578 = arith.constant 128 : i32
      %mul3A_1579 = arith.muli %add3A_1577, %mul3A_1578 : i32
      %dma_wait3A_1580 = arith.constant 7 : i32
      %dma_wait3A_1581 = arith.constant 7 : i32
      %dma_wait3A_1582 = arith.constant 0 : i32
      %dma_wait3A_1583 = arith.constant 0 : i32
      %dma_wait3A_1584 = tpu.memref_slice %arg6[%dma_wait3A_1580, %dma_wait3A_1582, %dma_wait3A_1583] : memref<8x128x64xf32, #tpu.memory_space<vmem>> -> memref<1x128x64xf32, #tpu.memory_space<vmem>>
      %dma_wait3A_1585 = tpu.memref_squeeze %dma_wait3A_1584 : memref<1x128x64xf32, #tpu.memory_space<vmem>> -> memref<128x64xf32, #tpu.memory_space<vmem>>
      %dma_wait3A_1586 = tpu.memref_slice %arg5[%mul3A_1579] : memref<13312xi32, #tpu.memory_space<vmem>> -> memref<128xi32, #tpu.memory_space<vmem>>
      %dma_wait3A_1587 = arith.constant 0 : i32
      %dma_wait3A_1588 = arith.constant 0 : i32
      %dma_wait3A_1589 = tpu.memref_slice %arg2[%dma_wait3A_1587, %dma_wait3A_1588] : memref<1000000x64xf32, #tpu.memory_space<hbm>> -> memref<1000000x64xf32, #tpu.memory_space<hbm>>
      %dma_wait3A_1590 = tpu.memref_slice %arg7[%dma_wait3A_1581] : memref<8x!tpu.dma_semaphore, #tpu.memory_space<semaphore_mem>> -> memref<1x!tpu.dma_semaphore, #tpu.memory_space<semaphore_mem>>
      %dma_wait3A_1591 = tpu.memref_squeeze %dma_wait3A_1590 : memref<1x!tpu.dma_semaphore, #tpu.memory_space<semaphore_mem>> -> memref<!tpu.dma_semaphore, #tpu.memory_space<semaphore_mem>>
      tpu.wait_indirect_dma semaphore(%dma_wait3A_1591 : memref<!tpu.dma_semaphore, #tpu.memory_space<semaphore_mem>>) src(%dma_wait3A_1589 : memref<1000000x64xf32, #tpu.memory_space<hbm>>) dst(%dma_wait3A_1585 : memref<128x64xf32, #tpu.memory_space<vmem>>)
      %mul3A_1592 = arith.constant 104 : i32
      %mul3A_1593 = arith.muli %add3A, %mul3A_1592 : i32
      %add3A_1594 = arith.addi %mul3A_1593, %add3A_1577 : i32
      %mul3A_1595 = arith.constant 128 : i32
      %mul3A_1596 = arith.muli %add3A_1594, %mul3A_1595 : i32
      %dma_start3A_1597 = arith.constant 7 : i32
      %dma_start3A_1598 = arith.constant 7 : i32
      %dma_start3A_1599 = arith.constant 0 : i32
      %dma_start3A_1600 = arith.constant 0 : i32
      %dma_start3A_1601 = tpu.memref_slice %arg6[%dma_start3A_1597, %dma_start3A_1599, %dma_start3A_1600] : memref<8x128x64xf32, #tpu.memory_space<vmem>> -> memref<1x128x64xf32, #tpu.memory_space<vmem>>
      %dma_start3A_1602 = tpu.memref_squeeze %dma_start3A_1601 : memref<1x128x64xf32, #tpu.memory_space<vmem>> -> memref<128x64xf32, #tpu.memory_space<vmem>>
      %dma_start3A_1603 = arith.constant 0 : i32
      %dma_start3A_1604 = tpu.memref_slice %arg4[%mul3A_1596, %dma_start3A_1603] : memref<425984x64xf32, #tpu.memory_space<hbm>> -> memref<128x64xf32, #tpu.memory_space<hbm>>
      %dma_start3A_1605 = tpu.memref_slice %arg8[%dma_start3A_1598] : memref<8x!tpu.dma_semaphore, #tpu.memory_space<semaphore_mem>> -> memref<1x!tpu.dma_semaphore, #tpu.memory_space<semaphore_mem>>
      %dma_start3A_1606 = tpu.memref_squeeze %dma_start3A_1605 : memref<1x!tpu.dma_semaphore, #tpu.memory_space<semaphore_mem>> -> memref<!tpu.dma_semaphore, #tpu.memory_space<semaphore_mem>>
      %dma_start3A_1607 = arith.constant 0 : i32
      %dma_start3A_1608 = tpu.memref_slice %arg4[%mul3A_1596, %dma_start3A_1607] : memref<425984x64xf32, #tpu.memory_space<hbm>> -> memref<128x64xf32, #tpu.memory_space<hbm>>
      %dma_start3A_1609 = arith.constant 0 : i32
      %dma_start3A_1610 = arith.constant 0 : i32
      %dma_start3A_1611 = tpu.memref_slice %arg6[%dma_start3A_1597, %dma_start3A_1609, %dma_start3A_1610] : memref<8x128x64xf32, #tpu.memory_space<vmem>> -> memref<1x128x64xf32, #tpu.memory_space<vmem>>
      %dma_start3A_1612 = tpu.memref_squeeze %dma_start3A_1611 : memref<1x128x64xf32, #tpu.memory_space<vmem>> -> memref<128x64xf32, #tpu.memory_space<vmem>>
      tpu.enqueue_dma source(%dma_start3A_1612 : memref<128x64xf32, #tpu.memory_space<vmem>>) target(%dma_start3A_1608 : memref<128x64xf32, #tpu.memory_space<hbm>>) target_semaphore(%dma_start3A_1606 : memref<!tpu.dma_semaphore, #tpu.memory_space<semaphore_mem>>)
      %dma_wait3A_1613 = arith.constant 3 : i32
      %dma_wait3A_1614 = arith.constant 3 : i32
      %dma_wait3A_1615 = arith.constant 0 : i32
      %dma_wait3A_1616 = arith.constant 0 : i32
      %dma_wait3A_1617 = tpu.memref_slice %arg6[%dma_wait3A_1613, %dma_wait3A_1615, %dma_wait3A_1616] : memref<8x128x64xf32, #tpu.memory_space<vmem>> -> memref<1x128x64xf32, #tpu.memory_space<vmem>>
      %dma_wait3A_1618 = tpu.memref_squeeze %dma_wait3A_1617 : memref<1x128x64xf32, #tpu.memory_space<vmem>> -> memref<128x64xf32, #tpu.memory_space<vmem>>
      %dma_wait3A_1619 = arith.constant 0 : i32
      %dma_wait3A_1620 = arith.constant 0 : i32
      %dma_wait3A_1621 = tpu.memref_slice %arg4[%dma_wait3A_1619, %dma_wait3A_1620] : memref<425984x64xf32, #tpu.memory_space<hbm>> -> memref<128x64xf32, #tpu.memory_space<hbm>>
      %dma_wait3A_1622 = tpu.memref_slice %arg8[%dma_wait3A_1614] : memref<8x!tpu.dma_semaphore, #tpu.memory_space<semaphore_mem>> -> memref<1x!tpu.dma_semaphore, #tpu.memory_space<semaphore_mem>>
      %dma_wait3A_1623 = tpu.memref_squeeze %dma_wait3A_1622 : memref<1x!tpu.dma_semaphore, #tpu.memory_space<semaphore_mem>> -> memref<!tpu.dma_semaphore, #tpu.memory_space<semaphore_mem>>
      %dma_wait3A_1624 = arith.constant 0 : i32
      %dma_wait3A_1625 = arith.constant 0 : i32
      %dma_wait3A_1626 = tpu.memref_slice %arg4[%dma_wait3A_1624, %dma_wait3A_1625] : memref<425984x64xf32, #tpu.memory_space<hbm>> -> memref<128x64xf32, #tpu.memory_space<hbm>>
      %dma_wait3A_1627 = arith.constant 0 : i32
      %dma_wait3A_1628 = arith.constant 0 : i32
      %dma_wait3A_1629 = tpu.memref_slice %arg6[%dma_wait3A_1613, %dma_wait3A_1627, %dma_wait3A_1628] : memref<8x128x64xf32, #tpu.memory_space<vmem>> -> memref<1x128x64xf32, #tpu.memory_space<vmem>>
      %dma_wait3A_1630 = tpu.memref_squeeze %dma_wait3A_1629 : memref<1x128x64xf32, #tpu.memory_space<vmem>> -> memref<128x64xf32, #tpu.memory_space<vmem>>
      tpu.wait_dma2 semaphore(%dma_wait3A_1623 : memref<!tpu.dma_semaphore, #tpu.memory_space<semaphore_mem>>) src(%dma_wait3A_1630 : memref<128x64xf32, #tpu.memory_space<vmem>>) dst(%dma_wait3A_1626 : memref<128x64xf32, #tpu.memory_space<hbm>>)
      %add3A_1631 = arith.constant 4 : i32
      %add3A_1632 = arith.addi %add3A_1577, %add3A_1631 : i32
      %mul3A_1633 = arith.constant 128 : i32
      %mul3A_1634 = arith.muli %add3A_1632, %mul3A_1633 : i32
      %dma_start3A_1635 = arith.constant 3 : i32
      %dma_start3A_1636 = arith.constant 3 : i32
      %dma_start3A_1637 = arith.constant 0 : i32
      %dma_start3A_1638 = arith.constant 0 : i32
      %dma_start3A_1639 = tpu.memref_slice %arg6[%dma_start3A_1635, %dma_start3A_1637, %dma_start3A_1638] : memref<8x128x64xf32, #tpu.memory_space<vmem>> -> memref<1x128x64xf32, #tpu.memory_space<vmem>>
      %dma_start3A_1640 = tpu.memref_squeeze %dma_start3A_1639 : memref<1x128x64xf32, #tpu.memory_space<vmem>> -> memref<128x64xf32, #tpu.memory_space<vmem>>
      %dma_start3A_1641 = tpu.memref_slice %arg5[%mul3A_1634] : memref<13312xi32, #tpu.memory_space<vmem>> -> memref<128xi32, #tpu.memory_space<vmem>>
      %dma_start3A_1642 = arith.constant 0 : i32
      %dma_start3A_1643 = arith.constant 0 : i32
      %dma_start3A_1644 = tpu.memref_slice %arg2[%dma_start3A_1642, %dma_start3A_1643] : memref<1000000x64xf32, #tpu.memory_space<hbm>> -> memref<1000000x64xf32, #tpu.memory_space<hbm>>
      %dma_start3A_1645 = tpu.memref_slice %arg7[%dma_start3A_1636] : memref<8x!tpu.dma_semaphore, #tpu.memory_space<semaphore_mem>> -> memref<1x!tpu.dma_semaphore, #tpu.memory_space<semaphore_mem>>
      %dma_start3A_1646 = tpu.memref_squeeze %dma_start3A_1645 : memref<1x!tpu.dma_semaphore, #tpu.memory_space<semaphore_mem>> -> memref<!tpu.dma_semaphore, #tpu.memory_space<semaphore_mem>>
      tpu.enqueue_indirect_dma source(%dma_start3A_1644 : memref<1000000x64xf32, #tpu.memory_space<hbm>>) target(%dma_start3A_1640 : memref<128x64xf32, #tpu.memory_space<vmem>>) offsets(%dma_start3A_1641 : memref<128xi32, #tpu.memory_space<vmem>>) semaphore(%dma_start3A_1646 : memref<!tpu.dma_semaphore, #tpu.memory_space<semaphore_mem>>)
    }
    %scan3A_513 = arith.constant 11 : i32
    %dma_wait3A_514 = arith.constant 0 : i32
    %dma_wait3A_515 = arith.constant 0 : i32
    %dma_wait3A_516 = arith.constant 0 : i32
    %dma_wait3A_517 = arith.constant 0 : i32
    %dma_wait3A_518 = tpu.memref_slice %arg6[%dma_wait3A_514, %dma_wait3A_516, %dma_wait3A_517] : memref<8x128x64xf32, #tpu.memory_space<vmem>> -> memref<1x128x64xf32, #tpu.memory_space<vmem>>
    %dma_wait3A_519 = tpu.memref_squeeze %dma_wait3A_518 : memref<1x128x64xf32, #tpu.memory_space<vmem>> -> memref<128x64xf32, #tpu.memory_space<vmem>>
    %dma_wait3A_520 = arith.constant 12288 : i32
    %dma_wait3A_521 = tpu.memref_slice %arg5[%dma_wait3A_520] : memref<13312xi32, #tpu.memory_space<vmem>> -> memref<128xi32, #tpu.memory_space<vmem>>
    %dma_wait3A_522 = arith.constant 0 : i32
    %dma_wait3A_523 = arith.constant 0 : i32
    %dma_wait3A_524 = tpu.memref_slice %arg2[%dma_wait3A_522, %dma_wait3A_523] : memref<1000000x64xf32, #tpu.memory_space<hbm>> -> memref<1000000x64xf32, #tpu.memory_space<hbm>>
    %dma_wait3A_525 = tpu.memref_slice %arg7[%dma_wait3A_515] : memref<8x!tpu.dma_semaphore, #tpu.memory_space<semaphore_mem>> -> memref<1x!tpu.dma_semaphore, #tpu.memory_space<semaphore_mem>>
    %dma_wait3A_526 = tpu.memref_squeeze %dma_wait3A_525 : memref<1x!tpu.dma_semaphore, #tpu.memory_space<semaphore_mem>> -> memref<!tpu.dma_semaphore, #tpu.memory_space<semaphore_mem>>
    tpu.wait_indirect_dma semaphore(%dma_wait3A_526 : memref<!tpu.dma_semaphore, #tpu.memory_space<semaphore_mem>>) src(%dma_wait3A_524 : memref<1000000x64xf32, #tpu.memory_space<hbm>>) dst(%dma_wait3A_519 : memref<128x64xf32, #tpu.memory_space<vmem>>)
    %mul3A_527 = arith.constant 104 : i32
    %mul3A_528 = arith.muli %add3A, %mul3A_527 : i32
    %add3A_529 = arith.constant 96 : i32
    %add3A_530 = arith.addi %mul3A_528, %add3A_529 : i32
    %mul3A_531 = arith.constant 128 : i32
    %mul3A_532 = arith.muli %add3A_530, %mul3A_531 : i32
    %dma_start3A_533 = arith.constant 0 : i32
    %dma_start3A_534 = arith.constant 0 : i32
    %dma_start3A_535 = arith.constant 0 : i32
    %dma_start3A_536 = arith.constant 0 : i32
    %dma_start3A_537 = tpu.memref_slice %arg6[%dma_start3A_533, %dma_start3A_535, %dma_start3A_536] : memref<8x128x64xf32, #tpu.memory_space<vmem>> -> memref<1x128x64xf32, #tpu.memory_space<vmem>>
    %dma_start3A_538 = tpu.memref_squeeze %dma_start3A_537 : memref<1x128x64xf32, #tpu.memory_space<vmem>> -> memref<128x64xf32, #tpu.memory_space<vmem>>
    %dma_start3A_539 = arith.constant 0 : i32
    %dma_start3A_540 = tpu.memref_slice %arg4[%mul3A_532, %dma_start3A_539] : memref<425984x64xf32, #tpu.memory_space<hbm>> -> memref<128x64xf32, #tpu.memory_space<hbm>>
    %dma_start3A_541 = tpu.memref_slice %arg8[%dma_start3A_534] : memref<8x!tpu.dma_semaphore, #tpu.memory_space<semaphore_mem>> -> memref<1x!tpu.dma_semaphore, #tpu.memory_space<semaphore_mem>>
    %dma_start3A_542 = tpu.memref_squeeze %dma_start3A_541 : memref<1x!tpu.dma_semaphore, #tpu.memory_space<semaphore_mem>> -> memref<!tpu.dma_semaphore, #tpu.memory_space<semaphore_mem>>
    %dma_start3A_543 = arith.constant 0 : i32
    %dma_start3A_544 = tpu.memref_slice %arg4[%mul3A_532, %dma_start3A_543] : memref<425984x64xf32, #tpu.memory_space<hbm>> -> memref<128x64xf32, #tpu.memory_space<hbm>>
    %dma_start3A_545 = arith.constant 0 : i32
    %dma_start3A_546 = arith.constant 0 : i32
    %dma_start3A_547 = tpu.memref_slice %arg6[%dma_start3A_533, %dma_start3A_545, %dma_start3A_546] : memref<8x128x64xf32, #tpu.memory_space<vmem>> -> memref<1x128x64xf32, #tpu.memory_space<vmem>>
    %dma_start3A_548 = tpu.memref_squeeze %dma_start3A_547 : memref<1x128x64xf32, #tpu.memory_space<vmem>> -> memref<128x64xf32, #tpu.memory_space<vmem>>
    tpu.enqueue_dma source(%dma_start3A_548 : memref<128x64xf32, #tpu.memory_space<vmem>>) target(%dma_start3A_544 : memref<128x64xf32, #tpu.memory_space<hbm>>) target_semaphore(%dma_start3A_542 : memref<!tpu.dma_semaphore, #tpu.memory_space<semaphore_mem>>)
    %dma_wait3A_549 = arith.constant 4 : i32
    %dma_wait3A_550 = arith.constant 4 : i32
    %dma_wait3A_551 = arith.constant 0 : i32
    %dma_wait3A_552 = arith.constant 0 : i32
    %dma_wait3A_553 = tpu.memref_slice %arg6[%dma_wait3A_549, %dma_wait3A_551, %dma_wait3A_552] : memref<8x128x64xf32, #tpu.memory_space<vmem>> -> memref<1x128x64xf32, #tpu.memory_space<vmem>>
    %dma_wait3A_554 = tpu.memref_squeeze %dma_wait3A_553 : memref<1x128x64xf32, #tpu.memory_space<vmem>> -> memref<128x64xf32, #tpu.memory_space<vmem>>
    %dma_wait3A_555 = arith.constant 0 : i32
    %dma_wait3A_556 = arith.constant 0 : i32
    %dma_wait3A_557 = tpu.memref_slice %arg4[%dma_wait3A_555, %dma_wait3A_556] : memref<425984x64xf32, #tpu.memory_space<hbm>> -> memref<128x64xf32, #tpu.memory_space<hbm>>
    %dma_wait3A_558 = tpu.memref_slice %arg8[%dma_wait3A_550] : memref<8x!tpu.dma_semaphore, #tpu.memory_space<semaphore_mem>> -> memref<1x!tpu.dma_semaphore, #tpu.memory_space<semaphore_mem>>
    %dma_wait3A_559 = tpu.memref_squeeze %dma_wait3A_558 : memref<1x!tpu.dma_semaphore, #tpu.memory_space<semaphore_mem>> -> memref<!tpu.dma_semaphore, #tpu.memory_space<semaphore_mem>>
    %dma_wait3A_560 = arith.constant 0 : i32
    %dma_wait3A_561 = arith.constant 0 : i32
    %dma_wait3A_562 = tpu.memref_slice %arg4[%dma_wait3A_560, %dma_wait3A_561] : memref<425984x64xf32, #tpu.memory_space<hbm>> -> memref<128x64xf32, #tpu.memory_space<hbm>>
    %dma_wait3A_563 = arith.constant 0 : i32
    %dma_wait3A_564 = arith.constant 0 : i32
    %dma_wait3A_565 = tpu.memref_slice %arg6[%dma_wait3A_549, %dma_wait3A_563, %dma_wait3A_564] : memref<8x128x64xf32, #tpu.memory_space<vmem>> -> memref<1x128x64xf32, #tpu.memory_space<vmem>>
    %dma_wait3A_566 = tpu.memref_squeeze %dma_wait3A_565 : memref<1x128x64xf32, #tpu.memory_space<vmem>> -> memref<128x64xf32, #tpu.memory_space<vmem>>
    tpu.wait_dma2 semaphore(%dma_wait3A_559 : memref<!tpu.dma_semaphore, #tpu.memory_space<semaphore_mem>>) src(%dma_wait3A_566 : memref<128x64xf32, #tpu.memory_space<vmem>>) dst(%dma_wait3A_562 : memref<128x64xf32, #tpu.memory_space<hbm>>)
    %dma_start3A_567 = arith.constant 4 : i32
    %dma_start3A_568 = arith.constant 4 : i32
    %dma_start3A_569 = arith.constant 0 : i32
    %dma_start3A_570 = arith.constant 0 : i32
    %dma_start3A_571 = tpu.memref_slice %arg6[%dma_start3A_567, %dma_start3A_569, %dma_start3A_570] : memref<8x128x64xf32, #tpu.memory_space<vmem>> -> memref<1x128x64xf32, #tpu.memory_space<vmem>>
    %dma_start3A_572 = tpu.memref_squeeze %dma_start3A_571 : memref<1x128x64xf32, #tpu.memory_space<vmem>> -> memref<128x64xf32, #tpu.memory_space<vmem>>
    %dma_start3A_573 = arith.constant 12800 : i32
    %dma_start3A_574 = tpu.memref_slice %arg5[%dma_start3A_573] : memref<13312xi32, #tpu.memory_space<vmem>> -> memref<128xi32, #tpu.memory_space<vmem>>
    %dma_start3A_575 = arith.constant 0 : i32
    %dma_start3A_576 = arith.constant 0 : i32
    %dma_start3A_577 = tpu.memref_slice %arg2[%dma_start3A_575, %dma_start3A_576] : memref<1000000x64xf32, #tpu.memory_space<hbm>> -> memref<1000000x64xf32, #tpu.memory_space<hbm>>
    %dma_start3A_578 = tpu.memref_slice %arg7[%dma_start3A_568] : memref<8x!tpu.dma_semaphore, #tpu.memory_space<semaphore_mem>> -> memref<1x!tpu.dma_semaphore, #tpu.memory_space<semaphore_mem>>
    %dma_start3A_579 = tpu.memref_squeeze %dma_start3A_578 : memref<1x!tpu.dma_semaphore, #tpu.memory_space<semaphore_mem>> -> memref<!tpu.dma_semaphore, #tpu.memory_space<semaphore_mem>>
    tpu.enqueue_indirect_dma source(%dma_start3A_577 : memref<1000000x64xf32, #tpu.memory_space<hbm>>) target(%dma_start3A_572 : memref<128x64xf32, #tpu.memory_space<vmem>>) offsets(%dma_start3A_574 : memref<128xi32, #tpu.memory_space<vmem>>) semaphore(%dma_start3A_579 : memref<!tpu.dma_semaphore, #tpu.memory_space<semaphore_mem>>)
    %dma_wait3A_580 = arith.constant 1 : i32
    %dma_wait3A_581 = arith.constant 1 : i32
    %dma_wait3A_582 = arith.constant 0 : i32
    %dma_wait3A_583 = arith.constant 0 : i32
    %dma_wait3A_584 = tpu.memref_slice %arg6[%dma_wait3A_580, %dma_wait3A_582, %dma_wait3A_583] : memref<8x128x64xf32, #tpu.memory_space<vmem>> -> memref<1x128x64xf32, #tpu.memory_space<vmem>>
    %dma_wait3A_585 = tpu.memref_squeeze %dma_wait3A_584 : memref<1x128x64xf32, #tpu.memory_space<vmem>> -> memref<128x64xf32, #tpu.memory_space<vmem>>
    %dma_wait3A_586 = arith.constant 12416 : i32
    %dma_wait3A_587 = tpu.memref_slice %arg5[%dma_wait3A_586] : memref<13312xi32, #tpu.memory_space<vmem>> -> memref<128xi32, #tpu.memory_space<vmem>>
    %dma_wait3A_588 = arith.constant 0 : i32
    %dma_wait3A_589 = arith.constant 0 : i32
    %dma_wait3A_590 = tpu.memref_slice %arg2[%dma_wait3A_588, %dma_wait3A_589] : memref<1000000x64xf32, #tpu.memory_space<hbm>> -> memref<1000000x64xf32, #tpu.memory_space<hbm>>
    %dma_wait3A_591 = tpu.memref_slice %arg7[%dma_wait3A_581] : memref<8x!tpu.dma_semaphore, #tpu.memory_space<semaphore_mem>> -> memref<1x!tpu.dma_semaphore, #tpu.memory_space<semaphore_mem>>
    %dma_wait3A_592 = tpu.memref_squeeze %dma_wait3A_591 : memref<1x!tpu.dma_semaphore, #tpu.memory_space<semaphore_mem>> -> memref<!tpu.dma_semaphore, #tpu.memory_space<semaphore_mem>>
    tpu.wait_indirect_dma semaphore(%dma_wait3A_592 : memref<!tpu.dma_semaphore, #tpu.memory_space<semaphore_mem>>) src(%dma_wait3A_590 : memref<1000000x64xf32, #tpu.memory_space<hbm>>) dst(%dma_wait3A_585 : memref<128x64xf32, #tpu.memory_space<vmem>>)
    %mul3A_593 = arith.constant 104 : i32
    %mul3A_594 = arith.muli %add3A, %mul3A_593 : i32
    %add3A_595 = arith.constant 97 : i32
    %add3A_596 = arith.addi %mul3A_594, %add3A_595 : i32
    %mul3A_597 = arith.constant 128 : i32
    %mul3A_598 = arith.muli %add3A_596, %mul3A_597 : i32
    %dma_start3A_599 = arith.constant 1 : i32
    %dma_start3A_600 = arith.constant 1 : i32
    %dma_start3A_601 = arith.constant 0 : i32
    %dma_start3A_602 = arith.constant 0 : i32
    %dma_start3A_603 = tpu.memref_slice %arg6[%dma_start3A_599, %dma_start3A_601, %dma_start3A_602] : memref<8x128x64xf32, #tpu.memory_space<vmem>> -> memref<1x128x64xf32, #tpu.memory_space<vmem>>
    %dma_start3A_604 = tpu.memref_squeeze %dma_start3A_603 : memref<1x128x64xf32, #tpu.memory_space<vmem>> -> memref<128x64xf32, #tpu.memory_space<vmem>>
    %dma_start3A_605 = arith.constant 0 : i32
    %dma_start3A_606 = tpu.memref_slice %arg4[%mul3A_598, %dma_start3A_605] : memref<425984x64xf32, #tpu.memory_space<hbm>> -> memref<128x64xf32, #tpu.memory_space<hbm>>
    %dma_start3A_607 = tpu.memref_slice %arg8[%dma_start3A_600] : memref<8x!tpu.dma_semaphore, #tpu.memory_space<semaphore_mem>> -> memref<1x!tpu.dma_semaphore, #tpu.memory_space<semaphore_mem>>
    %dma_start3A_608 = tpu.memref_squeeze %dma_start3A_607 : memref<1x!tpu.dma_semaphore, #tpu.memory_space<semaphore_mem>> -> memref<!tpu.dma_semaphore, #tpu.memory_space<semaphore_mem>>
    %dma_start3A_609 = arith.constant 0 : i32
    %dma_start3A_610 = tpu.memref_slice %arg4[%mul3A_598, %dma_start3A_609] : memref<425984x64xf32, #tpu.memory_space<hbm>> -> memref<128x64xf32, #tpu.memory_space<hbm>>
    %dma_start3A_611 = arith.constant 0 : i32
    %dma_start3A_612 = arith.constant 0 : i32
    %dma_start3A_613 = tpu.memref_slice %arg6[%dma_start3A_599, %dma_start3A_611, %dma_start3A_612] : memref<8x128x64xf32, #tpu.memory_space<vmem>> -> memref<1x128x64xf32, #tpu.memory_space<vmem>>
    %dma_start3A_614 = tpu.memref_squeeze %dma_start3A_613 : memref<1x128x64xf32, #tpu.memory_space<vmem>> -> memref<128x64xf32, #tpu.memory_space<vmem>>
    tpu.enqueue_dma source(%dma_start3A_614 : memref<128x64xf32, #tpu.memory_space<vmem>>) target(%dma_start3A_610 : memref<128x64xf32, #tpu.memory_space<hbm>>) target_semaphore(%dma_start3A_608 : memref<!tpu.dma_semaphore, #tpu.memory_space<semaphore_mem>>)
    %dma_wait3A_615 = arith.constant 5 : i32
    %dma_wait3A_616 = arith.constant 5 : i32
    %dma_wait3A_617 = arith.constant 0 : i32
    %dma_wait3A_618 = arith.constant 0 : i32
    %dma_wait3A_619 = tpu.memref_slice %arg6[%dma_wait3A_615, %dma_wait3A_617, %dma_wait3A_618] : memref<8x128x64xf32, #tpu.memory_space<vmem>> -> memref<1x128x64xf32, #tpu.memory_space<vmem>>
    %dma_wait3A_620 = tpu.memref_squeeze %dma_wait3A_619 : memref<1x128x64xf32, #tpu.memory_space<vmem>> -> memref<128x64xf32, #tpu.memory_space<vmem>>
    %dma_wait3A_621 = arith.constant 0 : i32
    %dma_wait3A_622 = arith.constant 0 : i32
    %dma_wait3A_623 = tpu.memref_slice %arg4[%dma_wait3A_621, %dma_wait3A_622] : memref<425984x64xf32, #tpu.memory_space<hbm>> -> memref<128x64xf32, #tpu.memory_space<hbm>>
    %dma_wait3A_624 = tpu.memref_slice %arg8[%dma_wait3A_616] : memref<8x!tpu.dma_semaphore, #tpu.memory_space<semaphore_mem>> -> memref<1x!tpu.dma_semaphore, #tpu.memory_space<semaphore_mem>>
    %dma_wait3A_625 = tpu.memref_squeeze %dma_wait3A_624 : memref<1x!tpu.dma_semaphore, #tpu.memory_space<semaphore_mem>> -> memref<!tpu.dma_semaphore, #tpu.memory_space<semaphore_mem>>
    %dma_wait3A_626 = arith.constant 0 : i32
    %dma_wait3A_627 = arith.constant 0 : i32
    %dma_wait3A_628 = tpu.memref_slice %arg4[%dma_wait3A_626, %dma_wait3A_627] : memref<425984x64xf32, #tpu.memory_space<hbm>> -> memref<128x64xf32, #tpu.memory_space<hbm>>
    %dma_wait3A_629 = arith.constant 0 : i32
    %dma_wait3A_630 = arith.constant 0 : i32
    %dma_wait3A_631 = tpu.memref_slice %arg6[%dma_wait3A_615, %dma_wait3A_629, %dma_wait3A_630] : memref<8x128x64xf32, #tpu.memory_space<vmem>> -> memref<1x128x64xf32, #tpu.memory_space<vmem>>
    %dma_wait3A_632 = tpu.memref_squeeze %dma_wait3A_631 : memref<1x128x64xf32, #tpu.memory_space<vmem>> -> memref<128x64xf32, #tpu.memory_space<vmem>>
    tpu.wait_dma2 semaphore(%dma_wait3A_625 : memref<!tpu.dma_semaphore, #tpu.memory_space<semaphore_mem>>) src(%dma_wait3A_632 : memref<128x64xf32, #tpu.memory_space<vmem>>) dst(%dma_wait3A_628 : memref<128x64xf32, #tpu.memory_space<hbm>>)
    %dma_start3A_633 = arith.constant 5 : i32
    %dma_start3A_634 = arith.constant 5 : i32
    %dma_start3A_635 = arith.constant 0 : i32
    %dma_start3A_636 = arith.constant 0 : i32
    %dma_start3A_637 = tpu.memref_slice %arg6[%dma_start3A_633, %dma_start3A_635, %dma_start3A_636] : memref<8x128x64xf32, #tpu.memory_space<vmem>> -> memref<1x128x64xf32, #tpu.memory_space<vmem>>
    %dma_start3A_638 = tpu.memref_squeeze %dma_start3A_637 : memref<1x128x64xf32, #tpu.memory_space<vmem>> -> memref<128x64xf32, #tpu.memory_space<vmem>>
    %dma_start3A_639 = arith.constant 12928 : i32
    %dma_start3A_640 = tpu.memref_slice %arg5[%dma_start3A_639] : memref<13312xi32, #tpu.memory_space<vmem>> -> memref<128xi32, #tpu.memory_space<vmem>>
    %dma_start3A_641 = arith.constant 0 : i32
    %dma_start3A_642 = arith.constant 0 : i32
    %dma_start3A_643 = tpu.memref_slice %arg2[%dma_start3A_641, %dma_start3A_642] : memref<1000000x64xf32, #tpu.memory_space<hbm>> -> memref<1000000x64xf32, #tpu.memory_space<hbm>>
    %dma_start3A_644 = tpu.memref_slice %arg7[%dma_start3A_634] : memref<8x!tpu.dma_semaphore, #tpu.memory_space<semaphore_mem>> -> memref<1x!tpu.dma_semaphore, #tpu.memory_space<semaphore_mem>>
    %dma_start3A_645 = tpu.memref_squeeze %dma_start3A_644 : memref<1x!tpu.dma_semaphore, #tpu.memory_space<semaphore_mem>> -> memref<!tpu.dma_semaphore, #tpu.memory_space<semaphore_mem>>
    tpu.enqueue_indirect_dma source(%dma_start3A_643 : memref<1000000x64xf32, #tpu.memory_space<hbm>>) target(%dma_start3A_638 : memref<128x64xf32, #tpu.memory_space<vmem>>) offsets(%dma_start3A_640 : memref<128xi32, #tpu.memory_space<vmem>>) semaphore(%dma_start3A_645 : memref<!tpu.dma_semaphore, #tpu.memory_space<semaphore_mem>>)
    %dma_wait3A_646 = arith.constant 2 : i32
    %dma_wait3A_647 = arith.constant 2 : i32
    %dma_wait3A_648 = arith.constant 0 : i32
    %dma_wait3A_649 = arith.constant 0 : i32
    %dma_wait3A_650 = tpu.memref_slice %arg6[%dma_wait3A_646, %dma_wait3A_648, %dma_wait3A_649] : memref<8x128x64xf32, #tpu.memory_space<vmem>> -> memref<1x128x64xf32, #tpu.memory_space<vmem>>
    %dma_wait3A_651 = tpu.memref_squeeze %dma_wait3A_650 : memref<1x128x64xf32, #tpu.memory_space<vmem>> -> memref<128x64xf32, #tpu.memory_space<vmem>>
    %dma_wait3A_652 = arith.constant 12544 : i32
    %dma_wait3A_653 = tpu.memref_slice %arg5[%dma_wait3A_652] : memref<13312xi32, #tpu.memory_space<vmem>> -> memref<128xi32, #tpu.memory_space<vmem>>
    %dma_wait3A_654 = arith.constant 0 : i32
    %dma_wait3A_655 = arith.constant 0 : i32
    %dma_wait3A_656 = tpu.memref_slice %arg2[%dma_wait3A_654, %dma_wait3A_655] : memref<1000000x64xf32, #tpu.memory_space<hbm>> -> memref<1000000x64xf32, #tpu.memory_space<hbm>>
    %dma_wait3A_657 = tpu.memref_slice %arg7[%dma_wait3A_647] : memref<8x!tpu.dma_semaphore, #tpu.memory_space<semaphore_mem>> -> memref<1x!tpu.dma_semaphore, #tpu.memory_space<semaphore_mem>>
    %dma_wait3A_658 = tpu.memref_squeeze %dma_wait3A_657 : memref<1x!tpu.dma_semaphore, #tpu.memory_space<semaphore_mem>> -> memref<!tpu.dma_semaphore, #tpu.memory_space<semaphore_mem>>
    tpu.wait_indirect_dma semaphore(%dma_wait3A_658 : memref<!tpu.dma_semaphore, #tpu.memory_space<semaphore_mem>>) src(%dma_wait3A_656 : memref<1000000x64xf32, #tpu.memory_space<hbm>>) dst(%dma_wait3A_651 : memref<128x64xf32, #tpu.memory_space<vmem>>)
    %mul3A_659 = arith.constant 104 : i32
    %mul3A_660 = arith.muli %add3A, %mul3A_659 : i32
    %add3A_661 = arith.constant 98 : i32
    %add3A_662 = arith.addi %mul3A_660, %add3A_661 : i32
    %mul3A_663 = arith.constant 128 : i32
    %mul3A_664 = arith.muli %add3A_662, %mul3A_663 : i32
    %dma_start3A_665 = arith.constant 2 : i32
    %dma_start3A_666 = arith.constant 2 : i32
    %dma_start3A_667 = arith.constant 0 : i32
    %dma_start3A_668 = arith.constant 0 : i32
    %dma_start3A_669 = tpu.memref_slice %arg6[%dma_start3A_665, %dma_start3A_667, %dma_start3A_668] : memref<8x128x64xf32, #tpu.memory_space<vmem>> -> memref<1x128x64xf32, #tpu.memory_space<vmem>>
    %dma_start3A_670 = tpu.memref_squeeze %dma_start3A_669 : memref<1x128x64xf32, #tpu.memory_space<vmem>> -> memref<128x64xf32, #tpu.memory_space<vmem>>
    %dma_start3A_671 = arith.constant 0 : i32
    %dma_start3A_672 = tpu.memref_slice %arg4[%mul3A_664, %dma_start3A_671] : memref<425984x64xf32, #tpu.memory_space<hbm>> -> memref<128x64xf32, #tpu.memory_space<hbm>>
    %dma_start3A_673 = tpu.memref_slice %arg8[%dma_start3A_666] : memref<8x!tpu.dma_semaphore, #tpu.memory_space<semaphore_mem>> -> memref<1x!tpu.dma_semaphore, #tpu.memory_space<semaphore_mem>>
    %dma_start3A_674 = tpu.memref_squeeze %dma_start3A_673 : memref<1x!tpu.dma_semaphore, #tpu.memory_space<semaphore_mem>> -> memref<!tpu.dma_semaphore, #tpu.memory_space<semaphore_mem>>
    %dma_start3A_675 = arith.constant 0 : i32
    %dma_start3A_676 = tpu.memref_slice %arg4[%mul3A_664, %dma_start3A_675] : memref<425984x64xf32, #tpu.memory_space<hbm>> -> memref<128x64xf32, #tpu.memory_space<hbm>>
    %dma_start3A_677 = arith.constant 0 : i32
    %dma_start3A_678 = arith.constant 0 : i32
    %dma_start3A_679 = tpu.memref_slice %arg6[%dma_start3A_665, %dma_start3A_677, %dma_start3A_678] : memref<8x128x64xf32, #tpu.memory_space<vmem>> -> memref<1x128x64xf32, #tpu.memory_space<vmem>>
    %dma_start3A_680 = tpu.memref_squeeze %dma_start3A_679 : memref<1x128x64xf32, #tpu.memory_space<vmem>> -> memref<128x64xf32, #tpu.memory_space<vmem>>
    tpu.enqueue_dma source(%dma_start3A_680 : memref<128x64xf32, #tpu.memory_space<vmem>>) target(%dma_start3A_676 : memref<128x64xf32, #tpu.memory_space<hbm>>) target_semaphore(%dma_start3A_674 : memref<!tpu.dma_semaphore, #tpu.memory_space<semaphore_mem>>)
    %dma_wait3A_681 = arith.constant 6 : i32
    %dma_wait3A_682 = arith.constant 6 : i32
    %dma_wait3A_683 = arith.constant 0 : i32
    %dma_wait3A_684 = arith.constant 0 : i32
    %dma_wait3A_685 = tpu.memref_slice %arg6[%dma_wait3A_681, %dma_wait3A_683, %dma_wait3A_684] : memref<8x128x64xf32, #tpu.memory_space<vmem>> -> memref<1x128x64xf32, #tpu.memory_space<vmem>>
    %dma_wait3A_686 = tpu.memref_squeeze %dma_wait3A_685 : memref<1x128x64xf32, #tpu.memory_space<vmem>> -> memref<128x64xf32, #tpu.memory_space<vmem>>
    %dma_wait3A_687 = arith.constant 0 : i32
    %dma_wait3A_688 = arith.constant 0 : i32
    %dma_wait3A_689 = tpu.memref_slice %arg4[%dma_wait3A_687, %dma_wait3A_688] : memref<425984x64xf32, #tpu.memory_space<hbm>> -> memref<128x64xf32, #tpu.memory_space<hbm>>
    %dma_wait3A_690 = tpu.memref_slice %arg8[%dma_wait3A_682] : memref<8x!tpu.dma_semaphore, #tpu.memory_space<semaphore_mem>> -> memref<1x!tpu.dma_semaphore, #tpu.memory_space<semaphore_mem>>
    %dma_wait3A_691 = tpu.memref_squeeze %dma_wait3A_690 : memref<1x!tpu.dma_semaphore, #tpu.memory_space<semaphore_mem>> -> memref<!tpu.dma_semaphore, #tpu.memory_space<semaphore_mem>>
    %dma_wait3A_692 = arith.constant 0 : i32
    %dma_wait3A_693 = arith.constant 0 : i32
    %dma_wait3A_694 = tpu.memref_slice %arg4[%dma_wait3A_692, %dma_wait3A_693] : memref<425984x64xf32, #tpu.memory_space<hbm>> -> memref<128x64xf32, #tpu.memory_space<hbm>>
    %dma_wait3A_695 = arith.constant 0 : i32
    %dma_wait3A_696 = arith.constant 0 : i32
    %dma_wait3A_697 = tpu.memref_slice %arg6[%dma_wait3A_681, %dma_wait3A_695, %dma_wait3A_696] : memref<8x128x64xf32, #tpu.memory_space<vmem>> -> memref<1x128x64xf32, #tpu.memory_space<vmem>>
    %dma_wait3A_698 = tpu.memref_squeeze %dma_wait3A_697 : memref<1x128x64xf32, #tpu.memory_space<vmem>> -> memref<128x64xf32, #tpu.memory_space<vmem>>
    tpu.wait_dma2 semaphore(%dma_wait3A_691 : memref<!tpu.dma_semaphore, #tpu.memory_space<semaphore_mem>>) src(%dma_wait3A_698 : memref<128x64xf32, #tpu.memory_space<vmem>>) dst(%dma_wait3A_694 : memref<128x64xf32, #tpu.memory_space<hbm>>)
    %dma_start3A_699 = arith.constant 6 : i32
    %dma_start3A_700 = arith.constant 6 : i32
    %dma_start3A_701 = arith.constant 0 : i32
    %dma_start3A_702 = arith.constant 0 : i32
    %dma_start3A_703 = tpu.memref_slice %arg6[%dma_start3A_699, %dma_start3A_701, %dma_start3A_702] : memref<8x128x64xf32, #tpu.memory_space<vmem>> -> memref<1x128x64xf32, #tpu.memory_space<vmem>>
    %dma_start3A_704 = tpu.memref_squeeze %dma_start3A_703 : memref<1x128x64xf32, #tpu.memory_space<vmem>> -> memref<128x64xf32, #tpu.memory_space<vmem>>
    %dma_start3A_705 = arith.constant 13056 : i32
    %dma_start3A_706 = tpu.memref_slice %arg5[%dma_start3A_705] : memref<13312xi32, #tpu.memory_space<vmem>> -> memref<128xi32, #tpu.memory_space<vmem>>
    %dma_start3A_707 = arith.constant 0 : i32
    %dma_start3A_708 = arith.constant 0 : i32
    %dma_start3A_709 = tpu.memref_slice %arg2[%dma_start3A_707, %dma_start3A_708] : memref<1000000x64xf32, #tpu.memory_space<hbm>> -> memref<1000000x64xf32, #tpu.memory_space<hbm>>
    %dma_start3A_710 = tpu.memref_slice %arg7[%dma_start3A_700] : memref<8x!tpu.dma_semaphore, #tpu.memory_space<semaphore_mem>> -> memref<1x!tpu.dma_semaphore, #tpu.memory_space<semaphore_mem>>
    %dma_start3A_711 = tpu.memref_squeeze %dma_start3A_710 : memref<1x!tpu.dma_semaphore, #tpu.memory_space<semaphore_mem>> -> memref<!tpu.dma_semaphore, #tpu.memory_space<semaphore_mem>>
    tpu.enqueue_indirect_dma source(%dma_start3A_709 : memref<1000000x64xf32, #tpu.memory_space<hbm>>) target(%dma_start3A_704 : memref<128x64xf32, #tpu.memory_space<vmem>>) offsets(%dma_start3A_706 : memref<128xi32, #tpu.memory_space<vmem>>) semaphore(%dma_start3A_711 : memref<!tpu.dma_semaphore, #tpu.memory_space<semaphore_mem>>)
    %dma_wait3A_712 = arith.constant 3 : i32
    %dma_wait3A_713 = arith.constant 3 : i32
    %dma_wait3A_714 = arith.constant 0 : i32
    %dma_wait3A_715 = arith.constant 0 : i32
    %dma_wait3A_716 = tpu.memref_slice %arg6[%dma_wait3A_712, %dma_wait3A_714, %dma_wait3A_715] : memref<8x128x64xf32, #tpu.memory_space<vmem>> -> memref<1x128x64xf32, #tpu.memory_space<vmem>>
    %dma_wait3A_717 = tpu.memref_squeeze %dma_wait3A_716 : memref<1x128x64xf32, #tpu.memory_space<vmem>> -> memref<128x64xf32, #tpu.memory_space<vmem>>
    %dma_wait3A_718 = arith.constant 12672 : i32
    %dma_wait3A_719 = tpu.memref_slice %arg5[%dma_wait3A_718] : memref<13312xi32, #tpu.memory_space<vmem>> -> memref<128xi32, #tpu.memory_space<vmem>>
    %dma_wait3A_720 = arith.constant 0 : i32
    %dma_wait3A_721 = arith.constant 0 : i32
    %dma_wait3A_722 = tpu.memref_slice %arg2[%dma_wait3A_720, %dma_wait3A_721] : memref<1000000x64xf32, #tpu.memory_space<hbm>> -> memref<1000000x64xf32, #tpu.memory_space<hbm>>
    %dma_wait3A_723 = tpu.memref_slice %arg7[%dma_wait3A_713] : memref<8x!tpu.dma_semaphore, #tpu.memory_space<semaphore_mem>> -> memref<1x!tpu.dma_semaphore, #tpu.memory_space<semaphore_mem>>
    %dma_wait3A_724 = tpu.memref_squeeze %dma_wait3A_723 : memref<1x!tpu.dma_semaphore, #tpu.memory_space<semaphore_mem>> -> memref<!tpu.dma_semaphore, #tpu.memory_space<semaphore_mem>>
    tpu.wait_indirect_dma semaphore(%dma_wait3A_724 : memref<!tpu.dma_semaphore, #tpu.memory_space<semaphore_mem>>) src(%dma_wait3A_722 : memref<1000000x64xf32, #tpu.memory_space<hbm>>) dst(%dma_wait3A_717 : memref<128x64xf32, #tpu.memory_space<vmem>>)
    %mul3A_725 = arith.constant 104 : i32
    %mul3A_726 = arith.muli %add3A, %mul3A_725 : i32
    %add3A_727 = arith.constant 99 : i32
    %add3A_728 = arith.addi %mul3A_726, %add3A_727 : i32
    %mul3A_729 = arith.constant 128 : i32
    %mul3A_730 = arith.muli %add3A_728, %mul3A_729 : i32
    %dma_start3A_731 = arith.constant 3 : i32
    %dma_start3A_732 = arith.constant 3 : i32
    %dma_start3A_733 = arith.constant 0 : i32
    %dma_start3A_734 = arith.constant 0 : i32
    %dma_start3A_735 = tpu.memref_slice %arg6[%dma_start3A_731, %dma_start3A_733, %dma_start3A_734] : memref<8x128x64xf32, #tpu.memory_space<vmem>> -> memref<1x128x64xf32, #tpu.memory_space<vmem>>
    %dma_start3A_736 = tpu.memref_squeeze %dma_start3A_735 : memref<1x128x64xf32, #tpu.memory_space<vmem>> -> memref<128x64xf32, #tpu.memory_space<vmem>>
    %dma_start3A_737 = arith.constant 0 : i32
    %dma_start3A_738 = tpu.memref_slice %arg4[%mul3A_730, %dma_start3A_737] : memref<425984x64xf32, #tpu.memory_space<hbm>> -> memref<128x64xf32, #tpu.memory_space<hbm>>
    %dma_start3A_739 = tpu.memref_slice %arg8[%dma_start3A_732] : memref<8x!tpu.dma_semaphore, #tpu.memory_space<semaphore_mem>> -> memref<1x!tpu.dma_semaphore, #tpu.memory_space<semaphore_mem>>
    %dma_start3A_740 = tpu.memref_squeeze %dma_start3A_739 : memref<1x!tpu.dma_semaphore, #tpu.memory_space<semaphore_mem>> -> memref<!tpu.dma_semaphore, #tpu.memory_space<semaphore_mem>>
    %dma_start3A_741 = arith.constant 0 : i32
    %dma_start3A_742 = tpu.memref_slice %arg4[%mul3A_730, %dma_start3A_741] : memref<425984x64xf32, #tpu.memory_space<hbm>> -> memref<128x64xf32, #tpu.memory_space<hbm>>
    %dma_start3A_743 = arith.constant 0 : i32
    %dma_start3A_744 = arith.constant 0 : i32
    %dma_start3A_745 = tpu.memref_slice %arg6[%dma_start3A_731, %dma_start3A_743, %dma_start3A_744] : memref<8x128x64xf32, #tpu.memory_space<vmem>> -> memref<1x128x64xf32, #tpu.memory_space<vmem>>
    %dma_start3A_746 = tpu.memref_squeeze %dma_start3A_745 : memref<1x128x64xf32, #tpu.memory_space<vmem>> -> memref<128x64xf32, #tpu.memory_space<vmem>>
    tpu.enqueue_dma source(%dma_start3A_746 : memref<128x64xf32, #tpu.memory_space<vmem>>) target(%dma_start3A_742 : memref<128x64xf32, #tpu.memory_space<hbm>>) target_semaphore(%dma_start3A_740 : memref<!tpu.dma_semaphore, #tpu.memory_space<semaphore_mem>>)
    %dma_wait3A_747 = arith.constant 7 : i32
    %dma_wait3A_748 = arith.constant 7 : i32
    %dma_wait3A_749 = arith.constant 0 : i32
    %dma_wait3A_750 = arith.constant 0 : i32
    %dma_wait3A_751 = tpu.memref_slice %arg6[%dma_wait3A_747, %dma_wait3A_749, %dma_wait3A_750] : memref<8x128x64xf32, #tpu.memory_space<vmem>> -> memref<1x128x64xf32, #tpu.memory_space<vmem>>
    %dma_wait3A_752 = tpu.memref_squeeze %dma_wait3A_751 : memref<1x128x64xf32, #tpu.memory_space<vmem>> -> memref<128x64xf32, #tpu.memory_space<vmem>>
    %dma_wait3A_753 = arith.constant 0 : i32
    %dma_wait3A_754 = arith.constant 0 : i32
    %dma_wait3A_755 = tpu.memref_slice %arg4[%dma_wait3A_753, %dma_wait3A_754] : memref<425984x64xf32, #tpu.memory_space<hbm>> -> memref<128x64xf32, #tpu.memory_space<hbm>>
    %dma_wait3A_756 = tpu.memref_slice %arg8[%dma_wait3A_748] : memref<8x!tpu.dma_semaphore, #tpu.memory_space<semaphore_mem>> -> memref<1x!tpu.dma_semaphore, #tpu.memory_space<semaphore_mem>>
    %dma_wait3A_757 = tpu.memref_squeeze %dma_wait3A_756 : memref<1x!tpu.dma_semaphore, #tpu.memory_space<semaphore_mem>> -> memref<!tpu.dma_semaphore, #tpu.memory_space<semaphore_mem>>
    %dma_wait3A_758 = arith.constant 0 : i32
    %dma_wait3A_759 = arith.constant 0 : i32
    %dma_wait3A_760 = tpu.memref_slice %arg4[%dma_wait3A_758, %dma_wait3A_759] : memref<425984x64xf32, #tpu.memory_space<hbm>> -> memref<128x64xf32, #tpu.memory_space<hbm>>
    %dma_wait3A_761 = arith.constant 0 : i32
    %dma_wait3A_762 = arith.constant 0 : i32
    %dma_wait3A_763 = tpu.memref_slice %arg6[%dma_wait3A_747, %dma_wait3A_761, %dma_wait3A_762] : memref<8x128x64xf32, #tpu.memory_space<vmem>> -> memref<1x128x64xf32, #tpu.memory_space<vmem>>
    %dma_wait3A_764 = tpu.memref_squeeze %dma_wait3A_763 : memref<1x128x64xf32, #tpu.memory_space<vmem>> -> memref<128x64xf32, #tpu.memory_space<vmem>>
    tpu.wait_dma2 semaphore(%dma_wait3A_757 : memref<!tpu.dma_semaphore, #tpu.memory_space<semaphore_mem>>) src(%dma_wait3A_764 : memref<128x64xf32, #tpu.memory_space<vmem>>) dst(%dma_wait3A_760 : memref<128x64xf32, #tpu.memory_space<hbm>>)
    %dma_start3A_765 = arith.constant 7 : i32
    %dma_start3A_766 = arith.constant 7 : i32
    %dma_start3A_767 = arith.constant 0 : i32
    %dma_start3A_768 = arith.constant 0 : i32
    %dma_start3A_769 = tpu.memref_slice %arg6[%dma_start3A_765, %dma_start3A_767, %dma_start3A_768] : memref<8x128x64xf32, #tpu.memory_space<vmem>> -> memref<1x128x64xf32, #tpu.memory_space<vmem>>
    %dma_start3A_770 = tpu.memref_squeeze %dma_start3A_769 : memref<1x128x64xf32, #tpu.memory_space<vmem>> -> memref<128x64xf32, #tpu.memory_space<vmem>>
    %dma_start3A_771 = arith.constant 13184 : i32
    %dma_start3A_772 = tpu.memref_slice %arg5[%dma_start3A_771] : memref<13312xi32, #tpu.memory_space<vmem>> -> memref<128xi32, #tpu.memory_space<vmem>>
    %dma_start3A_773 = arith.constant 0 : i32
    %dma_start3A_774 = arith.constant 0 : i32
    %dma_start3A_775 = tpu.memref_slice %arg2[%dma_start3A_773, %dma_start3A_774] : memref<1000000x64xf32, #tpu.memory_space<hbm>> -> memref<1000000x64xf32, #tpu.memory_space<hbm>>
    %dma_start3A_776 = tpu.memref_slice %arg7[%dma_start3A_766] : memref<8x!tpu.dma_semaphore, #tpu.memory_space<semaphore_mem>> -> memref<1x!tpu.dma_semaphore, #tpu.memory_space<semaphore_mem>>
    %dma_start3A_777 = tpu.memref_squeeze %dma_start3A_776 : memref<1x!tpu.dma_semaphore, #tpu.memory_space<semaphore_mem>> -> memref<!tpu.dma_semaphore, #tpu.memory_space<semaphore_mem>>
    tpu.enqueue_indirect_dma source(%dma_start3A_775 : memref<1000000x64xf32, #tpu.memory_space<hbm>>) target(%dma_start3A_770 : memref<128x64xf32, #tpu.memory_space<vmem>>) offsets(%dma_start3A_772 : memref<128xi32, #tpu.memory_space<vmem>>) semaphore(%dma_start3A_777 : memref<!tpu.dma_semaphore, #tpu.memory_space<semaphore_mem>>)
    %dma_wait3A_778 = arith.constant 4 : i32
    %dma_wait3A_779 = arith.constant 4 : i32
    %dma_wait3A_780 = arith.constant 0 : i32
    %dma_wait3A_781 = arith.constant 0 : i32
    %dma_wait3A_782 = tpu.memref_slice %arg6[%dma_wait3A_778, %dma_wait3A_780, %dma_wait3A_781] : memref<8x128x64xf32, #tpu.memory_space<vmem>> -> memref<1x128x64xf32, #tpu.memory_space<vmem>>
    %dma_wait3A_783 = tpu.memref_squeeze %dma_wait3A_782 : memref<1x128x64xf32, #tpu.memory_space<vmem>> -> memref<128x64xf32, #tpu.memory_space<vmem>>
    %dma_wait3A_784 = arith.constant 12800 : i32
    %dma_wait3A_785 = tpu.memref_slice %arg5[%dma_wait3A_784] : memref<13312xi32, #tpu.memory_space<vmem>> -> memref<128xi32, #tpu.memory_space<vmem>>
    %dma_wait3A_786 = arith.constant 0 : i32
    %dma_wait3A_787 = arith.constant 0 : i32
    %dma_wait3A_788 = tpu.memref_slice %arg2[%dma_wait3A_786, %dma_wait3A_787] : memref<1000000x64xf32, #tpu.memory_space<hbm>> -> memref<1000000x64xf32, #tpu.memory_space<hbm>>
    %dma_wait3A_789 = tpu.memref_slice %arg7[%dma_wait3A_779] : memref<8x!tpu.dma_semaphore, #tpu.memory_space<semaphore_mem>> -> memref<1x!tpu.dma_semaphore, #tpu.memory_space<semaphore_mem>>
    %dma_wait3A_790 = tpu.memref_squeeze %dma_wait3A_789 : memref<1x!tpu.dma_semaphore, #tpu.memory_space<semaphore_mem>> -> memref<!tpu.dma_semaphore, #tpu.memory_space<semaphore_mem>>
    tpu.wait_indirect_dma semaphore(%dma_wait3A_790 : memref<!tpu.dma_semaphore, #tpu.memory_space<semaphore_mem>>) src(%dma_wait3A_788 : memref<1000000x64xf32, #tpu.memory_space<hbm>>) dst(%dma_wait3A_783 : memref<128x64xf32, #tpu.memory_space<vmem>>)
    %mul3A_791 = arith.constant 104 : i32
    %mul3A_792 = arith.muli %add3A, %mul3A_791 : i32
    %add3A_793 = arith.constant 100 : i32
    %add3A_794 = arith.addi %mul3A_792, %add3A_793 : i32
    %mul3A_795 = arith.constant 128 : i32
    %mul3A_796 = arith.muli %add3A_794, %mul3A_795 : i32
    %dma_start3A_797 = arith.constant 4 : i32
    %dma_start3A_798 = arith.constant 4 : i32
    %dma_start3A_799 = arith.constant 0 : i32
    %dma_start3A_800 = arith.constant 0 : i32
    %dma_start3A_801 = tpu.memref_slice %arg6[%dma_start3A_797, %dma_start3A_799, %dma_start3A_800] : memref<8x128x64xf32, #tpu.memory_space<vmem>> -> memref<1x128x64xf32, #tpu.memory_space<vmem>>
    %dma_start3A_802 = tpu.memref_squeeze %dma_start3A_801 : memref<1x128x64xf32, #tpu.memory_space<vmem>> -> memref<128x64xf32, #tpu.memory_space<vmem>>
    %dma_start3A_803 = arith.constant 0 : i32
    %dma_start3A_804 = tpu.memref_slice %arg4[%mul3A_796, %dma_start3A_803] : memref<425984x64xf32, #tpu.memory_space<hbm>> -> memref<128x64xf32, #tpu.memory_space<hbm>>
    %dma_start3A_805 = tpu.memref_slice %arg8[%dma_start3A_798] : memref<8x!tpu.dma_semaphore, #tpu.memory_space<semaphore_mem>> -> memref<1x!tpu.dma_semaphore, #tpu.memory_space<semaphore_mem>>
    %dma_start3A_806 = tpu.memref_squeeze %dma_start3A_805 : memref<1x!tpu.dma_semaphore, #tpu.memory_space<semaphore_mem>> -> memref<!tpu.dma_semaphore, #tpu.memory_space<semaphore_mem>>
    %dma_start3A_807 = arith.constant 0 : i32
    %dma_start3A_808 = tpu.memref_slice %arg4[%mul3A_796, %dma_start3A_807] : memref<425984x64xf32, #tpu.memory_space<hbm>> -> memref<128x64xf32, #tpu.memory_space<hbm>>
    %dma_start3A_809 = arith.constant 0 : i32
    %dma_start3A_810 = arith.constant 0 : i32
    %dma_start3A_811 = tpu.memref_slice %arg6[%dma_start3A_797, %dma_start3A_809, %dma_start3A_810] : memref<8x128x64xf32, #tpu.memory_space<vmem>> -> memref<1x128x64xf32, #tpu.memory_space<vmem>>
    %dma_start3A_812 = tpu.memref_squeeze %dma_start3A_811 : memref<1x128x64xf32, #tpu.memory_space<vmem>> -> memref<128x64xf32, #tpu.memory_space<vmem>>
    tpu.enqueue_dma source(%dma_start3A_812 : memref<128x64xf32, #tpu.memory_space<vmem>>) target(%dma_start3A_808 : memref<128x64xf32, #tpu.memory_space<hbm>>) target_semaphore(%dma_start3A_806 : memref<!tpu.dma_semaphore, #tpu.memory_space<semaphore_mem>>)
    %dma_wait3A_813 = arith.constant 5 : i32
    %dma_wait3A_814 = arith.constant 5 : i32
    %dma_wait3A_815 = arith.constant 0 : i32
    %dma_wait3A_816 = arith.constant 0 : i32
    %dma_wait3A_817 = tpu.memref_slice %arg6[%dma_wait3A_813, %dma_wait3A_815, %dma_wait3A_816] : memref<8x128x64xf32, #tpu.memory_space<vmem>> -> memref<1x128x64xf32, #tpu.memory_space<vmem>>
    %dma_wait3A_818 = tpu.memref_squeeze %dma_wait3A_817 : memref<1x128x64xf32, #tpu.memory_space<vmem>> -> memref<128x64xf32, #tpu.memory_space<vmem>>
    %dma_wait3A_819 = arith.constant 12928 : i32
    %dma_wait3A_820 = tpu.memref_slice %arg5[%dma_wait3A_819] : memref<13312xi32, #tpu.memory_space<vmem>> -> memref<128xi32, #tpu.memory_space<vmem>>
    %dma_wait3A_821 = arith.constant 0 : i32
    %dma_wait3A_822 = arith.constant 0 : i32
    %dma_wait3A_823 = tpu.memref_slice %arg2[%dma_wait3A_821, %dma_wait3A_822] : memref<1000000x64xf32, #tpu.memory_space<hbm>> -> memref<1000000x64xf32, #tpu.memory_space<hbm>>
    %dma_wait3A_824 = tpu.memref_slice %arg7[%dma_wait3A_814] : memref<8x!tpu.dma_semaphore, #tpu.memory_space<semaphore_mem>> -> memref<1x!tpu.dma_semaphore, #tpu.memory_space<semaphore_mem>>
    %dma_wait3A_825 = tpu.memref_squeeze %dma_wait3A_824 : memref<1x!tpu.dma_semaphore, #tpu.memory_space<semaphore_mem>> -> memref<!tpu.dma_semaphore, #tpu.memory_space<semaphore_mem>>
    tpu.wait_indirect_dma semaphore(%dma_wait3A_825 : memref<!tpu.dma_semaphore, #tpu.memory_space<semaphore_mem>>) src(%dma_wait3A_823 : memref<1000000x64xf32, #tpu.memory_space<hbm>>) dst(%dma_wait3A_818 : memref<128x64xf32, #tpu.memory_space<vmem>>)
    %mul3A_826 = arith.constant 104 : i32
    %mul3A_827 = arith.muli %add3A, %mul3A_826 : i32
    %add3A_828 = arith.constant 101 : i32
    %add3A_829 = arith.addi %mul3A_827, %add3A_828 : i32
    %mul3A_830 = arith.constant 128 : i32
    %mul3A_831 = arith.muli %add3A_829, %mul3A_830 : i32
    %dma_start3A_832 = arith.constant 5 : i32
    %dma_start3A_833 = arith.constant 5 : i32
    %dma_start3A_834 = arith.constant 0 : i32
    %dma_start3A_835 = arith.constant 0 : i32
    %dma_start3A_836 = tpu.memref_slice %arg6[%dma_start3A_832, %dma_start3A_834, %dma_start3A_835] : memref<8x128x64xf32, #tpu.memory_space<vmem>> -> memref<1x128x64xf32, #tpu.memory_space<vmem>>
    %dma_start3A_837 = tpu.memref_squeeze %dma_start3A_836 : memref<1x128x64xf32, #tpu.memory_space<vmem>> -> memref<128x64xf32, #tpu.memory_space<vmem>>
    %dma_start3A_838 = arith.constant 0 : i32
    %dma_start3A_839 = tpu.memref_slice %arg4[%mul3A_831, %dma_start3A_838] : memref<425984x64xf32, #tpu.memory_space<hbm>> -> memref<128x64xf32, #tpu.memory_space<hbm>>
    %dma_start3A_840 = tpu.memref_slice %arg8[%dma_start3A_833] : memref<8x!tpu.dma_semaphore, #tpu.memory_space<semaphore_mem>> -> memref<1x!tpu.dma_semaphore, #tpu.memory_space<semaphore_mem>>
    %dma_start3A_841 = tpu.memref_squeeze %dma_start3A_840 : memref<1x!tpu.dma_semaphore, #tpu.memory_space<semaphore_mem>> -> memref<!tpu.dma_semaphore, #tpu.memory_space<semaphore_mem>>
    %dma_start3A_842 = arith.constant 0 : i32
    %dma_start3A_843 = tpu.memref_slice %arg4[%mul3A_831, %dma_start3A_842] : memref<425984x64xf32, #tpu.memory_space<hbm>> -> memref<128x64xf32, #tpu.memory_space<hbm>>
    %dma_start3A_844 = arith.constant 0 : i32
    %dma_start3A_845 = arith.constant 0 : i32
    %dma_start3A_846 = tpu.memref_slice %arg6[%dma_start3A_832, %dma_start3A_844, %dma_start3A_845] : memref<8x128x64xf32, #tpu.memory_space<vmem>> -> memref<1x128x64xf32, #tpu.memory_space<vmem>>
    %dma_start3A_847 = tpu.memref_squeeze %dma_start3A_846 : memref<1x128x64xf32, #tpu.memory_space<vmem>> -> memref<128x64xf32, #tpu.memory_space<vmem>>
    tpu.enqueue_dma source(%dma_start3A_847 : memref<128x64xf32, #tpu.memory_space<vmem>>) target(%dma_start3A_843 : memref<128x64xf32, #tpu.memory_space<hbm>>) target_semaphore(%dma_start3A_841 : memref<!tpu.dma_semaphore, #tpu.memory_space<semaphore_mem>>)
    %dma_wait3A_848 = arith.constant 6 : i32
    %dma_wait3A_849 = arith.constant 6 : i32
    %dma_wait3A_850 = arith.constant 0 : i32
    %dma_wait3A_851 = arith.constant 0 : i32
    %dma_wait3A_852 = tpu.memref_slice %arg6[%dma_wait3A_848, %dma_wait3A_850, %dma_wait3A_851] : memref<8x128x64xf32, #tpu.memory_space<vmem>> -> memref<1x128x64xf32, #tpu.memory_space<vmem>>
    %dma_wait3A_853 = tpu.memref_squeeze %dma_wait3A_852 : memref<1x128x64xf32, #tpu.memory_space<vmem>> -> memref<128x64xf32, #tpu.memory_space<vmem>>
    %dma_wait3A_854 = arith.constant 13056 : i32
    %dma_wait3A_855 = tpu.memref_slice %arg5[%dma_wait3A_854] : memref<13312xi32, #tpu.memory_space<vmem>> -> memref<128xi32, #tpu.memory_space<vmem>>
    %dma_wait3A_856 = arith.constant 0 : i32
    %dma_wait3A_857 = arith.constant 0 : i32
    %dma_wait3A_858 = tpu.memref_slice %arg2[%dma_wait3A_856, %dma_wait3A_857] : memref<1000000x64xf32, #tpu.memory_space<hbm>> -> memref<1000000x64xf32, #tpu.memory_space<hbm>>
    %dma_wait3A_859 = tpu.memref_slice %arg7[%dma_wait3A_849] : memref<8x!tpu.dma_semaphore, #tpu.memory_space<semaphore_mem>> -> memref<1x!tpu.dma_semaphore, #tpu.memory_space<semaphore_mem>>
    %dma_wait3A_860 = tpu.memref_squeeze %dma_wait3A_859 : memref<1x!tpu.dma_semaphore, #tpu.memory_space<semaphore_mem>> -> memref<!tpu.dma_semaphore, #tpu.memory_space<semaphore_mem>>
    tpu.wait_indirect_dma semaphore(%dma_wait3A_860 : memref<!tpu.dma_semaphore, #tpu.memory_space<semaphore_mem>>) src(%dma_wait3A_858 : memref<1000000x64xf32, #tpu.memory_space<hbm>>) dst(%dma_wait3A_853 : memref<128x64xf32, #tpu.memory_space<vmem>>)
    %mul3A_861 = arith.constant 104 : i32
    %mul3A_862 = arith.muli %add3A, %mul3A_861 : i32
    %add3A_863 = arith.constant 102 : i32
    %add3A_864 = arith.addi %mul3A_862, %add3A_863 : i32
    %mul3A_865 = arith.constant 128 : i32
    %mul3A_866 = arith.muli %add3A_864, %mul3A_865 : i32
    %dma_start3A_867 = arith.constant 6 : i32
    %dma_start3A_868 = arith.constant 6 : i32
    %dma_start3A_869 = arith.constant 0 : i32
    %dma_start3A_870 = arith.constant 0 : i32
    %dma_start3A_871 = tpu.memref_slice %arg6[%dma_start3A_867, %dma_start3A_869, %dma_start3A_870] : memref<8x128x64xf32, #tpu.memory_space<vmem>> -> memref<1x128x64xf32, #tpu.memory_space<vmem>>
    %dma_start3A_872 = tpu.memref_squeeze %dma_start3A_871 : memref<1x128x64xf32, #tpu.memory_space<vmem>> -> memref<128x64xf32, #tpu.memory_space<vmem>>
    %dma_start3A_873 = arith.constant 0 : i32
    %dma_start3A_874 = tpu.memref_slice %arg4[%mul3A_866, %dma_start3A_873] : memref<425984x64xf32, #tpu.memory_space<hbm>> -> memref<128x64xf32, #tpu.memory_space<hbm>>
    %dma_start3A_875 = tpu.memref_slice %arg8[%dma_start3A_868] : memref<8x!tpu.dma_semaphore, #tpu.memory_space<semaphore_mem>> -> memref<1x!tpu.dma_semaphore, #tpu.memory_space<semaphore_mem>>
    %dma_start3A_876 = tpu.memref_squeeze %dma_start3A_875 : memref<1x!tpu.dma_semaphore, #tpu.memory_space<semaphore_mem>> -> memref<!tpu.dma_semaphore, #tpu.memory_space<semaphore_mem>>
    %dma_start3A_877 = arith.constant 0 : i32
    %dma_start3A_878 = tpu.memref_slice %arg4[%mul3A_866, %dma_start3A_877] : memref<425984x64xf32, #tpu.memory_space<hbm>> -> memref<128x64xf32, #tpu.memory_space<hbm>>
    %dma_start3A_879 = arith.constant 0 : i32
    %dma_start3A_880 = arith.constant 0 : i32
    %dma_start3A_881 = tpu.memref_slice %arg6[%dma_start3A_867, %dma_start3A_879, %dma_start3A_880] : memref<8x128x64xf32, #tpu.memory_space<vmem>> -> memref<1x128x64xf32, #tpu.memory_space<vmem>>
    %dma_start3A_882 = tpu.memref_squeeze %dma_start3A_881 : memref<1x128x64xf32, #tpu.memory_space<vmem>> -> memref<128x64xf32, #tpu.memory_space<vmem>>
    tpu.enqueue_dma source(%dma_start3A_882 : memref<128x64xf32, #tpu.memory_space<vmem>>) target(%dma_start3A_878 : memref<128x64xf32, #tpu.memory_space<hbm>>) target_semaphore(%dma_start3A_876 : memref<!tpu.dma_semaphore, #tpu.memory_space<semaphore_mem>>)
    %dma_wait3A_883 = arith.constant 7 : i32
    %dma_wait3A_884 = arith.constant 7 : i32
    %dma_wait3A_885 = arith.constant 0 : i32
    %dma_wait3A_886 = arith.constant 0 : i32
    %dma_wait3A_887 = tpu.memref_slice %arg6[%dma_wait3A_883, %dma_wait3A_885, %dma_wait3A_886] : memref<8x128x64xf32, #tpu.memory_space<vmem>> -> memref<1x128x64xf32, #tpu.memory_space<vmem>>
    %dma_wait3A_888 = tpu.memref_squeeze %dma_wait3A_887 : memref<1x128x64xf32, #tpu.memory_space<vmem>> -> memref<128x64xf32, #tpu.memory_space<vmem>>
    %dma_wait3A_889 = arith.constant 13184 : i32
    %dma_wait3A_890 = tpu.memref_slice %arg5[%dma_wait3A_889] : memref<13312xi32, #tpu.memory_space<vmem>> -> memref<128xi32, #tpu.memory_space<vmem>>
    %dma_wait3A_891 = arith.constant 0 : i32
    %dma_wait3A_892 = arith.constant 0 : i32
    %dma_wait3A_893 = tpu.memref_slice %arg2[%dma_wait3A_891, %dma_wait3A_892] : memref<1000000x64xf32, #tpu.memory_space<hbm>> -> memref<1000000x64xf32, #tpu.memory_space<hbm>>
    %dma_wait3A_894 = tpu.memref_slice %arg7[%dma_wait3A_884] : memref<8x!tpu.dma_semaphore, #tpu.memory_space<semaphore_mem>> -> memref<1x!tpu.dma_semaphore, #tpu.memory_space<semaphore_mem>>
    %dma_wait3A_895 = tpu.memref_squeeze %dma_wait3A_894 : memref<1x!tpu.dma_semaphore, #tpu.memory_space<semaphore_mem>> -> memref<!tpu.dma_semaphore, #tpu.memory_space<semaphore_mem>>
    tpu.wait_indirect_dma semaphore(%dma_wait3A_895 : memref<!tpu.dma_semaphore, #tpu.memory_space<semaphore_mem>>) src(%dma_wait3A_893 : memref<1000000x64xf32, #tpu.memory_space<hbm>>) dst(%dma_wait3A_888 : memref<128x64xf32, #tpu.memory_space<vmem>>)
    %mul3A_896 = arith.constant 104 : i32
    %mul3A_897 = arith.muli %add3A, %mul3A_896 : i32
    %add3A_898 = arith.constant 103 : i32
    %add3A_899 = arith.addi %mul3A_897, %add3A_898 : i32
    %mul3A_900 = arith.constant 128 : i32
    %mul3A_901 = arith.muli %add3A_899, %mul3A_900 : i32
    %dma_start3A_902 = arith.constant 7 : i32
    %dma_start3A_903 = arith.constant 7 : i32
    %dma_start3A_904 = arith.constant 0 : i32
    %dma_start3A_905 = arith.constant 0 : i32
    %dma_start3A_906 = tpu.memref_slice %arg6[%dma_start3A_902, %dma_start3A_904, %dma_start3A_905] : memref<8x128x64xf32, #tpu.memory_space<vmem>> -> memref<1x128x64xf32, #tpu.memory_space<vmem>>
    %dma_start3A_907 = tpu.memref_squeeze %dma_start3A_906 : memref<1x128x64xf32, #tpu.memory_space<vmem>> -> memref<128x64xf32, #tpu.memory_space<vmem>>
    %dma_start3A_908 = arith.constant 0 : i32
    %dma_start3A_909 = tpu.memref_slice %arg4[%mul3A_901, %dma_start3A_908] : memref<425984x64xf32, #tpu.memory_space<hbm>> -> memref<128x64xf32, #tpu.memory_space<hbm>>
    %dma_start3A_910 = tpu.memref_slice %arg8[%dma_start3A_903] : memref<8x!tpu.dma_semaphore, #tpu.memory_space<semaphore_mem>> -> memref<1x!tpu.dma_semaphore, #tpu.memory_space<semaphore_mem>>
    %dma_start3A_911 = tpu.memref_squeeze %dma_start3A_910 : memref<1x!tpu.dma_semaphore, #tpu.memory_space<semaphore_mem>> -> memref<!tpu.dma_semaphore, #tpu.memory_space<semaphore_mem>>
    %dma_start3A_912 = arith.constant 0 : i32
    %dma_start3A_913 = tpu.memref_slice %arg4[%mul3A_901, %dma_start3A_912] : memref<425984x64xf32, #tpu.memory_space<hbm>> -> memref<128x64xf32, #tpu.memory_space<hbm>>
    %dma_start3A_914 = arith.constant 0 : i32
    %dma_start3A_915 = arith.constant 0 : i32
    %dma_start3A_916 = tpu.memref_slice %arg6[%dma_start3A_902, %dma_start3A_914, %dma_start3A_915] : memref<8x128x64xf32, #tpu.memory_space<vmem>> -> memref<1x128x64xf32, #tpu.memory_space<vmem>>
    %dma_start3A_917 = tpu.memref_squeeze %dma_start3A_916 : memref<1x128x64xf32, #tpu.memory_space<vmem>> -> memref<128x64xf32, #tpu.memory_space<vmem>>
    tpu.enqueue_dma source(%dma_start3A_917 : memref<128x64xf32, #tpu.memory_space<vmem>>) target(%dma_start3A_913 : memref<128x64xf32, #tpu.memory_space<hbm>>) target_semaphore(%dma_start3A_911 : memref<!tpu.dma_semaphore, #tpu.memory_space<semaphore_mem>>)
    %dma_wait3A_918 = arith.constant 0 : i32
    %dma_wait3A_919 = arith.constant 0 : i32
    %dma_wait3A_920 = arith.constant 0 : i32
    %dma_wait3A_921 = arith.constant 0 : i32
    %dma_wait3A_922 = tpu.memref_slice %arg6[%dma_wait3A_918, %dma_wait3A_920, %dma_wait3A_921] : memref<8x128x64xf32, #tpu.memory_space<vmem>> -> memref<1x128x64xf32, #tpu.memory_space<vmem>>
    %dma_wait3A_923 = tpu.memref_squeeze %dma_wait3A_922 : memref<1x128x64xf32, #tpu.memory_space<vmem>> -> memref<128x64xf32, #tpu.memory_space<vmem>>
    %dma_wait3A_924 = arith.constant 0 : i32
    %dma_wait3A_925 = arith.constant 0 : i32
    %dma_wait3A_926 = tpu.memref_slice %arg4[%dma_wait3A_924, %dma_wait3A_925] : memref<425984x64xf32, #tpu.memory_space<hbm>> -> memref<128x64xf32, #tpu.memory_space<hbm>>
    %dma_wait3A_927 = tpu.memref_slice %arg8[%dma_wait3A_919] : memref<8x!tpu.dma_semaphore, #tpu.memory_space<semaphore_mem>> -> memref<1x!tpu.dma_semaphore, #tpu.memory_space<semaphore_mem>>
    %dma_wait3A_928 = tpu.memref_squeeze %dma_wait3A_927 : memref<1x!tpu.dma_semaphore, #tpu.memory_space<semaphore_mem>> -> memref<!tpu.dma_semaphore, #tpu.memory_space<semaphore_mem>>
    %dma_wait3A_929 = arith.constant 0 : i32
    %dma_wait3A_930 = arith.constant 0 : i32
    %dma_wait3A_931 = tpu.memref_slice %arg4[%dma_wait3A_929, %dma_wait3A_930] : memref<425984x64xf32, #tpu.memory_space<hbm>> -> memref<128x64xf32, #tpu.memory_space<hbm>>
    %dma_wait3A_932 = arith.constant 0 : i32
    %dma_wait3A_933 = arith.constant 0 : i32
    %dma_wait3A_934 = tpu.memref_slice %arg6[%dma_wait3A_918, %dma_wait3A_932, %dma_wait3A_933] : memref<8x128x64xf32, #tpu.memory_space<vmem>> -> memref<1x128x64xf32, #tpu.memory_space<vmem>>
    %dma_wait3A_935 = tpu.memref_squeeze %dma_wait3A_934 : memref<1x128x64xf32, #tpu.memory_space<vmem>> -> memref<128x64xf32, #tpu.memory_space<vmem>>
    tpu.wait_dma2 semaphore(%dma_wait3A_928 : memref<!tpu.dma_semaphore, #tpu.memory_space<semaphore_mem>>) src(%dma_wait3A_935 : memref<128x64xf32, #tpu.memory_space<vmem>>) dst(%dma_wait3A_931 : memref<128x64xf32, #tpu.memory_space<hbm>>)
    %dma_wait3A_936 = arith.constant 1 : i32
    %dma_wait3A_937 = arith.constant 1 : i32
    %dma_wait3A_938 = arith.constant 0 : i32
    %dma_wait3A_939 = arith.constant 0 : i32
    %dma_wait3A_940 = tpu.memref_slice %arg6[%dma_wait3A_936, %dma_wait3A_938, %dma_wait3A_939] : memref<8x128x64xf32, #tpu.memory_space<vmem>> -> memref<1x128x64xf32, #tpu.memory_space<vmem>>
    %dma_wait3A_941 = tpu.memref_squeeze %dma_wait3A_940 : memref<1x128x64xf32, #tpu.memory_space<vmem>> -> memref<128x64xf32, #tpu.memory_space<vmem>>
    %dma_wait3A_942 = arith.constant 0 : i32
    %dma_wait3A_943 = arith.constant 0 : i32
    %dma_wait3A_944 = tpu.memref_slice %arg4[%dma_wait3A_942, %dma_wait3A_943] : memref<425984x64xf32, #tpu.memory_space<hbm>> -> memref<128x64xf32, #tpu.memory_space<hbm>>
    %dma_wait3A_945 = tpu.memref_slice %arg8[%dma_wait3A_937] : memref<8x!tpu.dma_semaphore, #tpu.memory_space<semaphore_mem>> -> memref<1x!tpu.dma_semaphore, #tpu.memory_space<semaphore_mem>>
    %dma_wait3A_946 = tpu.memref_squeeze %dma_wait3A_945 : memref<1x!tpu.dma_semaphore, #tpu.memory_space<semaphore_mem>> -> memref<!tpu.dma_semaphore, #tpu.memory_space<semaphore_mem>>
    %dma_wait3A_947 = arith.constant 0 : i32
    %dma_wait3A_948 = arith.constant 0 : i32
    %dma_wait3A_949 = tpu.memref_slice %arg4[%dma_wait3A_947, %dma_wait3A_948] : memref<425984x64xf32, #tpu.memory_space<hbm>> -> memref<128x64xf32, #tpu.memory_space<hbm>>
    %dma_wait3A_950 = arith.constant 0 : i32
    %dma_wait3A_951 = arith.constant 0 : i32
    %dma_wait3A_952 = tpu.memref_slice %arg6[%dma_wait3A_936, %dma_wait3A_950, %dma_wait3A_951] : memref<8x128x64xf32, #tpu.memory_space<vmem>> -> memref<1x128x64xf32, #tpu.memory_space<vmem>>
    %dma_wait3A_953 = tpu.memref_squeeze %dma_wait3A_952 : memref<1x128x64xf32, #tpu.memory_space<vmem>> -> memref<128x64xf32, #tpu.memory_space<vmem>>
    tpu.wait_dma2 semaphore(%dma_wait3A_946 : memref<!tpu.dma_semaphore, #tpu.memory_space<semaphore_mem>>) src(%dma_wait3A_953 : memref<128x64xf32, #tpu.memory_space<vmem>>) dst(%dma_wait3A_949 : memref<128x64xf32, #tpu.memory_space<hbm>>)
    %dma_wait3A_954 = arith.constant 2 : i32
    %dma_wait3A_955 = arith.constant 2 : i32
    %dma_wait3A_956 = arith.constant 0 : i32
    %dma_wait3A_957 = arith.constant 0 : i32
    %dma_wait3A_958 = tpu.memref_slice %arg6[%dma_wait3A_954, %dma_wait3A_956, %dma_wait3A_957] : memref<8x128x64xf32, #tpu.memory_space<vmem>> -> memref<1x128x64xf32, #tpu.memory_space<vmem>>
    %dma_wait3A_959 = tpu.memref_squeeze %dma_wait3A_958 : memref<1x128x64xf32, #tpu.memory_space<vmem>> -> memref<128x64xf32, #tpu.memory_space<vmem>>
    %dma_wait3A_960 = arith.constant 0 : i32
    %dma_wait3A_961 = arith.constant 0 : i32
    %dma_wait3A_962 = tpu.memref_slice %arg4[%dma_wait3A_960, %dma_wait3A_961] : memref<425984x64xf32, #tpu.memory_space<hbm>> -> memref<128x64xf32, #tpu.memory_space<hbm>>
    %dma_wait3A_963 = tpu.memref_slice %arg8[%dma_wait3A_955] : memref<8x!tpu.dma_semaphore, #tpu.memory_space<semaphore_mem>> -> memref<1x!tpu.dma_semaphore, #tpu.memory_space<semaphore_mem>>
    %dma_wait3A_964 = tpu.memref_squeeze %dma_wait3A_963 : memref<1x!tpu.dma_semaphore, #tpu.memory_space<semaphore_mem>> -> memref<!tpu.dma_semaphore, #tpu.memory_space<semaphore_mem>>
    %dma_wait3A_965 = arith.constant 0 : i32
    %dma_wait3A_966 = arith.constant 0 : i32
    %dma_wait3A_967 = tpu.memref_slice %arg4[%dma_wait3A_965, %dma_wait3A_966] : memref<425984x64xf32, #tpu.memory_space<hbm>> -> memref<128x64xf32, #tpu.memory_space<hbm>>
    %dma_wait3A_968 = arith.constant 0 : i32
    %dma_wait3A_969 = arith.constant 0 : i32
    %dma_wait3A_970 = tpu.memref_slice %arg6[%dma_wait3A_954, %dma_wait3A_968, %dma_wait3A_969] : memref<8x128x64xf32, #tpu.memory_space<vmem>> -> memref<1x128x64xf32, #tpu.memory_space<vmem>>
    %dma_wait3A_971 = tpu.memref_squeeze %dma_wait3A_970 : memref<1x128x64xf32, #tpu.memory_space<vmem>> -> memref<128x64xf32, #tpu.memory_space<vmem>>
    tpu.wait_dma2 semaphore(%dma_wait3A_964 : memref<!tpu.dma_semaphore, #tpu.memory_space<semaphore_mem>>) src(%dma_wait3A_971 : memref<128x64xf32, #tpu.memory_space<vmem>>) dst(%dma_wait3A_967 : memref<128x64xf32, #tpu.memory_space<hbm>>)
    %dma_wait3A_972 = arith.constant 3 : i32
    %dma_wait3A_973 = arith.constant 3 : i32
    %dma_wait3A_974 = arith.constant 0 : i32
    %dma_wait3A_975 = arith.constant 0 : i32
    %dma_wait3A_976 = tpu.memref_slice %arg6[%dma_wait3A_972, %dma_wait3A_974, %dma_wait3A_975] : memref<8x128x64xf32, #tpu.memory_space<vmem>> -> memref<1x128x64xf32, #tpu.memory_space<vmem>>
    %dma_wait3A_977 = tpu.memref_squeeze %dma_wait3A_976 : memref<1x128x64xf32, #tpu.memory_space<vmem>> -> memref<128x64xf32, #tpu.memory_space<vmem>>
    %dma_wait3A_978 = arith.constant 0 : i32
    %dma_wait3A_979 = arith.constant 0 : i32
    %dma_wait3A_980 = tpu.memref_slice %arg4[%dma_wait3A_978, %dma_wait3A_979] : memref<425984x64xf32, #tpu.memory_space<hbm>> -> memref<128x64xf32, #tpu.memory_space<hbm>>
    %dma_wait3A_981 = tpu.memref_slice %arg8[%dma_wait3A_973] : memref<8x!tpu.dma_semaphore, #tpu.memory_space<semaphore_mem>> -> memref<1x!tpu.dma_semaphore, #tpu.memory_space<semaphore_mem>>
    %dma_wait3A_982 = tpu.memref_squeeze %dma_wait3A_981 : memref<1x!tpu.dma_semaphore, #tpu.memory_space<semaphore_mem>> -> memref<!tpu.dma_semaphore, #tpu.memory_space<semaphore_mem>>
    %dma_wait3A_983 = arith.constant 0 : i32
    %dma_wait3A_984 = arith.constant 0 : i32
    %dma_wait3A_985 = tpu.memref_slice %arg4[%dma_wait3A_983, %dma_wait3A_984] : memref<425984x64xf32, #tpu.memory_space<hbm>> -> memref<128x64xf32, #tpu.memory_space<hbm>>
    %dma_wait3A_986 = arith.constant 0 : i32
    %dma_wait3A_987 = arith.constant 0 : i32
    %dma_wait3A_988 = tpu.memref_slice %arg6[%dma_wait3A_972, %dma_wait3A_986, %dma_wait3A_987] : memref<8x128x64xf32, #tpu.memory_space<vmem>> -> memref<1x128x64xf32, #tpu.memory_space<vmem>>
    %dma_wait3A_989 = tpu.memref_squeeze %dma_wait3A_988 : memref<1x128x64xf32, #tpu.memory_space<vmem>> -> memref<128x64xf32, #tpu.memory_space<vmem>>
    tpu.wait_dma2 semaphore(%dma_wait3A_982 : memref<!tpu.dma_semaphore, #tpu.memory_space<semaphore_mem>>) src(%dma_wait3A_989 : memref<128x64xf32, #tpu.memory_space<vmem>>) dst(%dma_wait3A_985 : memref<128x64xf32, #tpu.memory_space<hbm>>)
    %dma_wait3A_990 = arith.constant 4 : i32
    %dma_wait3A_991 = arith.constant 4 : i32
    %dma_wait3A_992 = arith.constant 0 : i32
    %dma_wait3A_993 = arith.constant 0 : i32
    %dma_wait3A_994 = tpu.memref_slice %arg6[%dma_wait3A_990, %dma_wait3A_992, %dma_wait3A_993] : memref<8x128x64xf32, #tpu.memory_space<vmem>> -> memref<1x128x64xf32, #tpu.memory_space<vmem>>
    %dma_wait3A_995 = tpu.memref_squeeze %dma_wait3A_994 : memref<1x128x64xf32, #tpu.memory_space<vmem>> -> memref<128x64xf32, #tpu.memory_space<vmem>>
    %dma_wait3A_996 = arith.constant 0 : i32
    %dma_wait3A_997 = arith.constant 0 : i32
    %dma_wait3A_998 = tpu.memref_slice %arg4[%dma_wait3A_996, %dma_wait3A_997] : memref<425984x64xf32, #tpu.memory_space<hbm>> -> memref<128x64xf32, #tpu.memory_space<hbm>>
    %dma_wait3A_999 = tpu.memref_slice %arg8[%dma_wait3A_991] : memref<8x!tpu.dma_semaphore, #tpu.memory_space<semaphore_mem>> -> memref<1x!tpu.dma_semaphore, #tpu.memory_space<semaphore_mem>>
    %dma_wait3A_1000 = tpu.memref_squeeze %dma_wait3A_999 : memref<1x!tpu.dma_semaphore, #tpu.memory_space<semaphore_mem>> -> memref<!tpu.dma_semaphore, #tpu.memory_space<semaphore_mem>>
    %dma_wait3A_1001 = arith.constant 0 : i32
    %dma_wait3A_1002 = arith.constant 0 : i32
    %dma_wait3A_1003 = tpu.memref_slice %arg4[%dma_wait3A_1001, %dma_wait3A_1002] : memref<425984x64xf32, #tpu.memory_space<hbm>> -> memref<128x64xf32, #tpu.memory_space<hbm>>
    %dma_wait3A_1004 = arith.constant 0 : i32
    %dma_wait3A_1005 = arith.constant 0 : i32
    %dma_wait3A_1006 = tpu.memref_slice %arg6[%dma_wait3A_990, %dma_wait3A_1004, %dma_wait3A_1005] : memref<8x128x64xf32, #tpu.memory_space<vmem>> -> memref<1x128x64xf32, #tpu.memory_space<vmem>>
    %dma_wait3A_1007 = tpu.memref_squeeze %dma_wait3A_1006 : memref<1x128x64xf32, #tpu.memory_space<vmem>> -> memref<128x64xf32, #tpu.memory_space<vmem>>
    tpu.wait_dma2 semaphore(%dma_wait3A_1000 : memref<!tpu.dma_semaphore, #tpu.memory_space<semaphore_mem>>) src(%dma_wait3A_1007 : memref<128x64xf32, #tpu.memory_space<vmem>>) dst(%dma_wait3A_1003 : memref<128x64xf32, #tpu.memory_space<hbm>>)
    %dma_wait3A_1008 = arith.constant 5 : i32
    %dma_wait3A_1009 = arith.constant 5 : i32
    %dma_wait3A_1010 = arith.constant 0 : i32
    %dma_wait3A_1011 = arith.constant 0 : i32
    %dma_wait3A_1012 = tpu.memref_slice %arg6[%dma_wait3A_1008, %dma_wait3A_1010, %dma_wait3A_1011] : memref<8x128x64xf32, #tpu.memory_space<vmem>> -> memref<1x128x64xf32, #tpu.memory_space<vmem>>
    %dma_wait3A_1013 = tpu.memref_squeeze %dma_wait3A_1012 : memref<1x128x64xf32, #tpu.memory_space<vmem>> -> memref<128x64xf32, #tpu.memory_space<vmem>>
    %dma_wait3A_1014 = arith.constant 0 : i32
    %dma_wait3A_1015 = arith.constant 0 : i32
    %dma_wait3A_1016 = tpu.memref_slice %arg4[%dma_wait3A_1014, %dma_wait3A_1015] : memref<425984x64xf32, #tpu.memory_space<hbm>> -> memref<128x64xf32, #tpu.memory_space<hbm>>
    %dma_wait3A_1017 = tpu.memref_slice %arg8[%dma_wait3A_1009] : memref<8x!tpu.dma_semaphore, #tpu.memory_space<semaphore_mem>> -> memref<1x!tpu.dma_semaphore, #tpu.memory_space<semaphore_mem>>
    %dma_wait3A_1018 = tpu.memref_squeeze %dma_wait3A_1017 : memref<1x!tpu.dma_semaphore, #tpu.memory_space<semaphore_mem>> -> memref<!tpu.dma_semaphore, #tpu.memory_space<semaphore_mem>>
    %dma_wait3A_1019 = arith.constant 0 : i32
    %dma_wait3A_1020 = arith.constant 0 : i32
    %dma_wait3A_1021 = tpu.memref_slice %arg4[%dma_wait3A_1019, %dma_wait3A_1020] : memref<425984x64xf32, #tpu.memory_space<hbm>> -> memref<128x64xf32, #tpu.memory_space<hbm>>
    %dma_wait3A_1022 = arith.constant 0 : i32
    %dma_wait3A_1023 = arith.constant 0 : i32
    %dma_wait3A_1024 = tpu.memref_slice %arg6[%dma_wait3A_1008, %dma_wait3A_1022, %dma_wait3A_1023] : memref<8x128x64xf32, #tpu.memory_space<vmem>> -> memref<1x128x64xf32, #tpu.memory_space<vmem>>
    %dma_wait3A_1025 = tpu.memref_squeeze %dma_wait3A_1024 : memref<1x128x64xf32, #tpu.memory_space<vmem>> -> memref<128x64xf32, #tpu.memory_space<vmem>>
    tpu.wait_dma2 semaphore(%dma_wait3A_1018 : memref<!tpu.dma_semaphore, #tpu.memory_space<semaphore_mem>>) src(%dma_wait3A_1025 : memref<128x64xf32, #tpu.memory_space<vmem>>) dst(%dma_wait3A_1021 : memref<128x64xf32, #tpu.memory_space<hbm>>)
    %dma_wait3A_1026 = arith.constant 6 : i32
    %dma_wait3A_1027 = arith.constant 6 : i32
    %dma_wait3A_1028 = arith.constant 0 : i32
    %dma_wait3A_1029 = arith.constant 0 : i32
    %dma_wait3A_1030 = tpu.memref_slice %arg6[%dma_wait3A_1026, %dma_wait3A_1028, %dma_wait3A_1029] : memref<8x128x64xf32, #tpu.memory_space<vmem>> -> memref<1x128x64xf32, #tpu.memory_space<vmem>>
    %dma_wait3A_1031 = tpu.memref_squeeze %dma_wait3A_1030 : memref<1x128x64xf32, #tpu.memory_space<vmem>> -> memref<128x64xf32, #tpu.memory_space<vmem>>
    %dma_wait3A_1032 = arith.constant 0 : i32
    %dma_wait3A_1033 = arith.constant 0 : i32
    %dma_wait3A_1034 = tpu.memref_slice %arg4[%dma_wait3A_1032, %dma_wait3A_1033] : memref<425984x64xf32, #tpu.memory_space<hbm>> -> memref<128x64xf32, #tpu.memory_space<hbm>>
    %dma_wait3A_1035 = tpu.memref_slice %arg8[%dma_wait3A_1027] : memref<8x!tpu.dma_semaphore, #tpu.memory_space<semaphore_mem>> -> memref<1x!tpu.dma_semaphore, #tpu.memory_space<semaphore_mem>>
    %dma_wait3A_1036 = tpu.memref_squeeze %dma_wait3A_1035 : memref<1x!tpu.dma_semaphore, #tpu.memory_space<semaphore_mem>> -> memref<!tpu.dma_semaphore, #tpu.memory_space<semaphore_mem>>
    %dma_wait3A_1037 = arith.constant 0 : i32
    %dma_wait3A_1038 = arith.constant 0 : i32
    %dma_wait3A_1039 = tpu.memref_slice %arg4[%dma_wait3A_1037, %dma_wait3A_1038] : memref<425984x64xf32, #tpu.memory_space<hbm>> -> memref<128x64xf32, #tpu.memory_space<hbm>>
    %dma_wait3A_1040 = arith.constant 0 : i32
    %dma_wait3A_1041 = arith.constant 0 : i32
    %dma_wait3A_1042 = tpu.memref_slice %arg6[%dma_wait3A_1026, %dma_wait3A_1040, %dma_wait3A_1041] : memref<8x128x64xf32, #tpu.memory_space<vmem>> -> memref<1x128x64xf32, #tpu.memory_space<vmem>>
    %dma_wait3A_1043 = tpu.memref_squeeze %dma_wait3A_1042 : memref<1x128x64xf32, #tpu.memory_space<vmem>> -> memref<128x64xf32, #tpu.memory_space<vmem>>
    tpu.wait_dma2 semaphore(%dma_wait3A_1036 : memref<!tpu.dma_semaphore, #tpu.memory_space<semaphore_mem>>) src(%dma_wait3A_1043 : memref<128x64xf32, #tpu.memory_space<vmem>>) dst(%dma_wait3A_1039 : memref<128x64xf32, #tpu.memory_space<hbm>>)
    %dma_wait3A_1044 = arith.constant 7 : i32
    %dma_wait3A_1045 = arith.constant 7 : i32
    %dma_wait3A_1046 = arith.constant 0 : i32
    %dma_wait3A_1047 = arith.constant 0 : i32
    %dma_wait3A_1048 = tpu.memref_slice %arg6[%dma_wait3A_1044, %dma_wait3A_1046, %dma_wait3A_1047] : memref<8x128x64xf32, #tpu.memory_space<vmem>> -> memref<1x128x64xf32, #tpu.memory_space<vmem>>
    %dma_wait3A_1049 = tpu.memref_squeeze %dma_wait3A_1048 : memref<1x128x64xf32, #tpu.memory_space<vmem>> -> memref<128x64xf32, #tpu.memory_space<vmem>>
    %dma_wait3A_1050 = arith.constant 0 : i32
    %dma_wait3A_1051 = arith.constant 0 : i32
    %dma_wait3A_1052 = tpu.memref_slice %arg4[%dma_wait3A_1050, %dma_wait3A_1051] : memref<425984x64xf32, #tpu.memory_space<hbm>> -> memref<128x64xf32, #tpu.memory_space<hbm>>
    %dma_wait3A_1053 = tpu.memref_slice %arg8[%dma_wait3A_1045] : memref<8x!tpu.dma_semaphore, #tpu.memory_space<semaphore_mem>> -> memref<1x!tpu.dma_semaphore, #tpu.memory_space<semaphore_mem>>
    %dma_wait3A_1054 = tpu.memref_squeeze %dma_wait3A_1053 : memref<1x!tpu.dma_semaphore, #tpu.memory_space<semaphore_mem>> -> memref<!tpu.dma_semaphore, #tpu.memory_space<semaphore_mem>>
    %dma_wait3A_1055 = arith.constant 0 : i32
    %dma_wait3A_1056 = arith.constant 0 : i32
    %dma_wait3A_1057 = tpu.memref_slice %arg4[%dma_wait3A_1055, %dma_wait3A_1056] : memref<425984x64xf32, #tpu.memory_space<hbm>> -> memref<128x64xf32, #tpu.memory_space<hbm>>
    %dma_wait3A_1058 = arith.constant 0 : i32
    %dma_wait3A_1059 = arith.constant 0 : i32
    %dma_wait3A_1060 = tpu.memref_slice %arg6[%dma_wait3A_1044, %dma_wait3A_1058, %dma_wait3A_1059] : memref<8x128x64xf32, #tpu.memory_space<vmem>> -> memref<1x128x64xf32, #tpu.memory_space<vmem>>
    %dma_wait3A_1061 = tpu.memref_squeeze %dma_wait3A_1060 : memref<1x128x64xf32, #tpu.memory_space<vmem>> -> memref<128x64xf32, #tpu.memory_space<vmem>>
    tpu.wait_dma2 semaphore(%dma_wait3A_1054 : memref<!tpu.dma_semaphore, #tpu.memory_space<semaphore_mem>>) src(%dma_wait3A_1061 : memref<128x64xf32, #tpu.memory_space<vmem>>) dst(%dma_wait3A_1057 : memref<128x64xf32, #tpu.memory_space<hbm>>)
    return
  }
}

</mosaic_0001>

<sc_bundles>
// kernel: kernel.3.cloned.1.call-start
scs
__scs_entry_jumppad:
0x0: {  	(pc) =	sbr.rel $0x88, $3  }
0x1: {  	(tag) =	ssettag $0x0;
	lr =	simm.s32 $0x1  }
0x2: {  	[smem:$0x3F9F] =	sst lr;
	_ =	strace $0xD0000000  }
0x3: {  	_ = 	snop  }
0x4: {  	_ = 	snop  }
0x5: {  	_ = 	snop  }
0x6: {  	_ = 	snop  }
0x7: {  	_ = 	snop  }
__scs_overlays_trampoline_lowered:
0x8: {  	[smem:$0x3FAE] =	sst s0  }
0x9: {  	[smem:$0x3FAF] =	sst s1  }
0xa: {  	[smem:$0x3FB0] =	sst s2  }
0xb: {  	[smem:$0x3FB1] =	sst s3  }
0xc: {  	[smem:$0x3FB2] =	sst s4  }
0xd: {  	[smem:$0x3FB3] =	sst s5  }
0xe: {  	[smem:$0x3FB4] =	sst s6  }
0xf: {  	[smem:$0x3FB5] =	sst s7  }
0x10: {  	[smem:$0x3FB6] =	sst s8  }
0x11: {  	[smem:$0x3FB7] =	sst s9;
	s0 =	simm.s32 @!p0 $0x0  }
0x12: {  	s1 =	sld [smem:$0x3F9D];
	s0 =	simm.s32 @p0 $0x1  }
0x13: {  	[smem:$0x3FB8] =	sst s0;
	s0 =	simm.s32 @!p1 $0x0  }
0x14: {  	s2 =	sld [smem:$0x3F9C];
	s0 =	simm.s32 @p1 $0x1  }
0x15: {  	[smem:$0x3FB9] =	sst s0;
	s0 =	simm.s32 @!p2 $0x0  }
0x16: {  	s3 =	sld [smem:$0x3FDB];
	s0 =	simm.s32 @p2 $0x1  }
0x17: {  	s4 =	simm.s32 $0x1BF5;
	[smem:$0x3FBB] =	sst s0  }
0x18: {  	s0 =	sld [smem:$0x3F9E];
	_ =	swait.ge [sflag:s4], $0x0  }
0x19: {  	s7 =	sld [smem:$0x3F9F]  }
0x1a: {  	s8 =	sadd.s32 $0xFFFFE003, lr  }
0x1b: {  	s9 =	sadd.s32 $0xFFFFFEF7, lr;
	s5 =	simm.s32 $0xFFFFFFFF;
	p2 =	slt.u32 s8, $0xFFFFF086  }
0x1c: {  	p1 =	slt.u32 s9, $0xF7A;
	s5 =	simm.s32 @!p2 $0x0  }
0x1d: {  	s5 =	simm.s32 @p1 $0x1;
	p0 =	seq.s32 s7, s2  }
0x1e: {  	s7 =	smul.u32 @!p0 $0xF7A, s2;
	p2 =	seq.s32 @!p0 s5, $0x0  }
0x1f: {  	s9 =	smul.u32 $0xF7A, s1;
	s8 =	simm.s32 @!p0 $0x1BF5;
	p2 =	por !p2, p0  }
0x20: {  	[sflag:s8] =	ssyncset.s32 @!p0 $0xFFFFF086;
	s6 =	sadd.s32 @!p0 s3, s7;
	s7 =	simm.s32 @!p0 $0x108  }
0x21: {  	s3 =	sadd.s32 s3, s9;
	s6 =	sadd.s32 @!p0 $0x88, s6;
	s7 =	simm.s32 @p2 $0x1082  }
0x22: {  	[simem:s7], [sflag:s8] =	dma.local @!p0 [hbm:s6], $0xF7A  }
0x23: {  	s9 =	sor.u32 $0xD0000000, s2;
	s6 =	simm.s32 $0x108;
	_ =	swait.ge @!p0 [sflag:s8], $0x0  }
0x24: {  	s3 =	sadd.s32 $0x88, s3;
	s6 =	simm.s32 @!p1 $0x1082;
	[sflag:s4] =	ssyncset.s32 $0xFFFFF086  }
0x25: {  	[simem:s6], [sflag:s4] =	dma.local [hbm:s3], $0xF7A  }
0x26: {  	[smem:$0x3F9F] =	sst s1;
	(tag) =	ssettag s2;
	_ =	strace s9  }
0x27: {  	s1 =	sld [smem:$0x3FAF]  }
0x28: {  	s2 =	sld [smem:$0x3FB0]  }
0x29: {  	s4 =	sld [smem:$0x3FB2]  }
0x2a: {  	p0 =	seq.s32 s5, $0x0;
	s5 =	sld [smem:$0x3FB3]  }
0x2b: {  	s6 =	sld [smem:$0x3FB4]  }
0x2c: {  	s7 =	sld [smem:$0x3FB5]  }
0x2d: {  	s3 =	simm.s32 $0x108;
	s8 =	sld [smem:$0x3FB6]  }
0x2e: {  	s3 =	simm.s32 @!p0 $0x1082;
	s9 =	sld [smem:$0x3FB7]  }
0x2f: {  	lr =	sadd.s32 s0, s3;
	s0 =	sld [smem:$0x3FAE]  }
0x30: {  	s3 =	sld [smem:$0x3FB1]  }
0x31: {  	[smem:$0x3FBA] =	sst s10  }
0x32: {  	s10 =	sld [smem:$0x3FB8];
	_ =	sdelay $0x3  }
0x33: {  	p0 =	seq.s32 s10, $0x1;
	s10 =	sld [smem:$0x3FBA];
	_ =	sdelay $0x3  }
0x34: {  	[smem:$0x3FBA] =	sst s10  }
0x35: {  	s10 =	sld [smem:$0x3FB9];
	_ =	sdelay $0x3  }
0x36: {  	p1 =	seq.s32 s10, $0x1;
	s10 =	sld [smem:$0x3FBA];
	_ =	sdelay $0x3  }
0x37: {  	[smem:$0x3FBA] =	sst s10  }
0x38: {  	s10 =	sld [smem:$0x3FBB]  }
0x39: {  	_ = 	snop;
	(pc) =	sbr.ind lr, $3  }
0x3a: {  	_ = 	snop  }
0x3b: {  	_ = 	snop  }
0x3c: {  	p2 =	seq.s32 s10, $0x1;
	s10 =	sld [smem:$0x3FBA]  }
0x3d: {  	_ =	shalt  }
0x3e: {  	_ =	shalt  }
0x3f: {  	_ =	shalt  }
0x40: {  	_ =	shalt  }
0x41: {  	_ =	shalt  }
0x42: {  	_ =	shalt  }
0x43: {  	_ =	shalt  }
0x44: {  	_ =	shalt  }
0x45: {  	_ =	shalt  }
0x46: {  	_ =	shalt  }
0x47: {  	_ =	shalt  }
0x48: {  	_ =	shalt  }
0x49: {  	_ =	shalt  }
0x4a: {  	_ =	shalt  }
0x4b: {  	_ =	shalt  }
0x4c: {  	_ =	shalt  }
0x4d: {  	_ =	shalt  }
0x4e: {  	_ =	shalt  }
0x4f: {  	_ =	shalt  }
0x50: {  	_ =	shalt  }
0x51: {  	_ =	shalt  }
0x52: {  	_ =	shalt  }
0x53: {  	_ =	shalt  }
0x54: {  	_ =	shalt  }
0x55: {  	_ =	shalt  }
0x56: {  	_ =	shalt  }
0x57: {  	_ =	shalt  }
0x58: {  	_ =	shalt  }
0x59: {  	_ =	shalt  }
0x5a: {  	_ =	shalt  }
0x5b: {  	_ =	shalt  }
0x5c: {  	_ =	shalt  }
0x5d: {  	_ =	shalt  }
0x5e: {  	_ =	shalt  }
0x5f: {  	_ =	shalt  }
0x60: {  	_ =	shalt  }
0x61: {  	_ =	shalt  }
0x62: {  	_ =	shalt  }
0x63: {  	_ =	shalt  }
0x64: {  	_ =	shalt  }
0x65: {  	_ =	shalt  }
0x66: {  	_ =	shalt  }
0x67: {  	_ =	shalt  }
0x68: {  	_ =	shalt  }
0x69: {  	_ =	shalt  }
0x6a: {  	_ =	shalt  }
0x6b: {  	_ =	shalt  }
0x6c: {  	_ =	shalt  }
0x6d: {  	_ =	shalt  }
0x6e: {  	_ =	shalt  }
0x6f: {  	_ =	shalt  }
0x70: {  	_ =	shalt  }
0x71: {  	_ =	shalt  }
0x72: {  	_ =	shalt  }
0x73: {  	_ =	shalt  }
0x74: {  	_ =	shalt  }
0x75: {  	_ =	shalt  }
0x76: {  	_ =	shalt  }
0x77: {  	_ =	shalt  }
0x78: {  	_ =	shalt  }
0x79: {  	_ =	shalt  }
0x7a: {  	_ =	shalt  }
0x7b: {  	_ =	shalt  }
0x7c: {  	_ =	shalt  }
0x7d: {  	_ =	shalt  }
0x7e: {  	_ =	shalt  }
0x7f: {  	_ =	shalt  }
0x80: {  	_ =	shalt  }
0x81: {  	_ =	shalt  }
0x82: {  	_ =	shalt  }
0x83: {  	_ =	shalt  }
0x84: {  	_ =	shalt  }
0x85: {  	_ =	shalt  }
0x86: {  	_ =	shalt  }
0x87: {  	_ =	shalt  }
.Lfunc_end0:
.L_simem_size_0:
called_computation.1_lowered:
.L_overlay_start_0:
0x88: {  	s2 =	sld [smem:$0x3FD9]  }
0x89: {  	s3 =	sld [smem:$0x3FFE];
	_ =	sdelay $0x1  }
0x8a: {  	s1 =	srdreg.scid  }
0x8b: {  	s0 =	sand.u32 $0x1, s1  }
0x8c: {  	s17 =	sshll.u32 s0, $0xA;
	s2 =	sadd.s32 s3, s2  }
0x8d: {  	s2 =	sadd.s32 s2, s17  }
0x8e: {  	[smem:$0x3FC6] =	sst s2  }
0x8f: {  	_ = 	snop  }
0x90: {  	s2 =	sld [smem:$0x3FD0];
	(tm) =	ssettm $0x1  }
0x91: {  	s18 =	sld [smem:$0x3FFB];
	_ =	sdelay $0x3  }
0x92: {  	_ =	strace s18  }
0x93: {  	s3 =	sld [smem:$0x3FFC];
	_ =	sdelay $0x3  }
0x94: {  	_ =	strace s3  }
0x95: {  	s3 =	sld [smem:$0x3FFD];
	_ =	sdelay $0x3  }
0x96: {  	_ =	strace s3  }
0x97: {  	_ =	strace $0x8FFFFFFF  }
0x98: {  	s19 =	sld [smem:$0x3FDB];
	_ =	sdelay $0x1  }
0x99: {  	s4 =	simm.s32 $_scs_section_size  }
0x9a: {  	s5 =	simm.s32 $_size__tile_overlayer_lowered;
	s6 =	simm.s32 $_tile_overlayer_lowered  }
0x9b: {  	s22 =	simm.s32 $0x1BFF;
	s21 =	sshll.u32 s6, $0x1;
	s3 =	sadd.s32 s4, s19  }
0x9c: {  	s7 =	simm.s32 $0x0;
	s20 =	sshll.u32 s5, $0x1;
	s5 =	sadd.s32 s21, s3  }
0x9d: {  	[timem:s7], [sflag:s22] =	dma.local [hbm:s5], s20  }
0x9e: {  	_ =	swait.ge [sflag:s22], s20  }
0x9f: {  	s4 =	ssub.s32 $0x0, s20;
	[sflag:s22] =	ssyncset.done $0x0  }
0xa0: {  	[sflag:s22] =	ssyncadd.s32 s4;
	_ =	sdelay $0x1  }
0xa1: {  	s23 =	simm.s32 $0x1B8B  }
0xa2: {  	_ =	swait.ge [sflag:s23], $0x1  }
0xa3: {  	[sflag:s23] =	ssyncset.done $0x0  }
0xa4: {  	s25 =	simm.s32 $0x1B8E;
	s24 =	sld [smem:$0x3FFE];
	[sflag:s23] =	ssyncadd.s32 $0xFFFFFFFF  }
0xa5: {  	s26 =	simm.s32 $execute0_lowered;
	[smem:$0x3FD2] =	sst s25  }
0xa6: {  	s5 =	sshll.u32 s26, $0x1;
	_ =	strace $0x80000046;
	[dreg:$0x1] =	wrdreg $0xFFFFFFFF  }
0xa7: {  	s28 =	simm.s32 $_size_execute0_lowered;
	s3 =	sadd.s32 s3, s5;
	[dreg:$0x0] =	wrdreg $0x0  }
0xa8: {  	s5 =	sshll.u32 s28, $0x1;
	[dreg:$0x2] =	wrdreg s3  }
0xa9: {  	[dreg:$0x3] =	wrdreg s5  }
0xaa: {  	[dreg:$0x4] =	wrdreg $0xC0  }
0xab: {  	_ =	task [dreg:s7], $0x5FFFF  }
0xac: {  	[dreg:$0x1] =	wrdreg $0xFFFFFFFF  }
0xad: {  	[dreg:$0x0] =	wrdreg $0x60  }
0xae: {  	[dreg:$0x2] =	wrdreg s24  }
0xaf: {  	[dreg:$0x3] =	wrdreg s2  }
0xb0: {  	[dreg:$0x4] =	wrdreg $0x9  }
0xb1: {  	_ =	task.clear_ibuf [dreg:s7], $0x5FFFF;
	_ =	strace $0x90000046  }
0xb2: {  	s29 =	simm.s32 $0x9;
	_ =	strace $0x80000048  }
0xb3: {  	_ =	swait.ge [sflag:s29], $0x1  }
0xb4: {  	[sflag:s29] =	ssyncadd.s32 $0xFFFFFFFF  }
0xb5: {  	_ =	strace $0x90000048  }
0xb6: {  	_ =	sfence  }
0xb7: {  	s30 =	sld [smem:$0x0];
	_ =	sdelay $0x2  }
0xb8: {  	s31 =	sshll.u32 s1, $0xD;
	s1 =	sshrl.u32 s1, $0x2  }
0xb9: {  	s3 =	sand.u32 $0x4000, s31;
	s1 =	sadd.s32 s1, s30  }
0xba: {  	s0 =	sor.u32 s3, s0;
	s1 =	sshll.u32 s1, $0x11  }
0xbb: {  	s0 =	sor.u32 s1, s0  }
0xbc: {  	s0 =	sadd.s32 $0x8F2B, s0  }
0xbd: {  	[sflag:s0] =	ssyncadd.remote.s32 $0x1  }
0xbe: {  	_ =	sfence.sel $0xFFFF  }
0xbf: {  	[dreg:$0x0] =	wrdreg $0xFFFFFFFF;
	(pc) =	sbr.abs _section_cstart, $3  }
0xc0: {  	[dreg:$0x1] =	wrdreg $0xFFFFFFFF  }
0xc1: {  	_ =	task.clear_ibuf [dreg:s7], $0x2FFFF;
	_ =	strace $0x9FFFFFFF  }
0xc2: {  	(tm) =	ssettm $0x7FFFFFFF  }
0xc3: {  	_ =	shalt  }
tec
execute0_lowered:
.L_overlay_start_1:
0x0: {  	(tag) =	ssettag $0x1  }
0x1: {  	s1 =	srdreg.scid;
	s8 =	stileid.u32  }
0x2: {  	s1 =	sand.u32 $0x1, s1;
	s2 =	sshll.u32 s8, $0x1  }
0x3: {  	s2 =	sor.u32 s1, s2  }
0x4: {  	s0 =	rddreg [dreg:$0x0];
	s5 =	smul.u32 $0x680, s2  }
0x5: {  	s9 =	rddreg [dreg:$0x1];
	s3 =	simm.s32 $0x0;
	s7 =	smul.u32 $0x1A000, s2  }
0x6: {  	s30 =	simm.s32 $0x2;
	[smem:$0x7FF] =	sst s3;
	s4 =	sadd.s32 $0xF42E00, s0  }
0x7: {  	s16 =	smul.u32 $0xD0, s8;
	s0 =	sadd.s32 s5, s0;
	s10 =	sadd.s32 s9, s7  }
0x8: {  	_ =	strace $0x80000047;
	s0 =	sadd.s32 $0xA00, s0;
	[dreg:$0x8] =	wrdreg s10  }
0x9: {  	s8 =	simm.s32 $0x4;
	s11 =	sadd.s32 $0x400, s10;
	[dreg:$0x7] =	wrdreg s0  }
0xa: {  	s6 =	ssub.s32 $0x2, s1;
	s12 =	sadd.s32 $0x800, s10;
	[dreg:$0x9] =	wrdreg s11  }
0xb: {  	s1 =	smul.u32 $0x68, s1;
	s14 =	sadd.s32 $0xC00, s10;
	[dreg:$0xa] =	wrdreg s12  }
0xc: {  	s31 =	sshrl.u32 s6, $0x1;
	s15 =	sadd.s32 $0x1000, s10;
	[dreg:$0xb] =	wrdreg s14  }
0xd: {  	s1 =	sadd.s32 s1, s16;
	s7 =	sadd.s32 $0x1400, s10;
	[dreg:$0xc] =	wrdreg s15  }
0xe: {  	s5 =	ssub.s32 s6, s31;
	s17 =	sadd.s32 $0x1800, s10;
	[dreg:$0xd] =	wrdreg s7  }
0xf: {  	s1 =	sshll.u32 s1, $0xA;
	s6 =	sadd.s32 $0x1C00, s10;
	[dreg:$0xe] =	wrdreg s17  }
0x10: {  	s13 =	smul.u32 $0xD0000, s2;
	s24 =	sadd.s32 $0x2000, s1;
	[dreg:$0xf] =	wrdreg s6  }
0x11: {  	s16 =	simm.s32 $0x8;
	s26 =	sadd.s32 $0x2800, s1;
	[dreg:$0x3] =	wrdreg s24  }
0x12: {  	s28 =	sadd.s32 $0x3800, s1;
	s29 =	smax.u32 s5, $0x1;
	[dreg:$0x4] =	wrdreg s26  }
0x13: {  	s31 =	sadd.s32 $0x3000, s1;
	s0 =	sshrl.u32 s13, $0x3;
	[dreg:$0x18] =	wrdreg s29  }
0x14: {  	s5 =	simm.s32 $0x3;
	[dreg:$0x5] =	wrdreg s28;
	s0 =	sadd.s32 s9, s0  }
0x15: {  	s10 =	simm.s32 $0x5;
	[dreg:$0x6] =	wrdreg s31;
	s18 =	sadd.s32 $0x18000, s0  }
0x16: {  	s24 =	simm.s32 $0x80;
	s19 =	sadd.s32 $0x18400, s0;
	[dreg:$0x10] =	wrdreg s18  }
0x17: {  	s11 =	simm.s32 $0x9;
	s20 =	sadd.s32 $0x18800, s0;
	[dreg:$0x11] =	wrdreg s19  }
0x18: {  	s12 =	simm.s32 $0x6;
	s21 =	sadd.s32 $0x18C00, s0;
	[dreg:$0x12] =	wrdreg s20  }
0x19: {  	s13 =	simm.s32 $0xA;
	s22 =	sadd.s32 $0x19000, s0;
	[dreg:$0x13] =	wrdreg s21  }
0x1a: {  	s14 =	simm.s32 $0x7;
	s23 =	sadd.s32 $0x19400, s0;
	[dreg:$0x14] =	wrdreg s22  }
0x1b: {  	s15 =	simm.s32 $0xB;
	s25 =	sadd.s32 $0x19800, s0;
	[dreg:$0x15] =	wrdreg s23  }
0x1c: {  	s17 =	simm.s32 $0xC;
	s0 =	sadd.s32 $0x19C00, s0;
	[dreg:$0x16] =	wrdreg s25  }
0x1d: {  	[dreg:$0x17] =	wrdreg s0;
	s18 =	simm.s32 $0xD;
	s19 =	simm.s32 $0xE  }
0x1e: {  	s20 =	simm.s32 $0xF;
	s21 =	simm.s32 $0x10;
	s0 =	simm.s32 $0x0  }
.LBB2_1:
0x1f: {  	[dreg:$0x19] =	wrdreg s0  }
0x20: {  	s2 =	rddreg [dreg:$0x7];
	s31 =	simm.s32 $0x11  }
0x21: {  	[tilespmem:s3], [sflag:$0x11] =	stream.linear.gather [hbm4b:s2+s3], $0x3400, $0x38;
	[tilespmem:$0x13400] =	vst v63  }
0x22: {  	_ =	swait.ge [sflag:s31], $0x3400  }
0x23: {  	[sflag:s31] =	ssyncset.done $0x0  }
0x24: {  	s23 =	simm.s32 $0x3400;
	[sflag:s31] =	ssyncadd.s32 $0xFFFFCC00  }
0x25: {  	[tilespmem:s23], [sflag:$0x1] =	stream.indirect.gather [hbm4b:s4+s24], $0x40, s3, s24, $0xb8;
	[tilespmem:$0x13400] =	vst v63  }
0x26: {  	s25 =	simm.s32 $0x5400  }
0x27: {  	[tilespmem:s25], [sflag:$0x2] =	stream.indirect.gather [hbm4b:s4+s24], $0x40, s24, s24, $0xb8;
	[tilespmem:$0x13400] =	vst v63  }
0x28: {  	s0 =	simm.s32 $0x100;
	s26 =	simm.s32 $0x7400  }
0x29: {  	[tilespmem:s26], [sflag:$0x3] =	stream.indirect.gather [hbm4b:s4+s24], $0x40, s0, s24, $0xb8;
	[tilespmem:$0x13400] =	vst v63  }
0x2a: {  	s1 =	simm.s32 $0x180;
	s28 =	simm.s32 $0x9400  }
0x2b: {  	[tilespmem:s28], [sflag:$0x4] =	stream.indirect.gather [hbm4b:s4+s24], $0x40, s1, s24, $0xb8;
	[tilespmem:$0x13400] =	vst v63  }
0x2c: {  	s1 =	simm.s32 $0x1  }
0x2d: {  	_ =	swait.ge [sflag:s1], $0x2000  }
0x2e: {  	[sflag:s1] =	ssyncset.done $0x0  }
0x2f: {  	s6 =	rddreg [dreg:$0x8];
	[sflag:s1] =	ssyncadd.s32 $0xFFFFE000  }
0x30: {  	[hbm4b:s6+s3] =	stream.linear.scatter [tilespmem:s23], [sflag:$0x9], $0x2000, $0x38;
	[tilespmem:$0x13400] =	vst v63  }
0x31: {  	s7 =	simm.s32 $0x200;
	s29 =	simm.s32 $0xB400  }
0x32: {  	[tilespmem:s29], [sflag:$0x5] =	stream.indirect.gather [hbm4b:s4+s24], $0x40, s7, s24, $0xb8;
	[tilespmem:$0x13400] =	vst v63  }
0x33: {  	_ =	swait.ge [sflag:s30], $0x2000  }
0x34: {  	[sflag:s30] =	ssyncset.done $0x0  }
0x35: {  	s9 =	rddreg [dreg:$0x9];
	[sflag:s30] =	ssyncadd.s32 $0xFFFFE000  }
0x36: {  	[hbm4b:s9+s3] =	stream.linear.scatter [tilespmem:s25], [sflag:$0xA], $0x2000, $0x38;
	[tilespmem:$0x13400] =	vst v63  }
0x37: {  	s22 =	simm.s32 $0x280;
	s31 =	simm.s32 $0xD400  }
0x38: {  	[tilespmem:s31], [sflag:$0x6] =	stream.indirect.gather [hbm4b:s4+s24], $0x40, s22, s24, $0xb8;
	[tilespmem:$0x13400] =	vst v63  }
0x39: {  	_ =	swait.ge [sflag:s5], $0x2000  }
0x3a: {  	[sflag:s5] =	ssyncset.done $0x0  }
0x3b: {  	s0 =	rddreg [dreg:$0xa];
	[sflag:s5] =	ssyncadd.s32 $0xFFFFE000  }
0x3c: {  	[hbm4b:s0+s3] =	stream.linear.scatter [tilespmem:s26], [sflag:$0xB], $0x2000, $0x38;
	[tilespmem:$0x13400] =	vst v63  }
0x3d: {  	s6 =	simm.s32 $0x300;
	s7 =	simm.s32 $0xF400  }
0x3e: {  	[tilespmem:s7], [sflag:$0x7] =	stream.indirect.gather [hbm4b:s4+s24], $0x40, s6, s24, $0xb8;
	[tilespmem:$0x13400] =	vst v63  }
0x3f: {  	_ =	swait.ge [sflag:s8], $0x2000  }
0x40: {  	[sflag:s8] =	ssyncset.done $0x0  }
0x41: {  	s9 =	rddreg [dreg:$0xb];
	[sflag:s8] =	ssyncadd.s32 $0xFFFFE000  }
0x42: {  	[hbm4b:s9+s3] =	stream.linear.scatter [tilespmem:s28], [sflag:$0xC], $0x2000, $0x38;
	[tilespmem:$0x13400] =	vst v63  }
0x43: {  	s22 =	simm.s32 $0x380;
	s9 =	simm.s32 $0x11400  }
0x44: {  	[tilespmem:s9], [sflag:$0x8] =	stream.indirect.gather [hbm4b:s4+s24], $0x40, s22, s24, $0xb8;
	[tilespmem:$0x13400] =	vst v63  }
0x45: {  	_ =	swait.ge [sflag:s10], $0x2000  }
0x46: {  	[sflag:s10] =	ssyncset.done $0x0  }
0x47: {  	s0 =	rddreg [dreg:$0xc];
	[sflag:s10] =	ssyncadd.s32 $0xFFFFE000  }
0x48: {  	[hbm4b:s0+s3] =	stream.linear.scatter [tilespmem:s29], [sflag:$0xD], $0x2000, $0x38;
	[tilespmem:$0x13400] =	vst v63  }
0x49: {  	_ =	swait.ge [sflag:s11], $0x2000  }
0x4a: {  	[sflag:s11] =	ssyncset.done $0x0  }
0x4b: {  	s2 =	simm.s32 $0x400;
	[sflag:s11] =	ssyncadd.s32 $0xFFFFE000  }
0x4c: {  	[tilespmem:s23], [sflag:$0x1] =	stream.indirect.gather [hbm4b:s4+s24], $0x40, s2, s24, $0xb8;
	[tilespmem:$0x13400] =	vst v63  }
0x4d: {  	_ =	swait.ge [sflag:s12], $0x2000  }
0x4e: {  	[sflag:s12] =	ssyncset.done $0x0  }
0x4f: {  	s6 =	rddreg [dreg:$0xd];
	[sflag:s12] =	ssyncadd.s32 $0xFFFFE000  }
0x50: {  	[hbm4b:s6+s3] =	stream.linear.scatter [tilespmem:s31], [sflag:$0xE], $0x2000, $0x38;
	[tilespmem:$0x13400] =	vst v63  }
0x51: {  	_ =	swait.ge [sflag:s13], $0x2000  }
0x52: {  	[sflag:s13] =	ssyncset.done $0x0  }
0x53: {  	s22 =	simm.s32 $0x480;
	[sflag:s13] =	ssyncadd.s32 $0xFFFFE000  }
0x54: {  	[tilespmem:s25], [sflag:$0x2] =	stream.indirect.gather [hbm4b:s4+s24], $0x40, s22, s24, $0xb8;
	[tilespmem:$0x13400] =	vst v63  }
0x55: {  	_ =	swait.ge [sflag:s14], $0x2000  }
0x56: {  	[sflag:s14] =	ssyncset.done $0x0  }
0x57: {  	s0 =	rddreg [dreg:$0xe];
	[sflag:s14] =	ssyncadd.s32 $0xFFFFE000  }
0x58: {  	[hbm4b:s0+s3] =	stream.linear.scatter [tilespmem:s7], [sflag:$0xF], $0x2000, $0x38;
	[tilespmem:$0x13400] =	vst v63  }
0x59: {  	_ =	swait.ge [sflag:s15], $0x2000  }
0x5a: {  	[sflag:s15] =	ssyncset.done $0x0  }
0x5b: {  	s2 =	simm.s32 $0x500;
	[sflag:s15] =	ssyncadd.s32 $0xFFFFE000  }
0x5c: {  	[tilespmem:s26], [sflag:$0x3] =	stream.indirect.gather [hbm4b:s4+s24], $0x40, s2, s24, $0xb8;
	[tilespmem:$0x13400] =	vst v63  }
0x5d: {  	_ =	swait.ge [sflag:s16], $0x2000  }
0x5e: {  	[sflag:s16] =	ssyncset.done $0x0  }
0x5f: {  	s6 =	rddreg [dreg:$0xf];
	[sflag:s16] =	ssyncadd.s32 $0xFFFFE000  }
0x60: {  	[hbm4b:s6+s3] =	stream.linear.scatter [tilespmem:s9], [sflag:$0x10], $0x2000, $0x38;
	[tilespmem:$0x13400] =	vst v63  }
0x61: {  	_ =	swait.ge [sflag:s17], $0x2000  }
0x62: {  	[sflag:s17] =	ssyncset.done $0x0  }
0x63: {  	s22 =	simm.s32 $0x580;
	[sflag:s17] =	ssyncadd.s32 $0xFFFFE000  }
0x64: {  	[tilespmem:s28], [sflag:$0x4] =	stream.indirect.gather [hbm4b:s4+s24], $0x40, s22, s24, $0xb8;
	[tilespmem:$0x13400] =	vst v63  }
0x65: {  	_ =	swait.ge [sflag:s1], $0x2000  }
0x66: {  	[sflag:s1] =	ssyncset.done $0x0  }
0x67: {  	s0 =	rddreg [dreg:$0x3];
	[sflag:s1] =	ssyncadd.s32 $0xFFFFE000  }
0x68: {  	s22 =	rddreg [dreg:$0x1]  }
0x69: {  	s2 =	sadd.s32 s22, s0  }
0x6a: {  	[hbm4b:s2+s3] =	stream.linear.scatter [tilespmem:s23], [sflag:$0x9], $0x2000, $0x38;
	[tilespmem:$0x13400] =	vst v63  }
0x6b: {  	_ =	swait.ge [sflag:s18], $0x2000  }
0x6c: {  	[sflag:s18] =	ssyncset.done $0x0  }
0x6d: {  	s6 =	simm.s32 $0x600;
	[sflag:s18] =	ssyncadd.s32 $0xFFFFE000  }
0x6e: {  	[tilespmem:s29], [sflag:$0x5] =	stream.indirect.gather [hbm4b:s4+s24], $0x40, s6, s24, $0xb8;
	[tilespmem:$0x13400] =	vst v63  }
0x6f: {  	_ =	swait.ge [sflag:s30], $0x2000  }
0x70: {  	[sflag:s30] =	ssyncset.done $0x0  }
0x71: {  	s1 =	sadd.s32 $0x400, s2;
	[sflag:s30] =	ssyncadd.s32 $0xFFFFE000  }
0x72: {  	[hbm4b:s1+s3] =	stream.linear.scatter [tilespmem:s25], [sflag:$0xA], $0x2000, $0x38;
	[tilespmem:$0x13400] =	vst v63  }
0x73: {  	_ =	swait.ge [sflag:s19], $0x2000  }
0x74: {  	[sflag:s19] =	ssyncset.done $0x0  }
0x75: {  	s0 =	simm.s32 $0x680;
	[sflag:s19] =	ssyncadd.s32 $0xFFFFE000  }
0x76: {  	[tilespmem:s31], [sflag:$0x6] =	stream.indirect.gather [hbm4b:s4+s24], $0x40, s0, s24, $0xb8;
	[tilespmem:$0x13400] =	vst v63  }
0x77: {  	_ =	swait.ge [sflag:s5], $0x2000  }
0x78: {  	s1 =	rddreg [dreg:$0x4];
	[sflag:s5] =	ssyncset.done $0x0  }
0x79: {  	[sflag:s5] =	ssyncadd.s32 $0xFFFFE000;
	s6 =	sadd.s32 s22, s1  }
0x7a: {  	[hbm4b:s6+s3] =	stream.linear.scatter [tilespmem:s26], [sflag:$0xB], $0x2000, $0x38;
	[tilespmem:$0x13400] =	vst v63  }
0x7b: {  	_ =	swait.ge [sflag:s20], $0x2000  }
0x7c: {  	[sflag:s20] =	ssyncset.done $0x0  }
0x7d: {  	s0 =	simm.s32 $0x700;
	[sflag:s20] =	ssyncadd.s32 $0xFFFFE000  }
0x7e: {  	[tilespmem:s7], [sflag:$0x7] =	stream.indirect.gather [hbm4b:s4+s24], $0x40, s0, s24, $0xb8;
	[tilespmem:$0x13400] =	vst v63  }
0x7f: {  	_ =	swait.ge [sflag:s8], $0x2000  }
0x80: {  	[sflag:s8] =	ssyncset.done $0x0  }
0x81: {  	s1 =	sadd.s32 $0xC00, s2;
	[sflag:s8] =	ssyncadd.s32 $0xFFFFE000  }
0x82: {  	[hbm4b:s1+s3] =	stream.linear.scatter [tilespmem:s28], [sflag:$0xC], $0x2000, $0x38;
	[tilespmem:$0x13400] =	vst v63  }
0x83: {  	_ =	swait.ge [sflag:s21], $0x2000  }
0x84: {  	[sflag:s21] =	ssyncset.done $0x0  }
0x85: {  	s28 =	simm.s32 $0x780;
	[sflag:s21] =	ssyncadd.s32 $0xFFFFE000  }
0x86: {  	[tilespmem:s9], [sflag:$0x8] =	stream.indirect.gather [hbm4b:s4+s24], $0x40, s28, s24, $0xb8;
	[tilespmem:$0x13400] =	vst v63  }
0x87: {  	_ =	swait.ge [sflag:s10], $0x2000  }
0x88: {  	s0 =	rddreg [dreg:$0x6];
	[sflag:s10] =	ssyncset.done $0x0  }
0x89: {  	[sflag:s10] =	ssyncadd.s32 $0xFFFFE000;
	s6 =	sadd.s32 s22, s0  }
0x8a: {  	[hbm4b:s6+s3] =	stream.linear.scatter [tilespmem:s29], [sflag:$0xD], $0x2000, $0x38;
	[tilespmem:$0x13400] =	vst v63  }
0x8b: {  	_ =	swait.ge [sflag:s11], $0x2000  }
0x8c: {  	[sflag:s11] =	ssyncset.done $0x0  }
0x8d: {  	s1 =	simm.s32 $0x800;
	[sflag:s11] =	ssyncadd.s32 $0xFFFFE000  }
0x8e: {  	[tilespmem:s23], [sflag:$0x1] =	stream.indirect.gather [hbm4b:s4+s24], $0x40, s1, s24, $0xb8;
	[tilespmem:$0x13400] =	vst v63  }
0x8f: {  	_ =	swait.ge [sflag:s12], $0x2000  }
0x90: {  	[sflag:s12] =	ssyncset.done $0x0  }
0x91: {  	s23 =	sadd.s32 $0x1400, s2;
	[sflag:s12] =	ssyncadd.s32 $0xFFFFE000  }
0x92: {  	[hbm4b:s23+s3] =	stream.linear.scatter [tilespmem:s31], [sflag:$0xE], $0x2000, $0x38;
	[tilespmem:$0x13400] =	vst v63  }
0x93: {  	_ =	swait.ge [sflag:s13], $0x2000  }
0x94: {  	[sflag:s13] =	ssyncset.done $0x0  }
0x95: {  	s28 =	simm.s32 $0x880;
	[sflag:s13] =	ssyncadd.s32 $0xFFFFE000  }
0x96: {  	[tilespmem:s25], [sflag:$0x2] =	stream.indirect.gather [hbm4b:s4+s24], $0x40, s28, s24, $0xb8;
	[tilespmem:$0x13400] =	vst v63  }
0x97: {  	_ =	swait.ge [sflag:s14], $0x2000  }
0x98: {  	s29 =	rddreg [dreg:$0x5];
	[sflag:s14] =	ssyncset.done $0x0  }
0x99: {  	[sflag:s14] =	ssyncadd.s32 $0xFFFFE000;
	s6 =	sadd.s32 s22, s29  }
0x9a: {  	[hbm4b:s6+s3] =	stream.linear.scatter [tilespmem:s7], [sflag:$0xF], $0x2000, $0x38;
	[tilespmem:$0x13400] =	vst v63  }
0x9b: {  	_ =	swait.ge [sflag:s15], $0x2000  }
0x9c: {  	[sflag:s15] =	ssyncset.done $0x0  }
0x9d: {  	s31 =	simm.s32 $0x900;
	[sflag:s15] =	ssyncadd.s32 $0xFFFFE000  }
0x9e: {  	[tilespmem:s26], [sflag:$0x3] =	stream.indirect.gather [hbm4b:s4+s24], $0x40, s31, s24, $0xb8;
	[tilespmem:$0x13400] =	vst v63  }
0x9f: {  	_ =	swait.ge [sflag:s16], $0x2000  }
0xa0: {  	[sflag:s16] =	ssyncset.done $0x0  }
0xa1: {  	s2 =	sadd.s32 $0x1C00, s2;
	[sflag:s16] =	ssyncadd.s32 $0xFFFFE000  }
0xa2: {  	[hbm4b:s2+s3] =	stream.linear.scatter [tilespmem:s9], [sflag:$0x10], $0x2000, $0x38;
	[tilespmem:$0x13400] =	vst v63  }
0xa3: {  	_ =	swait.ge [sflag:s17], $0x2000  }
0xa4: {  	s23 =	sadd.s32 $0x2000, s22;
	[sflag:s17] =	ssyncset.done $0x0  }
0xa5: {  	s6 =	simm.s32 $0x1000;
	s2 =	simm.s32 $0x980;
	[sflag:s17] =	ssyncadd.s32 $0xFFFFE000  }
.LBB2_2:
0xa6: {  	s29 =	simm.s32 $0x9400;
	s0 =	simm.s32 $0x1  }
0xa7: {  	[tilespmem:s29], [sflag:$0x4] =	stream.indirect.gather [hbm4b:s4+s24], $0x40, s2, s24, $0xb8;
	[tilespmem:$0x13400] =	vst v63  }
0xa8: {  	_ =	swait.ge [sflag:s0], $0x2000  }
0xa9: {  	s22 =	rddreg [dreg:$0x3];
	[sflag:s0] =	ssyncset.done $0x0  }
0xaa: {  	s26 =	simm.s32 $0x3400;
	[sflag:s0] =	ssyncadd.s32 $0xFFFFE000;
	s22 =	sadd.s32 s23, s22  }
0xab: {  	[hbm4b:s22+s3] =	stream.linear.scatter [tilespmem:s26], [sflag:$0x9], $0x2000, $0x38;
	[tilespmem:$0x13400] =	vst v63  }
0xac: {  	s1 =	smov.u32 s6;
	_ =	swait.ge [sflag:s18], $0x2000  }
0xad: {  	s2 =	sshra.s32 s1, $0x2;
	[sflag:s18] =	ssyncset.done $0x0  }
0xae: {  	s25 =	sadd.s32 $0x600, s2;
	s0 =	simm.s32 $0xB400;
	[sflag:s18] =	ssyncadd.s32 $0xFFFFE000  }
0xaf: {  	[tilespmem:s0], [sflag:$0x5] =	stream.indirect.gather [hbm4b:s4+s24], $0x40, s25, s24, $0xb8;
	[tilespmem:$0x13400] =	vst v63  }
0xb0: {  	_ =	swait.ge [sflag:s30], $0x2000  }
0xb1: {  	[sflag:s30] =	ssyncset.done $0x0  }
0xb2: {  	s31 =	simm.s32 $0x5400;
	s7 =	sadd.s32 $0x400, s22;
	[sflag:s30] =	ssyncadd.s32 $0xFFFFE000  }
0xb3: {  	[hbm4b:s7+s3] =	stream.linear.scatter [tilespmem:s31], [sflag:$0xA], $0x2000, $0x38;
	[tilespmem:$0x13400] =	vst v63  }
0xb4: {  	_ =	swait.ge [sflag:s19], $0x2000  }
0xb5: {  	[sflag:s19] =	ssyncset.done $0x0  }
0xb6: {  	s9 =	sadd.s32 $0x680, s2;
	s7 =	simm.s32 $0xD400;
	[sflag:s19] =	ssyncadd.s32 $0xFFFFE000  }
0xb7: {  	[tilespmem:s7], [sflag:$0x6] =	stream.indirect.gather [hbm4b:s4+s24], $0x40, s9, s24, $0xb8;
	[tilespmem:$0x13400] =	vst v63  }
0xb8: {  	_ =	swait.ge [sflag:s5], $0x2000  }
0xb9: {  	s28 =	rddreg [dreg:$0x4];
	[sflag:s5] =	ssyncset.done $0x0  }
0xba: {  	[sflag:s5] =	ssyncadd.s32 $0xFFFFE000;
	s25 =	sadd.s32 s23, s28;
	s28 =	simm.s32 $0x7400  }
0xbb: {  	[hbm4b:s25+s3] =	stream.linear.scatter [tilespmem:s28], [sflag:$0xB], $0x2000, $0x38;
	[tilespmem:$0x13400] =	vst v63  }
0xbc: {  	_ =	swait.ge [sflag:s20], $0x2000  }
0xbd: {  	[sflag:s20] =	ssyncset.done $0x0  }
0xbe: {  	s1 =	sadd.s32 $0x700, s2;
	s9 =	simm.s32 $0xF400;
	[sflag:s20] =	ssyncadd.s32 $0xFFFFE000  }
0xbf: {  	[tilespmem:s9], [sflag:$0x7] =	stream.indirect.gather [hbm4b:s4+s24], $0x40, s1, s24, $0xb8;
	[tilespmem:$0x13400] =	vst v63  }
0xc0: {  	_ =	swait.ge [sflag:s8], $0x2000  }
0xc1: {  	[sflag:s8] =	ssyncset.done $0x0  }
0xc2: {  	s1 =	sadd.s32 $0xC00, s22;
	[sflag:s8] =	ssyncadd.s32 $0xFFFFE000  }
0xc3: {  	[hbm4b:s1+s3] =	stream.linear.scatter [tilespmem:s29], [sflag:$0xC], $0x2000, $0x38;
	[tilespmem:$0x13400] =	vst v63  }
0xc4: {  	_ =	swait.ge [sflag:s21], $0x2000  }
0xc5: {  	[sflag:s21] =	ssyncset.done $0x0  }
0xc6: {  	s25 =	sadd.s32 $0x780, s2;
	s1 =	simm.s32 $0x11400;
	[sflag:s21] =	ssyncadd.s32 $0xFFFFE000  }
0xc7: {  	[tilespmem:s1], [sflag:$0x8] =	stream.indirect.gather [hbm4b:s4+s24], $0x40, s25, s24, $0xb8;
	[tilespmem:$0x13400] =	vst v63  }
0xc8: {  	_ =	swait.ge [sflag:s10], $0x2000  }
0xc9: {  	s25 =	rddreg [dreg:$0x6];
	[sflag:s10] =	ssyncset.done $0x0  }
0xca: {  	[sflag:s10] =	ssyncadd.s32 $0xFFFFE000;
	s25 =	sadd.s32 s23, s25  }
0xcb: {  	[hbm4b:s25+s3] =	stream.linear.scatter [tilespmem:s0], [sflag:$0xD], $0x2000, $0x38;
	[tilespmem:$0x13400] =	vst v63  }
0xcc: {  	_ =	swait.ge [sflag:s11], $0x2000  }
0xcd: {  	[sflag:s11] =	ssyncset.done $0x0  }
0xce: {  	s0 =	sadd.s32 $0x800, s2;
	[sflag:s11] =	ssyncadd.s32 $0xFFFFE000  }
0xcf: {  	[tilespmem:s26], [sflag:$0x1] =	stream.indirect.gather [hbm4b:s4+s24], $0x40, s0, s24, $0xb8;
	[tilespmem:$0x13400] =	vst v63  }
0xd0: {  	_ =	swait.ge [sflag:s12], $0x2000  }
0xd1: {  	[sflag:s12] =	ssyncset.done $0x0  }
0xd2: {  	s26 =	sadd.s32 $0x1400, s22;
	[sflag:s12] =	ssyncadd.s32 $0xFFFFE000  }
0xd3: {  	[hbm4b:s26+s3] =	stream.linear.scatter [tilespmem:s7], [sflag:$0xE], $0x2000, $0x38;
	[tilespmem:$0x13400] =	vst v63  }
0xd4: {  	_ =	swait.ge [sflag:s13], $0x2000  }
0xd5: {  	[sflag:s13] =	ssyncset.done $0x0  }
0xd6: {  	s0 =	sadd.s32 $0x880, s2;
	[sflag:s13] =	ssyncadd.s32 $0xFFFFE000  }
0xd7: {  	[tilespmem:s31], [sflag:$0x2] =	stream.indirect.gather [hbm4b:s4+s24], $0x40, s0, s24, $0xb8;
	[tilespmem:$0x13400] =	vst v63  }
0xd8: {  	_ =	swait.ge [sflag:s14], $0x2000  }
0xd9: {  	s7 =	rddreg [dreg:$0x5];
	[sflag:s14] =	ssyncset.done $0x0  }
0xda: {  	[sflag:s14] =	ssyncadd.s32 $0xFFFFE000;
	s25 =	sadd.s32 s23, s7  }
0xdb: {  	[hbm4b:s25+s3] =	stream.linear.scatter [tilespmem:s9], [sflag:$0xF], $0x2000, $0x38;
	[tilespmem:$0x13400] =	vst v63  }
0xdc: {  	_ =	swait.ge [sflag:s15], $0x2000  }
0xdd: {  	[sflag:s15] =	ssyncset.done $0x0  }
0xde: {  	s9 =	sadd.s32 $0x900, s2;
	[sflag:s15] =	ssyncadd.s32 $0xFFFFE000  }
0xdf: {  	[tilespmem:s28], [sflag:$0x3] =	stream.indirect.gather [hbm4b:s4+s24], $0x40, s9, s24, $0xb8;
	[tilespmem:$0x13400] =	vst v63  }
0xe0: {  	_ =	swait.ge [sflag:s16], $0x2000  }
0xe1: {  	p0 =	sne.s32 s6, $0xA000;
	[sflag:s16] =	ssyncset.done $0x0  }
.Ltmp0:
0xe2: {  	s22 =	sadd.s32 $0x1C00, s22;
	[sflag:s16] =	ssyncadd.s32 $0xFFFFE000;
	(pc) =	sbr.rel @p0 .LBB2_2-.Ltmp0, $4  }
0xe3: {  	[hbm4b:s22+s3] =	stream.linear.scatter [tilespmem:s1], [sflag:$0x10], $0x2000, $0x38;
	[tilespmem:$0x13400] =	vst v63  }
0xe4: {  	s6 =	sadd.s32 $0x1000, s6;
	s29 =	simm.s32 $0x3400;
	_ =	swait.ge [sflag:s17], $0x2000  }
0xe5: {  	s26 =	simm.s32 $0x5400;
	s31 =	simm.s32 $0x7400;
	[sflag:s17] =	ssyncset.done $0x0  }
0xe6: {  	s23 =	sadd.s32 $0x2000, s23;
	s2 =	sadd.s32 $0x980, s2;
	[sflag:s17] =	ssyncadd.s32 $0xFFFFE000  }
0xe7: {  	s6 =	simm.s32 $0x9400;
	s0 =	simm.s32 $0x1  }
0xe8: {  	[tilespmem:s6], [sflag:$0x4] =	stream.indirect.gather [hbm4b:s4+s24], $0x40, s2, s24, $0xb8;
	[tilespmem:$0x13400] =	vst v63  }
0xe9: {  	_ =	swait.ge [sflag:s0], $0x2000  }
0xea: {  	[sflag:s0] =	ssyncset.done $0x0  }
0xeb: {  	s23 =	rddreg [dreg:$0x10];
	[sflag:s0] =	ssyncadd.s32 $0xFFFFE000  }
0xec: {  	[hbm4b:s23+s3] =	stream.linear.scatter [tilespmem:s29], [sflag:$0x9], $0x2000, $0x38;
	[tilespmem:$0x13400] =	vst v63  }
0xed: {  	_ =	swait.ge [sflag:s18], $0x2000  }
0xee: {  	[sflag:s18] =	ssyncset.done $0x0  }
0xef: {  	s1 =	simm.s32 $0x3200;
	s0 =	simm.s32 $0xB400;
	[sflag:s18] =	ssyncadd.s32 $0xFFFFE000  }
0xf0: {  	[tilespmem:s0], [sflag:$0x5] =	stream.indirect.gather [hbm4b:s4+s24], $0x40, s1, s24, $0xb8;
	[tilespmem:$0x13400] =	vst v63  }
0xf1: {  	_ =	swait.ge [sflag:s30], $0x2000  }
0xf2: {  	[sflag:s30] =	ssyncset.done $0x0  }
0xf3: {  	s25 =	rddreg [dreg:$0x11];
	[sflag:s30] =	ssyncadd.s32 $0xFFFFE000  }
0xf4: {  	[hbm4b:s25+s3] =	stream.linear.scatter [tilespmem:s26], [sflag:$0xA], $0x2000, $0x38;
	[tilespmem:$0x13400] =	vst v63  }
0xf5: {  	_ =	swait.ge [sflag:s19], $0x2000  }
0xf6: {  	[sflag:s19] =	ssyncset.done $0x0  }
0xf7: {  	s7 =	simm.s32 $0xD400;
	s28 =	simm.s32 $0x3280;
	[sflag:s19] =	ssyncadd.s32 $0xFFFFE000  }
0xf8: {  	[tilespmem:s7], [sflag:$0x6] =	stream.indirect.gather [hbm4b:s4+s24], $0x40, s28, s24, $0xb8;
	[tilespmem:$0x13400] =	vst v63  }
0xf9: {  	_ =	swait.ge [sflag:s5], $0x2000  }
0xfa: {  	[sflag:s5] =	ssyncset.done $0x0  }
0xfb: {  	s29 =	rddreg [dreg:$0x12];
	[sflag:s5] =	ssyncadd.s32 $0xFFFFE000  }
0xfc: {  	[hbm4b:s29+s3] =	stream.linear.scatter [tilespmem:s31], [sflag:$0xB], $0x2000, $0x38;
	[tilespmem:$0x13400] =	vst v63  }
0xfd: {  	_ =	swait.ge [sflag:s20], $0x2000  }
0xfe: {  	[sflag:s20] =	ssyncset.done $0x0  }
0xff: {  	s9 =	simm.s32 $0xF400;
	s31 =	simm.s32 $0x3300;
	[sflag:s20] =	ssyncadd.s32 $0xFFFFE000  }
0x100: {  	[tilespmem:s9], [sflag:$0x7] =	stream.indirect.gather [hbm4b:s4+s24], $0x40, s31, s24, $0xb8;
	[tilespmem:$0x13400] =	vst v63  }
0x101: {  	_ =	swait.ge [sflag:s8], $0x2000  }
0x102: {  	[sflag:s8] =	ssyncset.done $0x0  }
0x103: {  	s1 =	rddreg [dreg:$0x13];
	[sflag:s8] =	ssyncadd.s32 $0xFFFFE000  }
0x104: {  	[hbm4b:s1+s3] =	stream.linear.scatter [tilespmem:s6], [sflag:$0xC], $0x2000, $0x38;
	[tilespmem:$0x13400] =	vst v63  }
0x105: {  	_ =	swait.ge [sflag:s21], $0x2000  }
0x106: {  	[sflag:s21] =	ssyncset.done $0x0  }
0x107: {  	s22 =	simm.s32 $0x3380;
	s6 =	simm.s32 $0x11400;
	[sflag:s21] =	ssyncadd.s32 $0xFFFFE000  }
0x108: {  	[tilespmem:s6], [sflag:$0x8] =	stream.indirect.gather [hbm4b:s4+s24], $0x40, s22, s24, $0xb8;
	[tilespmem:$0x13400] =	vst v63  }
0x109: {  	_ =	swait.ge [sflag:s10], $0x2000  }
0x10a: {  	[sflag:s10] =	ssyncset.done $0x0  }
0x10b: {  	s23 =	rddreg [dreg:$0x14];
	[sflag:s10] =	ssyncadd.s32 $0xFFFFE000  }
0x10c: {  	[hbm4b:s23+s3] =	stream.linear.scatter [tilespmem:s0], [sflag:$0xD], $0x2000, $0x38;
	[tilespmem:$0x13400] =	vst v63  }
0x10d: {  	_ =	swait.ge [sflag:s12], $0x2000  }
0x10e: {  	[sflag:s12] =	ssyncset.done $0x0  }
0x10f: {  	s25 =	rddreg [dreg:$0x15];
	[sflag:s12] =	ssyncadd.s32 $0xFFFFE000  }
0x110: {  	[hbm4b:s25+s3] =	stream.linear.scatter [tilespmem:s7], [sflag:$0xE], $0x2000, $0x38;
	[tilespmem:$0x13400] =	vst v63  }
0x111: {  	_ =	swait.ge [sflag:s14], $0x2000  }
0x112: {  	[sflag:s14] =	ssyncset.done $0x0  }
0x113: {  	s26 =	rddreg [dreg:$0x16];
	[sflag:s14] =	ssyncadd.s32 $0xFFFFE000  }
0x114: {  	[hbm4b:s26+s3] =	stream.linear.scatter [tilespmem:s9], [sflag:$0xF], $0x2000, $0x38;
	[tilespmem:$0x13400] =	vst v63  }
0x115: {  	_ =	swait.ge [sflag:s16], $0x2000  }
0x116: {  	[sflag:s16] =	ssyncset.done $0x0  }
0x117: {  	s28 =	rddreg [dreg:$0x17];
	[sflag:s16] =	ssyncadd.s32 $0xFFFFE000  }
0x118: {  	[hbm4b:s28+s3] =	stream.linear.scatter [tilespmem:s6], [sflag:$0x10], $0x2000, $0x38;
	[tilespmem:$0x13400] =	vst v63  }
0x119: {  	_ =	swait.ge [sflag:s11], $0x2000  }
0x11a: {  	[sflag:s11] =	ssyncset.done $0x0  }
0x11b: {  	[sflag:s11] =	ssyncadd.s32 $0xFFFFE000  }
0x11c: {  	_ =	swait.ge [sflag:s13], $0x2000  }
0x11d: {  	[sflag:s13] =	ssyncset.done $0x0  }
0x11e: {  	[sflag:s13] =	ssyncadd.s32 $0xFFFFE000  }
0x11f: {  	_ =	swait.ge [sflag:s15], $0x2000  }
0x120: {  	[sflag:s15] =	ssyncset.done $0x0  }
0x121: {  	[sflag:s15] =	ssyncadd.s32 $0xFFFFE000  }
0x122: {  	_ =	swait.ge [sflag:s17], $0x2000  }
0x123: {  	[sflag:s17] =	ssyncset.done $0x0  }
0x124: {  	[sflag:s17] =	ssyncadd.s32 $0xFFFFE000  }
0x125: {  	_ =	swait.ge [sflag:s18], $0x2000  }
0x126: {  	[sflag:s18] =	ssyncset.done $0x0  }
0x127: {  	[sflag:s18] =	ssyncadd.s32 $0xFFFFE000  }
0x128: {  	_ =	swait.ge [sflag:s19], $0x2000  }
0x129: {  	[sflag:s19] =	ssyncset.done $0x0  }
0x12a: {  	[sflag:s19] =	ssyncadd.s32 $0xFFFFE000  }
0x12b: {  	_ =	swait.ge [sflag:s20], $0x2000  }
0x12c: {  	[sflag:s20] =	ssyncset.done $0x0  }
0x12d: {  	[sflag:s20] =	ssyncadd.s32 $0xFFFFE000  }
0x12e: {  	_ =	swait.ge [sflag:s21], $0x2000  }
0x12f: {  	s29 =	rddreg [dreg:$0x19]  }
0x130: {  	s31 =	rddreg [dreg:$0x18];
	s0 =	sadd.s32 $0x1, s29  }
0x131: {  	p0 =	sne.s32 s0, s31  }
.Ltmp1:
0x132: {  	_ = 	snop;
	(pc) =	sbr.rel @p0 .LBB2_1-.Ltmp1, $3  }
0x133: {  	_ =	sdelay $0x1  }
0x134: {  	[sflag:s21] =	ssyncset.done $0x0  }
0x135: {  	[sflag:s21] =	ssyncadd.s32 $0xFFFFE000  }
0x136: {  	_ =	sfence.sel $0x180000  }
0x137: {  	[bflag:$0x0] =	sbarrier.arrive $0xFFFF  }
0x138: {  	_ =	strace $0x90000047  }
0x139: {  	s0 =	stileid.u32;
	[bflag:$0x2] =	sbarrier.arrive $0xFFFF  }
0x13a: {  	p0 =	sne.s32 s0, $0x0;
	s0 =	rddreg [dreg:$0x2]  }
0x13b: {  	s0 =	sadd.s32 @!p0 $0x100000, s0  }
0x13c: {  	[sflag:s0] =	ssyncadd.tile.s32 @!p0 $0x1;
	_ =	shalt  }
.Lfunc_end2:
_tile_overlayer_lowered:
.L_overlay_start_2:
0x13d: {  	(tag) =	ssettag $0x2  }
0x13e: {  	s0 =	rddreg [dreg:$0x0];
	s2 =	stileid.u32  }
0x13f: {  	s1 =	rddreg [dreg:$0x1];
	p0 =	sne.s32 s2, $0x0  }
0x140: {  	s3 =	rddreg [dreg:$0x2];
	[bflag:$0x3] =	sbarrier.arrive $0xFFFF;
	s2 =	simm.s32 @!p0 $0x1C11  }
0x141: {  	[timem:s3], [sflag:s2] =	dma.local @!p0 [hbm:s0], s1  }
0x142: {  	s0 =	simm.s32 @!p0 $0x11  }
0x143: {  	_ =	swait.ge @!p0 [sflag:s0], s1  }
0x144: {  	s1 =	ssub.s32 @!p0 $0x0, s1;
	[sflag:s0] =	ssyncset.done @!p0 $0x0  }
0x145: {  	[sflag:s0] =	ssyncadd.s32 @!p0 s1  }
0x146: {  	[bflag:$0x3] =	sbarrier.arrive $0xFFFF  }
0x147: {  	_ =	shalt  }

// kernel: sparse-core-data-format-call.cloned.1.call-start
scs
called_computation_lowered:
.L_overlay_start_0:
0x0: {  	s2 =	sld [smem:$0x3FD9]  }
0x1: {  	s3 =	sld [smem:$0x3FFE];
	_ =	sdelay $0x1  }
0x2: {  	s1 =	srdreg.scid  }
0x3: {  	s0 =	sand.u32 $0x1, s1  }
0x4: {  	s18 =	sshll.u32 s0, $0xA;
	s2 =	sadd.s32 s3, s2  }
0x5: {  	s2 =	sadd.s32 s2, s18  }
0x6: {  	[smem:$0x3FC6] =	sst s2  }
0x7: {  	_ = 	snop  }
0x8: {  	s2 =	sld [smem:$0x3FD0];
	(tm) =	ssettm $0x1  }
0x9: {  	s19 =	sld [smem:$0x3FFB];
	_ =	sdelay $0x3  }
0xa: {  	_ =	strace s19  }
0xb: {  	s3 =	sld [smem:$0x3FFC];
	_ =	sdelay $0x3  }
0xc: {  	_ =	strace s3  }
0xd: {  	s3 =	sld [smem:$0x3FFD];
	_ =	sdelay $0x3  }
0xe: {  	_ =	strace s3  }
0xf: {  	_ =	strace $0x8FFFFFFF  }
0x10: {  	s20 =	sld [smem:$0x3FDB];
	_ =	sdelay $0x1  }
0x11: {  	s4 =	simm.s32 $_scs_section_size  }
0x12: {  	s5 =	simm.s32 $_size__tile_overlayer_lowered;
	s6 =	simm.s32 $_tile_overlayer_lowered  }
0x13: {  	s23 =	simm.s32 $0x1BFF;
	s22 =	sshll.u32 s6, $0x1;
	s3 =	sadd.s32 s4, s20  }
0x14: {  	s7 =	simm.s32 $0x0;
	s21 =	sshll.u32 s5, $0x1;
	s5 =	sadd.s32 s22, s3  }
0x15: {  	[timem:s7], [sflag:s23] =	dma.local [hbm:s5], s21  }
0x16: {  	_ =	swait.ge [sflag:s23], s21  }
0x17: {  	s4 =	ssub.s32 $0x0, s21;
	[sflag:s23] =	ssyncset.done $0x0  }
0x18: {  	[sflag:s23] =	ssyncadd.s32 s4;
	_ =	sdelay $0x1  }
0x19: {  	s24 =	simm.s32 $0x1B8B  }
0x1a: {  	_ =	swait.ge [sflag:s24], $0x1  }
0x1b: {  	[sflag:s24] =	ssyncset.done $0x0  }
0x1c: {  	s26 =	simm.s32 $0x1B8E;
	s25 =	sld [smem:$0x3FFE];
	[sflag:s24] =	ssyncadd.s32 $0xFFFFFFFF  }
0x1d: {  	s27 =	simm.s32 $execute0_lowered;
	[smem:$0x3FD2] =	sst s26  }
0x1e: {  	s5 =	sshll.u32 s27, $0x1;
	_ =	strace $0x80000049;
	[dreg:$0x1] =	wrdreg $0xFFFFFFFF  }
0x1f: {  	s28 =	simm.s32 $_size_execute0_lowered;
	s3 =	sadd.s32 s3, s5;
	[dreg:$0x0] =	wrdreg $0x0  }
0x20: {  	s5 =	sshll.u32 s28, $0x1;
	[dreg:$0x2] =	wrdreg s3  }
0x21: {  	[dreg:$0x3] =	wrdreg s5  }
0x22: {  	[dreg:$0x4] =	wrdreg $0xC0  }
0x23: {  	_ =	task [dreg:s7], $0x5FFFF  }
0x24: {  	[dreg:$0x1] =	wrdreg $0xFFFFFFFF  }
0x25: {  	[dreg:$0x0] =	wrdreg $0x60  }
0x26: {  	[dreg:$0x2] =	wrdreg s25  }
0x27: {  	[dreg:$0x3] =	wrdreg s2  }
0x28: {  	[dreg:$0x4] =	wrdreg $0x9  }
0x29: {  	_ =	task.clear_ibuf [dreg:s7], $0x5FFFF;
	_ =	strace $0x90000049  }
0x2a: {  	s29 =	simm.s32 $0x9;
	_ =	strace $0x8000004B  }
0x2b: {  	_ =	swait.ge [sflag:s29], $0x1  }
0x2c: {  	[sflag:s29] =	ssyncadd.s32 $0xFFFFFFFF  }
0x2d: {  	_ =	strace $0x9000004B  }
0x2e: {  	_ =	sfence  }
0x2f: {  	s30 =	sld [smem:$0x0];
	_ =	sdelay $0x2  }
0x30: {  	s31 =	sshll.u32 s1, $0xD;
	s1 =	sshrl.u32 s1, $0x2  }
0x31: {  	s3 =	sand.u32 $0x4000, s31;
	s1 =	sadd.s32 s1, s30  }
0x32: {  	s0 =	sor.u32 s3, s0;
	s1 =	sshll.u32 s1, $0x11  }
0x33: {  	s0 =	sor.u32 s1, s0  }
0x34: {  	s0 =	sadd.s32 $0x8F2B, s0  }
0x35: {  	[sflag:s0] =	ssyncadd.remote.s32 $0x1  }
0x36: {  	_ =	sfence.sel $0xFFFF  }
0x37: {  	[dreg:$0x0] =	wrdreg $0xFFFFFFFF;
	(pc) =	sbr.abs _section_cstart, $3  }
0x38: {  	[dreg:$0x1] =	wrdreg $0xFFFFFFFF  }
0x39: {  	_ =	task.clear_ibuf [dreg:s7], $0x2FFFF;
	_ =	strace $0x9FFFFFFF  }
0x3a: {  	(tm) =	ssettm $0x7FFFFFFF  }
0x3b: {  	_ =	shalt  }
tec
execute0_lowered:
.L_overlay_start_1:
0x0: {  	(tag) =	ssettag $0x1  }
0x1: {  	s0 =	srdreg.scid  }
0x2: {  	s1 =	sshll.u32 s0, $0x4  }
0x3: {  	s0 =	stileid.u32;
	s1 =	sand.u32 $0x10, s1  }
0x4: {  	s1 =	sor.u32 s0, s1  }
0x5: {  	s6 =	rddreg [dreg:$0x0];
	s4 =	simm.s32 $0x1;
	s2 =	sshll.u32 s1, $0x7  }
0x6: {  	s7 =	simm.s32 $0x2;
	s12 =	simm.s32 $0x0;
	s1 =	ssub.s32 $0x4000, s2  }
0x7: {  	s8 =	simm.s32 $0x20000;
	s13 =	simm.s32 $0x0;
	s3 =	sand.u32 $0xF80, s1  }
0x8: {  	s9 =	simm.s32 $0x0;
	s5 =	sshrl.u32 s1, $0xC;
	p0 =	sne.s32 s3, $0x0  }
.Ltmp0:
0x9: {  	s1 =	rddreg [dreg:$0x2];
	s4 =	simm.s32 @!p0 $0x0;
	(pc) =	sbr.rel .LBB1_1-.Ltmp0, $4  }
0xa: {  	s11 =	simm.s32 $0x0;
	s3 =	rddreg [dreg:$0x1];
	s5 =	sadd.s32 s4, s5  }
0xb: {  	_ =	strace $0x8000004A;
	s4 =	simm.s32 $0x1;
	s5 =	smul.u32 $0x1A, s5  }
0xc: {  	s6 =	sadd.s32 $0xA00, s6;
	s10 =	smov.u32 s2;
	[sflag:s4] =	ssyncpa.u1 $0x0  }
0xd: {  	p0 =	por $0x0, $0x0;
	[sflag:s7] =	ssyncpa.u1 $0x0;
	s7 =	sor.u32 $0x1, s5  }
.LBB1_4:
0xe: {  	s16 =	sshll.u32 s13, $0x3;
	s17 =	sand.u32 $0x78, s13  }
0xf: {  	s30 =	sand.u32 $0x1F800, s13;
	s12 =	sshll.u32 s12, $0x11;
	s16 =	sand.u32 $0x3C00, s16  }
0x10: {  	[tilespmem:s15+$0x810 ss:$0x81] =	vst.msk $0xffff, v2;
	s31 =	sand.u32 $0x7, s13;
	s16 =	sor.u32 s17, s16;
	s17 =	sadd.s32 s3, s30  }
0x11: {  	[tilespmem:s15+$0x1020 ss:$0x81] =	vst.msk $0xffff, v0;
	s13 =	sshll.u32 s31, $0x12;
	s12 =	sadd.s32 s12, s17;
	s16 =	sshrl.u32 s16, $0x3  }
0x12: {  	[tilespmem:s15+$0x0 ss:$0x81] =	vst.msk $0xffff, v1;
	s13 =	sor.u32 $0x400, s13;
	s12 =	sadd.s32 s16, s12  }
0x13: {  	[hbm4b:s12+s13] =	stream.strided.scatter [tilespmem:s14], [sflag:$0x2], $0x2000, s8, s13, $0x20;
	[tilespmem:$0x8080] =	vst v63  }
.LBB1_5:
0x14: {  	s14 =	sadd.s32 $0x1, s9  }
0x15: {  	s12 =	sadd.s32 $0x1000, s10;
	s16 =	smov.u32 s10;
	p2 =	sgt.s32 s14, $0x19  }
0x16: {  	s16 =	smov.u32 @p2 s12  }
0x17: {  	s14 =	simm.s32 @p2 $0x0;
	p2 =	sgt.s32 s16, $0x3FFF  }
0x18: {  	s16 =	smov.u32 @p2 s2;
	p2 =	sne.s32 s11, s7  }
.Ltmp1:
0x19: {  	p1 =	slt.u32 s11, $0x2;
	(pc) =	sbr.rel @!p2 .LBB1_6-.Ltmp1, $4  }
0x1a: {  	s15 =	simm.s32 @!p1 $0x2  }
0x1b: {  	s13 =	smov.u32 s10;
	p0 =	por !p0, !p0;
	_ =	swait.ge @!p1 [sflag:s15], $0x2000  }
0x1c: {  	s12 =	smov.u32 s9;
	[sflag:s15] =	ssyncset.done @!p1 $0x0;
	s9 =	smov.u32 s14  }
0x1d: {  	s11 =	sadd.s32 $0x1, s11;
	[sflag:s15] =	ssyncadd.s32 @!p1 $0xFFFFE000;
	s10 =	smov.u32 s16  }
.LBB1_1:
0x1e: {  	p1 =	sge.u32 s11, s5  }
0x1f: {  	s31 =	sadd.s32 $0xFFFFFFFF, s11;
	s14 =	sxor.u32 @!p1 $0xFFFFFFFF, s11  }
0x20: {  	s15 =	sshll.u32 @!p1 s10, $0x9;
	s16 =	sshll.u32 @!p1 s9, $0x4;
	s17 =	simm.s32 @!p1 $0x1000  }
0x21: {  	s14 =	sshll.u32 @!p1 s14, $0xD;
	s16 =	sand.u32 @!p1 $0x1F0, s16;
	s15 =	sadd.s32 @!p1 s6, s15  }
0x22: {  	s14 =	sand.u32 @!p1 $0x2000, s14;
	s15 =	sadd.s32 @!p1 s16, s15;
	s16 =	simm.s32 @!p1 $0x40  }
0x23: {  	[tilespmem:s14], [sflag:$0x1] =	stream.strided.gather @!p1 [hbm4b:s15+s16], $0x2000, s17, s16, $0x38;
	[tilespmem:$0x8080] =	vst v63  }
0x24: {  	p1 =	sge.u32 s31, s5  }
.Ltmp2:
0x25: {  	_ = 	snop;
	(pc) =	sbr.rel @p1 .LBB1_5-.Ltmp2, $1  }
0x26: {  	_ =	sdelay $0x3  }
0x27: {  	s14 =	simm.s32 $0x1  }
0x28: {  	_ =	swait.ge [sflag:s4], $0x2000;
	s14 =	simm.s32 @!p0 $0x0  }
0x29: {  	[sflag:s4] =	ssyncset.done $0x0;
	s15 =	sshll.u32 s14, $0xD  }
0x2a: {  	[sflag:s4] =	ssyncadd.s32 $0xFFFFE000;
	s18 =	sor.u32 $0x20, s15  }
0x2b: {  	s14 =	smul.u32 $0x8100, s14;
	v3 =	vld [tilespmem:s18+$0x10]  }
0x2c: {  	s30 =	sand.u32 $0x1, s11;
	v2 =	vld [tilespmem:s18+$0xFFFFFFF0]  }
0x2d: {  	s15 =	smul.u32 $0x8100, s30;
	s14 =	sshrl.u32 s14, $0x2;
	v0 =	vld [tilespmem:s18+$0x0]  }
0x2e: {  	v1 =	vld [tilespmem:s18+$0xFFFFFFE0];
	s16 =	sor.u32 $0x4000, s14  }
0x2f: {  	s31 =	sshrl.u32 s15, $0x2;
	s15 =	sadd.s32 $0x0, s16  }
0x30: {  	s17 =	simm.s32 $0x4;
	s18 =	sadd.s32 $0x40, s18;
	s14 =	sor.u32 $0x4000, s31;
	[tilespmem:s15+$0x1830 ss:$0x81] =	vst.msk $0xffff, v3  }
.LBB1_3:
0x31: {  	v3 =	vld [tilespmem:s18+$0x10];
	p1 =	sne.s32 s17, $0x1FC;
	[tilespmem:s15+$0x810 ss:$0x81] =	vst.msk $0xffff, v2;
	s19 =	smov.u32 s17;
	s17 =	sadd.s32 $0x4, s17  }
.Ltmp3:
0x32: {  	v2 =	vld [tilespmem:s18+$0xFFFFFFF0];
	[tilespmem:s15+$0x1020 ss:$0x81] =	vst.msk $0xffff, v0;
	(pc) =	sbr.rel @p1 .LBB1_3-.Ltmp3, $4  }
0x33: {  	v0 =	vld [tilespmem:s18+$0x0];
	[tilespmem:s15+$0x0 ss:$0x81] =	vst.msk $0xffff, v1  }
0x34: {  	s15 =	sshra.s32 s19, $0x2;
	v1 =	vld [tilespmem:s18+$0xFFFFFFE0]  }
0x35: {  	s15 =	sadd.s32 s15, s16  }
0x36: {  	s18 =	sadd.s32 $0x40, s18;
	[tilespmem:s15+$0x1830 ss:$0x81] =	vst.msk $0xffff, v3  }
.Ltmp4:
0x37: {  	_ = 	snop;
	(pc) =	sbr.rel .LBB1_4-.Ltmp4, $1  }
0x38: {  	_ =	sdelay $0x3  }
.LBB1_6:
0x39: {  	_ =	sfence.sel $0x180000  }
0x3a: {  	s2 =	simm.s32 $0x1;
	[bflag:$0x0] =	sbarrier.arrive $0xFFFF  }
0x3b: {  	s31 =	simm.s32 $0x2;
	[sflag:s2] =	ssyncpa.u1 $0x1  }
0x3c: {  	[sflag:s31] =	ssyncpa.u1 $0x1  }
0x3d: {  	p0 =	sne.s32 s0, $0x0;
	_ =	strace $0x9000004A  }
0x3e: {  	s0 =	sadd.s32 @!p0 $0x100000, s1;
	[bflag:$0x2] =	sbarrier.arrive $0xFFFF  }
0x3f: {  	[sflag:s0] =	ssyncadd.tile.s32 @!p0 $0x1;
	_ =	shalt  }
.Lfunc_end1:
_tile_overlayer_lowered:
.L_overlay_start_2:
0x40: {  	(tag) =	ssettag $0x2  }
0x41: {  	s0 =	rddreg [dreg:$0x0];
	s2 =	stileid.u32  }
0x42: {  	s1 =	rddreg [dreg:$0x1];
	p0 =	sne.s32 s2, $0x0  }
0x43: {  	s3 =	rddreg [dreg:$0x2];
	[bflag:$0x3] =	sbarrier.arrive $0xFFFF;
	s2 =	simm.s32 @!p0 $0x1C01  }
0x44: {  	[timem:s3], [sflag:s2] =	dma.local @!p0 [hbm:s0], s1  }
0x45: {  	s0 =	simm.s32 @!p0 $0x1  }
0x46: {  	_ =	swait.ge @!p0 [sflag:s0], s1  }
0x47: {  	s1 =	ssub.s32 @!p0 $0x0, s1;
	[sflag:s0] =	ssyncset.done @!p0 $0x0  }
0x48: {  	[sflag:s0] =	ssyncadd.s32 @!p0 s1  }
0x49: {  	[bflag:$0x3] =	sbarrier.arrive $0xFFFF  }
0x4a: {  	_ =	shalt  }

</sc_bundles>
